<compile_context>
chip_gen: v7x
topology: tpu7x:2x2x1
jax: 0.10.2.dev20260603
libtpu: 0.0.44.dev20260713+nightly
codegen_flags: <defaults>
</compile_context>

<pallas_src>
import functools

import jax
import jax.numpy as jnp
from jax import lax
from jax.experimental import pallas as pl
from jax.experimental.pallas import tpu as pltpu
from jax.experimental.pallas import tpu_sc as plsc

_N = 10000
_E = 320000
_NIN = 128
_NHID = 128
_NOUT = 10
_VAR_EPS = 1e-4
_L = 16
_NC = 2
_NS = 16
_NW = _NC * _NS
_CB = 80
_NCHUNK = 125
_NPAIR = (_NCHUNK - 1) // 2
_EPT = _CB * _NCHUNK
_RPT = 640
_SPAD = _RPT * _NS
_NPAD = 16000
_HP = lax.Precision.HIGHEST

import numpy as _np


def _tf_rounds(x0, x1, rots):
    for r in rots:
        x0 = (x0 + x1).astype(_np.uint32)
        x1 = ((x1 << _np.uint32(r)) | (x1 >> _np.uint32(32 - r))).astype(
            _np.uint32)
        x1 = x1 ^ x0
    return x0, x1


def _threefry2x32(k1, k2, x0, x1):
    r1 = (13, 15, 26, 6)
    r2 = (17, 29, 16, 24)
    ks0 = _np.uint32(k1)
    ks1 = _np.uint32(k2)
    ks2 = ks0 ^ ks1 ^ _np.uint32(0x1BD11BDA)
    u = _np.uint32
    x0 = (x0 + ks0).astype(u)
    x1 = (x1 + ks1).astype(u)
    for i, (ka, kb, rr) in enumerate(((ks1, ks2, r1), (ks2, ks0, r2),
                                      (ks0, ks1, r1), (ks1, ks2, r2),
                                      (ks2, ks0, r1))):
        x0, x1 = _tf_rounds(x0, x1, rr)
        x0 = (x0 + ka).astype(u)
        x1 = (x1 + kb + u(i + 1)).astype(u)
    return x0, x1


def _erfinv32(u):
    w = -_np.log((1.0 - u.astype(_np.float64)) * (1.0 + u))
    p = _np.where(
        w < 5.0,
        _np.polyval([2.81022636e-08, 3.43273939e-07, -3.5233877e-06,
                     -4.39150654e-06, 0.00021858087, -0.00125372503,
                     -0.00417768164, 0.246640727, 1.50140941], w - 2.5),
        _np.polyval([-0.000200214257, 0.000100950558, 0.00134934322,
                     -0.00367342844, 0.00573950773, -0.0076224613,
                     0.00943887047, 1.00167406, 2.83297682],
                    _np.sqrt(_np.maximum(w, 5.0)) - 3.0))
    return (p * u).astype(_np.float32)


def _const_normal(seed):
    cnt = _np.arange(_N * _NOUT, dtype=_np.uint32)
    b1, b2 = _threefry2x32(0, seed, _np.zeros_like(cnt), cnt)
    bits = b1 ^ b2
    fb = (bits >> _np.uint32(9)) | _np.float32(1.0).view(_np.uint32)
    floats = fb.view(_np.float32) - _np.float32(1.0)
    lo = _np.float32(_np.nextafter(_np.float32(-1.0), _np.float32(0.0)))
    hi = _np.float32(1.0)
    uni = _np.maximum(lo, (floats * (hi - lo) + lo).astype(_np.float32))
    vals = (_np.float32(_np.sqrt(2.0)) * _erfinv32(uni)).astype(_np.float32)
    return _np.pad(vals.reshape(_N, _NOUT), ((0, 0), (0, _L - _NOUT)))


_EPS1P = _const_normal(1)
_EPS2P = _const_normal(2)


_GD = lax.GatherDimensionNumbers(
    offset_dims=(), collapsed_slice_dims=(0,), start_index_map=(0,))


def _lanesum(t):
    lanes = lax.iota(jnp.int32, _L)
    for k in (8, 4, 2, 1):
        t = t + lax.gather(t, (lanes ^ k)[:, None], _GD, slice_sizes=(1,),
                           mode=lax.GatherScatterMode.PROMISE_IN_BOUNDS)
    return t


def _bn(h, g, b):
    m = jnp.mean(h, axis=0, keepdims=True)
    v = jnp.mean((h - m) ** 2, axis=0, keepdims=True)
    return (h - m) * lax.rsqrt(v + 1e-5) * g + b


_BLK = 2000
_G = _N // _BLK


def _rowspec(width):
    return pl.BlockSpec((_BLK, width), lambda i: (i, 0))


def _fullspec(shape):
    return pl.BlockSpec(shape, lambda i: (0, 0))


def _stats(st_ref):
    m = st_ref[0:1, :] * (1.0 / _N)
    v = st_ref[1:2, :] * (1.0 / _N) - m * m
    return m, lax.rsqrt(v + 1e-5)


def _enc_a_body(x_ref, bif_ref, w0x_ref, w0c_ref, p0_ref,
                hpre_ref, rsum_ref, st_ref, acc):
    i = pl.program_id(0)

    @pl.when(i == 0)
    def _():
        acc[...] = jnp.zeros_like(acc)

    x = x_ref[...]
    xl = jnp.log1p(x)
    sel = jnp.where(bif_ref[...] == 0, w0c_ref[0:1, :], w0c_ref[1:2, :])
    hp = jnp.dot(xl, w0x_ref[...], precision=_HP) + sel + p0_ref[0:1, :]
    hpre_ref[...] = hp
    rsum_ref[...] = jnp.broadcast_to(
        jnp.sum(x, axis=1, keepdims=True), (_BLK, _L))
    acc[0:1, :] = acc[0:1, :] + jnp.sum(hp, axis=0, keepdims=True)
    acc[1:2, :] = acc[1:2, :] + jnp.sum(hp * hp, axis=0, keepdims=True)

    @pl.when(i == _G - 1)
    def _():
        st_ref[...] = acc[...]


def _enc_b_body(hpre_ref, bif_ref, st0_ref, p0_ref, w1x_ref, w1c_ref, p1_ref,
                qpre_ref, st_ref, acc):
    i = pl.program_id(0)

    @pl.when(i == 0)
    def _():
        acc[...] = jnp.zeros_like(acc)

    m0, r0 = _stats(st0_ref)
    h = jax.nn.relu((hpre_ref[...] - m0) * r0 * p0_ref[1:2, :]
                    + p0_ref[2:3, :])
    sel = jnp.where(bif_ref[...] == 0, w1c_ref[0:1, :], w1c_ref[1:2, :])
    qp = jnp.dot(h, w1x_ref[...], precision=_HP) + sel + p1_ref[0:1, :]
    qpre_ref[...] = qp
    acc[0:1, :] = acc[0:1, :] + jnp.sum(qp, axis=0, keepdims=True)
    acc[1:2, :] = acc[1:2, :] + jnp.sum(qp * qp, axis=0, keepdims=True)

    @pl.when(i == _G - 1)
    def _():
        st_ref[...] = acc[...]


def _enc_c_body(qpre_ref, st1_ref, p1_ref, whead_ref, hb_ref, attab_ref,
                eps1_ref, tabs_ref, z_ref, attp_ref, acc):
    i = pl.program_id(0)

    @pl.when(i == 0)
    def _():
        acc[...] = jnp.zeros_like(acc)

    m1, r1 = _stats(st1_ref)
    q = jax.nn.relu((qpre_ref[...] - m1) * r1 * p1_ref[1:2, :]
                    + p1_ref[2:3, :])
    heads = jnp.dot(q, whead_ref[...], precision=_HP)
    col = lax.broadcasted_iota(jnp.int32, (1, 128), 1)
    t4 = jnp.concatenate(
        [heads[:, 32:96], jnp.zeros((_BLK, 64), jnp.float32)], axis=1)
    tabs_ref[...] = jnp.where((col == 10) | (col == 42), 1.0, t4)
    qm = heads[:, 0:16] + hb_ref[0:1, :]
    qv = jnp.exp(heads[:, 16:32] + hb_ref[1:2, :]) + _VAR_EPS
    z_ref[...] = qm + jnp.sqrt(qv) * eps1_ref[...]
    acc[0:1, :] = jnp.maximum(
        acc[0:1, :], jnp.max(jnp.abs(heads), axis=0, keepdims=True))

    @pl.when(i == _G - 1)
    def _():
        cm = acc[0:1, :]
        am = jnp.abs(attab_ref[0:1, :])
        av = jnp.abs(attab_ref[1:2, :])
        bm = jnp.sum((cm[:, 32:48] + cm[:, 48:64]) * am)
        bv = jnp.sum((cm[:, 64:80] + cm[:, 80:96]) * av)
        attw = jnp.concatenate(
            [attab_ref[...], jnp.zeros((2, 112), jnp.float32)], axis=1)
        rowid = lax.broadcasted_iota(jnp.int32, (8, 128), 0)
        bnds = jnp.where(rowid < 3, bm, bv)
        attp_ref[...] = jnp.where(
            rowid == 0, attw[0:1, :],
            jnp.where(rowid == 1, attw[1:2, :],
                      jnp.where(rowid < 4, bnds, 0.0)))


def _encode(x, bif, w0x, w0c, p0, w1x, w1c, p1, whead, hb, attab, eps1p):
    f32 = jnp.float32
    sds = jax.ShapeDtypeStruct
    hpre, rsum, st0 = pl.pallas_call(
        _enc_a_body,
        grid=(_G,),
        in_specs=[_rowspec(128), _rowspec(1), _fullspec((128, 128)),
                  _fullspec((2, 128)), _fullspec((3, 128))],
        out_specs=[_rowspec(128), _rowspec(_L), _fullspec((8, 128))],
        out_shape=[sds((_N, 128), f32), sds((_N, _L), f32),
                   sds((8, 128), f32)],
        scratch_shapes=[pltpu.VMEM((8, 128), f32)],
    )(x, bif, w0x, w0c, p0)
    qpre, st1 = pl.pallas_call(
        _enc_b_body,
        grid=(_G,),
        in_specs=[_rowspec(128), _rowspec(1), _fullspec((8, 128)),
                  _fullspec((3, 128)), _fullspec((128, 128)),
                  _fullspec((2, 128)), _fullspec((3, 128))],
        out_specs=[_rowspec(128), _fullspec((8, 128))],
        out_shape=[sds((_N, 128), f32), sds((8, 128), f32)],
        scratch_shapes=[pltpu.VMEM((8, 128), f32)],
    )(hpre, bif, st0, p0, w1x, w1c, p1)
    tabs, z, attp = pl.pallas_call(
        _enc_c_body,
        grid=(_G,),
        in_specs=[_rowspec(128), _fullspec((8, 128)), _fullspec((3, 128)),
                  _fullspec((128, 128)), _fullspec((2, 16)),
                  _fullspec((2, 16)), _rowspec(_L)],
        out_specs=[_rowspec(128), _rowspec(_L), _fullspec((8, 128))],
        out_shape=[sds((_SPAD, 128), f32), sds((_N, _L), f32),
                   sds((8, 128), f32)],
        scratch_shapes=[pltpu.VMEM((8, 128), f32)],
    )(qpre, st1, p1, whead, hb, attab, eps1p)
    return tabs, z, rsum, attp


def _gat_body(edge_hbm, xt_hbm, attp_hbm, out_hbm,
              src_v, dst_v, ra0, ra1, ra2, ra3, rb0, rb1, rb2, rb3,
              zbuf, attp_v, xlm_sh, xrm_sh, xlv_sh, xrv_sh, accm, accv, sem):
    c = lax.axis_index("c")
    s = lax.axis_index("s")
    wid = c * _NS + s
    pltpu.sync_copy(attp_hbm, attp_v)
    attm_v = attp_v[0, 0:16]
    attv_v = attp_v[1, 0:16]
    bm_v = attp_v[2, 0:16]
    bv_v = attp_v[3, 0:16]
    row0 = s * _RPT
    st = pl.ds(row0, _RPT)
    pltpu.sync_copy(xt_hbm.at[st, pl.ds(0, 16)], xlm_sh.at[st])
    pltpu.sync_copy(xt_hbm.at[st, pl.ds(16, 16)], xrm_sh.at[st])
    pltpu.sync_copy(xt_hbm.at[st, pl.ds(32, 16)], xlv_sh.at[st])
    pltpu.sync_copy(xt_hbm.at[st, pl.ds(48, 16)], xrv_sh.at[st])

    def _z(i, carry):
        zbuf[i, :] = jnp.zeros((_L,), jnp.float32)
        return carry

    lax.fori_loop(0, _RPT, _z, 0)
    pltpu.sync_copy(zbuf, accm.at[st])
    pltpu.sync_copy(zbuf, accv.at[st])
    pltpu.sync_copy(edge_hbm.at[0, wid], src_v)
    pltpu.sync_copy(edge_hbm.at[1, wid], dst_v)
    plsc.subcore_barrier()

    def _issue(j, rl_m, rr_m, rl_v, rr_v):
        sidx = src_v.at[j]
        didx = dst_v.at[j]
        pltpu.async_copy(xlm_sh.at[sidx], rl_m, sem)
        pltpu.async_copy(xrm_sh.at[didx], rr_m, sem)
        pltpu.async_copy(xlv_sh.at[sidx], rl_v, sem)
        pltpu.async_copy(xrv_sh.at[didx], rr_v, sem)

    def _drain(*bufs):
        for b in bufs:
            pltpu.make_async_copy(
                xt_hbm.at[pl.ds(0, _CB), pl.ds(0, 16)], b, sem).wait()

    def _compute(rl_m, rr_m, rl_v, rr_v):
        @plsc.parallel_loop(0, _CB, 1, unroll=4)
        def _(k):
            a_m = rl_m[k, :]
            b_m = rr_m[k, :]
            mm = a_m + b_m
            lrm = jnp.maximum(mm, mm * 0.2)
            eem = jnp.exp(_lanesum(lrm * attm_v) - bm_v)
            rl_m[k, :] = a_m * eem
            a_v = rl_v[k, :]
            b_v = rr_v[k, :]
            mv = a_v + b_v
            lrv = jnp.maximum(mv, mv * 0.2)
            eev = jnp.exp(_lanesum(lrv * attv_v) - bv_v)
            rl_v[k, :] = a_v * eev

    def _scatter(j, rl_m, rl_v):
        didx = dst_v.at[j]
        pltpu.sync_copy(rl_m, accm.at[didx], add=True)
        pltpu.sync_copy(rl_v, accv.at[didx], add=True)

    _issue(0, ra0, ra1, ra2, ra3)

    def _pair(p, carry):
        j0 = 2 * p
        _issue(j0 + 1, rb0, rb1, rb2, rb3)
        _drain(ra0, ra1, ra2, ra3)
        _compute(ra0, ra1, ra2, ra3)
        _scatter(j0, ra0, ra2)
        _issue(j0 + 2, ra0, ra1, ra2, ra3)
        _drain(rb0, rb1, rb2, rb3)
        _compute(rb0, rb1, rb2, rb3)
        _scatter(j0 + 1, rb0, rb2)
        return carry

    lax.fori_loop(0, _NPAIR, _pair, 0)
    _drain(ra0, ra1, ra2, ra3)
    _compute(ra0, ra1, ra2, ra3)
    _scatter(_NCHUNK - 1, ra0, ra2)
    plsc.subcore_barrier()
    out_row = c * _NPAD + row0
    pltpu.sync_copy(accm.at[st], out_hbm.at[pl.ds(out_row, _RPT), pl.ds(0, 16)])
    pltpu.sync_copy(accv.at[st], out_hbm.at[pl.ds(out_row, _RPT), pl.ds(16, 16)])


def _gat_call(edges, tabs, attp):
    f32 = jnp.float32
    i32 = jnp.int32
    run = functools.partial(
        pl.kernel,
        mesh=plsc.VectorSubcoreMesh(core_axis_name="c", subcore_axis_name="s"),
        compiler_params=pltpu.CompilerParams(use_tc_tiling_on_sc=False),
        out_type=jax.ShapeDtypeStruct((_NC * _NPAD, 128), f32),
        scratch_types=(
            [pltpu.VMEM((_NCHUNK, _CB), i32),
             pltpu.VMEM((_NCHUNK, _CB), i32)]
            + [pltpu.VMEM((_CB, _L), f32) for _ in range(8)]
            + [pltpu.VMEM((_RPT, _L), f32),
               pltpu.VMEM((8, 128), f32),
               pltpu.VMEM_SHARED((_SPAD, _L), f32),
               pltpu.VMEM_SHARED((_SPAD, _L), f32),
               pltpu.VMEM_SHARED((_SPAD, _L), f32),
               pltpu.VMEM_SHARED((_SPAD, _L), f32),
               pltpu.VMEM_SHARED((_SPAD, _L), f32),
               pltpu.VMEM_SHARED((_SPAD, _L), f32),
               pltpu.SemaphoreType.DMA]
        ),
    )(_gat_body)
    return run(edges, tabs, attp)


def _dec_a_body(lo_ref, hi_ref, z_ref, bif_ref, gb_ref,
                eps2_ref, wd0z_ref, wd0c_ref, pd_ref,
                hpre_ref, st_ref, acc):
    i = pl.program_id(0)

    @pl.when(i == 0)
    def _():
        acc[...] = jnp.zeros_like(acc)

    lo = lo_ref[...]
    hi = hi_ref[...]
    nm = lo[:, 0:16] + hi[:, 0:16]
    nv = lo[:, 16:32] + hi[:, 16:32]
    qm = nm / (nm[:, 10:11] + 1e-16) + gb_ref[0:1, :]
    qv = jnp.exp(nv / (nv[:, 10:11] + 1e-16) + gb_ref[1:2, :]) + _VAR_EPS
    zg = qm + jnp.sqrt(qv) * eps2_ref[...]
    zall = jnp.concatenate([zg, z_ref[...]], axis=1)
    seld = jnp.where(bif_ref[...] == 0, wd0c_ref[0:1, :], wd0c_ref[1:2, :])
    hp = jnp.dot(zall, wd0z_ref[...], precision=_HP) + seld + pd_ref[0:1, :]
    hpre_ref[...] = hp
    acc[0:1, :] = acc[0:1, :] + jnp.sum(hp, axis=0, keepdims=True)
    acc[1:2, :] = acc[1:2, :] + jnp.sum(hp * hp, axis=0, keepdims=True)

    @pl.when(i == _G - 1)
    def _():
        st_ref[...] = acc[...]


def _dec_b_body(hpre_ref, std_ref, pd_ref, wsc_ref, bsc_ref, wdr_ref,
                bdr_ref, rsum_ref, ps_ref, pr_ref, pdo_ref):
    md, rd = _stats(std_ref)
    hd = jax.nn.relu((hpre_ref[...] - md) * rd * pd_ref[1:2, :]
                     + pd_ref[2:3, :])
    psl = jnp.dot(hd, wsc_ref[...], precision=_HP) + bsc_ref[...]
    psl = psl - jnp.max(psl, axis=1, keepdims=True)
    epl = jnp.exp(psl)
    ps = epl / jnp.sum(epl, axis=1, keepdims=True)
    ps_ref[...] = ps
    pr_ref[...] = rsum_ref[:, 0:1] * ps
    pdo_ref[...] = jnp.dot(hd, wdr_ref[...], precision=_HP) + bdr_ref[...]


def _decode(out, z, rsum, bif, gb, eps2p, wd0z, wd0c, pd, wsc, bsc,
            wdr, bdr):
    f32 = jnp.float32
    sds = jax.ShapeDtypeStruct
    off = _NPAD // _BLK
    hispec = pl.BlockSpec((_BLK, 128), lambda i: (i + off, 0))
    hpre, std = pl.pallas_call(
        _dec_a_body,
        grid=(_G,),
        in_specs=[_rowspec(128), hispec,
                  _rowspec(_L), _rowspec(1), _fullspec((2, 16)),
                  _rowspec(_L), _fullspec((32, 128)), _fullspec((2, 128)),
                  _fullspec((3, 128))],
        out_specs=[_rowspec(128), _fullspec((8, 128))],
        out_shape=[sds((_N, 128), f32), sds((8, 128), f32)],
        scratch_shapes=[pltpu.VMEM((8, 128), f32)],
    )(out, out, z, bif, gb, eps2p, wd0z, wd0c, pd)
    return pl.pallas_call(
        _dec_b_body,
        grid=(_G,),
        in_specs=[_rowspec(128), _fullspec((8, 128)), _fullspec((3, 128)),
                  _fullspec((128, 128)), _fullspec((1, 128)),
                  _fullspec((128, 128)), _fullspec((1, 128)), _rowspec(_L)],
        out_specs=[_rowspec(128), _rowspec(128), _rowspec(128)],
        out_shape=[sds((_N, 128), f32), sds((_N, 128), f32),
                   sds((_N, 128), f32)],
    )(hpre, std, pd, wsc, bsc, wdr, bdr, rsum)


def kernel(x, batch_index, edge_index, W0, b0, g0, be0, W1, b1, g1, be1, Wm,
           bm, Wv, bv, Wlm, Wrm, attm, biasm, Wlv, Wrv, attv, biasv, Wd0, bd0,
           gd0, bed0, Wscale, bscale, Wdrop, bdrop, px_r):
    f32 = jnp.float32

    def padw(w):
        return jnp.pad(w.T, ((0, 0), (0, _L - _NOUT)))

    def padv(v):
        return jnp.pad(v, (0, _L - _NOUT)).reshape(1, _L)

    bif = batch_index
    w0x = W0[:, :_NIN].T
    w0c = W0[:, _NIN:].T
    p0 = jnp.stack([b0, g0, be0])
    w1x = W1[:, :_NHID].T
    w1c = W1[:, _NHID:].T
    p1 = jnp.stack([b1, g1, be1])
    whead = jnp.concatenate(
        [padw(Wm), padw(Wv), padw(Wlm), padw(Wrm), padw(Wlv), padw(Wrv),
         jnp.zeros((_NHID, 128 - 6 * _L), f32)], axis=1)
    hb = jnp.concatenate([padv(bm), padv(bv)], axis=0)
    attab = jnp.concatenate([padv(attm), padv(attv)], axis=0)
    eps1p = jnp.asarray(_EPS1P)
    tabs, z, rsum, attp = _encode(
        x, bif, w0x, w0c, p0, w1x, w1c, p1, whead, hb, attab, eps1p)

    edges = edge_index.reshape(2, _NW, _NCHUNK, _CB)
    out = _gat_call(edges, tabs, attp)

    gb = jnp.concatenate([padv(biasm), padv(biasv)], axis=0)
    eps2p = jnp.asarray(_EPS2P)
    wd0z = jnp.concatenate(
        [jnp.pad(Wd0[:, :_NOUT].T, ((0, _L - _NOUT), (0, 0))),
         jnp.pad(Wd0[:, _NOUT:2 * _NOUT].T, ((0, _L - _NOUT), (0, 0)))],
        axis=0)
    wd0c = Wd0[:, 2 * _NOUT:].T
    pd = jnp.stack([bd0, gd0, bed0])
    ps, pr, pdo = _decode(out, z, rsum, bif, gb, eps2p, wd0z, wd0c, pd,
                          Wscale.T, bscale.reshape(1, -1), Wdrop.T,
                          bdrop.reshape(1, -1))
    return (ps, jnp.exp(px_r), pr, pdo)

# --- scband reference (transcript-rebuilt; emitter-appended) ---
"""Pipeline reference for scband-sim-vimodule-33517924778520 (READ-ONLY COPY).

The authoritative reference and input builder live on the scoring server;
editing this copy changes nothing except your own understanding.
"""

import jax, jax.numpy as jnp
import numpy as np

N = 10000
E = 320000
N_IN = 128
N_HID = 128
N_OUT = 10
N_BATCH = 2
VAR_EPS = 1e-4


def setup_inputs(seed: int = 0) -> dict:
    key = jax.random.key(seed)
    ks = jax.random.split(key, 32)
    s = 0.05

    def nrm(k, shape):
        return jax.random.normal(k, shape, dtype=jnp.float32) * s

    inp = {}
    inp["x"] = jax.random.uniform(ks[0], (N, N_IN), dtype=jnp.float32)
    inp["batch_index"] = jax.random.randint(ks[1], (N, 1), 0, N_BATCH)
    inp["edge_index"] = jax.random.randint(ks[2], (2, E), 0, N)
    # base encoder FCLayers (2 layers, covariates injected at every layer)
    inp["W0"] = nrm(ks[3], (N_HID, N_IN + N_BATCH)); inp["b0"] = jnp.zeros((N_HID,), jnp.float32)
    inp["g0"] = jnp.ones((N_HID,), jnp.float32); inp["be0"] = jnp.zeros((N_HID,), jnp.float32)
    inp["W1"] = nrm(ks[4], (N_HID, N_HID + N_BATCH)); inp["b1"] = jnp.zeros((N_HID,), jnp.float32)
    inp["g1"] = jnp.ones((N_HID,), jnp.float32); inp["be1"] = jnp.zeros((N_HID,), jnp.float32)
    inp["Wm"] = nrm(ks[5], (N_OUT, N_HID)); inp["bm"] = jnp.zeros((N_OUT,), jnp.float32)
    inp["Wv"] = nrm(ks[6], (N_OUT, N_HID)); inp["bv"] = jnp.zeros((N_OUT,), jnp.float32)
    # GATv2 mean head
    inp["Wlm"] = nrm(ks[7], (N_OUT, N_HID)); inp["Wrm"] = nrm(ks[8], (N_OUT, N_HID))
    inp["attm"] = nrm(ks[9], (N_OUT,)); inp["biasm"] = jnp.zeros((N_OUT,), jnp.float32)
    # GATv2 var head
    inp["Wlv"] = nrm(ks[10], (N_OUT, N_HID)); inp["Wrv"] = nrm(ks[11], (N_OUT, N_HID))
    inp["attv"] = nrm(ks[12], (N_OUT,)); inp["biasv"] = jnp.zeros((N_OUT,), jnp.float32)
    # decoder FCLayers (1 layer) + heads
    inp["Wd0"] = nrm(ks[13], (N_HID, 2 * N_OUT + N_BATCH)); inp["bd0"] = jnp.zeros((N_HID,), jnp.float32)
    inp["gd0"] = jnp.ones((N_HID,), jnp.float32); inp["bed0"] = jnp.zeros((N_HID,), jnp.float32)
    inp["Wscale"] = nrm(ks[14], (N_IN, N_HID)); inp["bscale"] = jnp.zeros((N_IN,), jnp.float32)
    inp["Wdrop"] = nrm(ks[15], (N_IN, N_HID)); inp["bdrop"] = jnp.zeros((N_IN,), jnp.float32)
    inp["px_r"] = nrm(ks[16], (N_IN,))
    return inp


def _bn(h, g, b):
    m = h.mean(0)
    v = h.var(0)
    return (h - m) / jnp.sqrt(v + 1e-5) * g + b


def _gatv2(h, src, dst, Wl, Wr, att, bias):
    xl = h @ Wl.T
    xr = h @ Wr.T
    m = xl[src] + xr[dst]
    e = jax.nn.leaky_relu(m, 0.2) @ att
    emax = jax.ops.segment_max(e, dst, num_segments=N)
    emax = jnp.where(jnp.isfinite(emax), emax, 0.0)
    ee = jnp.exp(e - emax[dst])
    den = jax.ops.segment_sum(ee, dst, num_segments=N)
    alpha = ee / (den[dst] + 1e-16)
    out = jax.ops.segment_sum(alpha[:, None] * xl[src], dst, num_segments=N)
    return out + bias


def reference(x, batch_index, edge_index, W0, b0, g0, be0, W1, b1, g1, be1, Wm, bm, Wv, bv,
              Wlm, Wrm, attm, biasm, Wlv, Wrv, attv, biasv, Wd0, bd0, gd0, bed0,
              Wscale, bscale, Wdrop, bdrop, px_r):
    oh = jax.nn.one_hot(batch_index[:, 0], N_BATCH, dtype=x.dtype)
    x_ = jnp.log1p(x)
    library = jnp.log(x.sum(1, keepdims=True))
    # base encoder
    h = jax.nn.relu(_bn(jnp.concatenate([x_, oh], 1) @ W0.T + b0, g0, be0))
    q = jax.nn.relu(_bn(jnp.concatenate([h, oh], 1) @ W1.T + b1, g1, be1))
    q_m = q @ Wm.T + bm
    q_v = jnp.exp(q @ Wv.T + bv) + VAR_EPS
    eps1 = jax.random.normal(jax.random.key(1), q_m.shape, dtype=x.dtype)
    z = q_m + jnp.sqrt(q_v) * eps1
    # GAT heads on hidden representation
    src = edge_index[0]
    dst = edge_index[1]
    qgat_m = _gatv2(q, src, dst, Wlm, Wrm, attm, biasm)
    qgat_v = jnp.exp(_gatv2(q, src, dst, Wlv, Wrv, attv, biasv)) + VAR_EPS
    eps2 = jax.random.normal(jax.random.key(2), qgat_m.shape, dtype=x.dtype)
    z_gat = qgat_m + jnp.sqrt(qgat_v) * eps2
    z_all = jnp.concatenate([z_gat, z], 1)
    # generative / DecoderSCVI
    hd = jax.nn.relu(_bn(jnp.concatenate([z_all, oh], 1) @ Wd0.T + bd0, gd0, bed0))
    px_scale = jax.nn.softmax(hd @ Wscale.T + bscale, axis=-1)
    px_dropout = hd @ Wdrop.T + bdrop
    px_rate = jnp.exp(library) * px_scale
    return (px_scale, jnp.exp(px_r), px_rate, px_dropout)

if __name__ == "__main__":
    import jax
    _d = setup_inputs()
    print(jax.jit(kernel)(*tuple(_d.values())))

</pallas_src>

<mosaic_0001>
#map = affine_map<(d0, d1) -> (0, 0, 0, 0)>
#map1 = affine_map<(d0, d1) -> (0, 0)>
module attributes {stable_mosaic.version = 14 : i64} {
  func.func @_gat_body(%arg0: i32, %arg1: i32, %arg2: memref<2x32x125x80xi32, #tpu.memory_space<hbm>>, %arg3: memref<10240x128xf32, #tpu.memory_space<hbm>>, %arg4: memref<8x128xf32, #tpu.memory_space<hbm>>, %arg5: memref<32000x128xf32, #tpu.memory_space<hbm>>, %arg6: memref<125x80xi32, #tpu.memory_space<vmem>>, %arg7: memref<125x80xi32, #tpu.memory_space<vmem>>, %arg8: memref<80x16xf32, #tpu.memory_space<vmem>>, %arg9: memref<80x16xf32, #tpu.memory_space<vmem>>, %arg10: memref<80x16xf32, #tpu.memory_space<vmem>>, %arg11: memref<80x16xf32, #tpu.memory_space<vmem>>, %arg12: memref<80x16xf32, #tpu.memory_space<vmem>>, %arg13: memref<80x16xf32, #tpu.memory_space<vmem>>, %arg14: memref<80x16xf32, #tpu.memory_space<vmem>>, %arg15: memref<80x16xf32, #tpu.memory_space<vmem>>, %arg16: memref<640x16xf32, #tpu.memory_space<vmem>>, %arg17: memref<8x128xf32, #tpu.memory_space<vmem>>, %arg18: memref<10240x16xf32, #tpu.memory_space<vmem_shared>>, %arg19: memref<10240x16xf32, #tpu.memory_space<vmem_shared>>, %arg20: memref<10240x16xf32, #tpu.memory_space<vmem_shared>>, %arg21: memref<10240x16xf32, #tpu.memory_space<vmem_shared>>, %arg22: memref<10240x16xf32, #tpu.memory_space<vmem_shared>>, %arg23: memref<10240x16xf32, #tpu.memory_space<vmem_shared>>, %arg24: memref<!tpu.dma_semaphore, #tpu.memory_space<semaphore_mem>>) attributes {dimension_semantics = [#tpu.dimension_semantics<core_parallel>, #tpu.dimension_semantics<subcore_parallel>], iteration_bounds = array<i64: 2, 16>, scalar_prefetch = 0 : i64, scratch_operands = 19 : i64, tpu.core_type = #tpu.core_type<sc_vector_subcore>, window_params = [{transform_indices = #map}, {transform_indices = #map1}, {transform_indices = #map1}, {transform_indices = #map1}]} {
    %mul3A = arith.constant 16 : i32
    %mul3A_0 = arith.muli %arg0, %mul3A : i32
    %add3A = arith.addi %mul3A_0, %arg1 : i32
    "tpu.region"() ({
      %run_scoped3A_92 = tpu.sem_alloc : memref<!tpu.dma_semaphore, #tpu.memory_space<semaphore_mem>>
      tpu.enqueue_dma source(%arg4 : memref<8x128xf32, #tpu.memory_space<hbm>>) target(%arg17 : memref<8x128xf32, #tpu.memory_space<vmem>>) target_semaphore(%run_scoped3A_92 : memref<!tpu.dma_semaphore, #tpu.memory_space<semaphore_mem>>)
      tpu.wait_dma2 semaphore(%run_scoped3A_92 : memref<!tpu.dma_semaphore, #tpu.memory_space<semaphore_mem>>) src(%arg4 : memref<8x128xf32, #tpu.memory_space<hbm>>) dst(%arg17 : memref<8x128xf32, #tpu.memory_space<vmem>>)
      tpu.yield
    }) : () -> ()
    %get3A = arith.constant 0 : i32
    %get3A_1 = arith.index_cast %get3A : i32 to index
    %get3A_2 = arith.constant 0 : index
    %get3A_3 = tpu.vector_load %arg17[%get3A_1, %get3A_2] {strides = array<i32>} : memref<8x128xf32, #tpu.memory_space<vmem>>, vector<1x16xf32>,
    %get3A_4 = vector.shape_cast %get3A_3 : vector<1x16xf32> to vector<16xf32>
    %get3A_5 = arith.constant 1 : i32
    %get3A_6 = arith.index_cast %get3A_5 : i32 to index
    %get3A_7 = arith.constant 0 : index
    %get3A_8 = tpu.vector_load %arg17[%get3A_6, %get3A_7] {strides = array<i32>} : memref<8x128xf32, #tpu.memory_space<vmem>>, vector<1x16xf32>,
    %get3A_9 = vector.shape_cast %get3A_8 : vector<1x16xf32> to vector<16xf32>
    %get3A_10 = arith.constant 2 : i32
    %get3A_11 = arith.index_cast %get3A_10 : i32 to index
    %get3A_12 = arith.constant 0 : index
    %get3A_13 = tpu.vector_load %arg17[%get3A_11, %get3A_12] {strides = array<i32>} : memref<8x128xf32, #tpu.memory_space<vmem>>, vector<1x16xf32>,
    %get3A_14 = vector.shape_cast %get3A_13 : vector<1x16xf32> to vector<16xf32>
    %get3A_15 = arith.constant 3 : i32
    %get3A_16 = arith.index_cast %get3A_15 : i32 to index
    %get3A_17 = arith.constant 0 : index
    %get3A_18 = tpu.vector_load %arg17[%get3A_16, %get3A_17] {strides = array<i32>} : memref<8x128xf32, #tpu.memory_space<vmem>>, vector<1x16xf32>,
    %get3A_19 = vector.shape_cast %get3A_18 : vector<1x16xf32> to vector<16xf32>
    %mul3A_20 = arith.constant 640 : i32
    %mul3A_21 = arith.muli %arg1, %mul3A_20 : i32
    "tpu.region"() ({
      %run_scoped3A_92 = tpu.sem_alloc : memref<!tpu.dma_semaphore, #tpu.memory_space<semaphore_mem>>
      %dma_start3A_93 = arith.constant 0 : i32
      %dma_start3A_94 = tpu.memref_slice %arg18[%mul3A_21, %dma_start3A_93] : memref<10240x16xf32, #tpu.memory_space<vmem_shared>> -> memref<640x16xf32, #tpu.memory_space<vmem_shared>>
      %dma_start3A_95 = arith.constant 0 : i32
      %dma_start3A_96 = tpu.memref_slice %arg3[%mul3A_21, %dma_start3A_95] : memref<10240x128xf32, #tpu.memory_space<hbm>> -> memref<640x16xf32, #tpu.memory_space<hbm>>
      tpu.enqueue_dma source(%dma_start3A_96 : memref<640x16xf32, #tpu.memory_space<hbm>>) target(%dma_start3A_94 : memref<640x16xf32, #tpu.memory_space<vmem_shared>>) target_semaphore(%run_scoped3A_92 : memref<!tpu.dma_semaphore, #tpu.memory_space<semaphore_mem>>)
      %dma_wait3A_97 = arith.constant 0 : i32
      %dma_wait3A_98 = tpu.memref_slice %arg18[%mul3A_21, %dma_wait3A_97] : memref<10240x16xf32, #tpu.memory_space<vmem_shared>> -> memref<640x16xf32, #tpu.memory_space<vmem_shared>>
      %dma_wait3A_99 = arith.constant 0 : i32
      %dma_wait3A_100 = tpu.memref_slice %arg3[%mul3A_21, %dma_wait3A_99] : memref<10240x128xf32, #tpu.memory_space<hbm>> -> memref<640x16xf32, #tpu.memory_space<hbm>>
      tpu.wait_dma2 semaphore(%run_scoped3A_92 : memref<!tpu.dma_semaphore, #tpu.memory_space<semaphore_mem>>) src(%dma_wait3A_100 : memref<640x16xf32, #tpu.memory_space<hbm>>) dst(%dma_wait3A_98 : memref<640x16xf32, #tpu.memory_space<vmem_shared>>)
      tpu.yield
    }) : () -> ()
    "tpu.region"() ({
      %run_scoped3A_92 = tpu.sem_alloc : memref<!tpu.dma_semaphore, #tpu.memory_space<semaphore_mem>>
      %dma_start3A_93 = arith.constant 0 : i32
      %dma_start3A_94 = tpu.memref_slice %arg19[%mul3A_21, %dma_start3A_93] : memref<10240x16xf32, #tpu.memory_space<vmem_shared>> -> memref<640x16xf32, #tpu.memory_space<vmem_shared>>
      %dma_start3A_95 = arith.constant 16 : i32
      %dma_start3A_96 = tpu.memref_slice %arg3[%mul3A_21, %dma_start3A_95] : memref<10240x128xf32, #tpu.memory_space<hbm>> -> memref<640x16xf32, #tpu.memory_space<hbm>>
      tpu.enqueue_dma source(%dma_start3A_96 : memref<640x16xf32, #tpu.memory_space<hbm>>) target(%dma_start3A_94 : memref<640x16xf32, #tpu.memory_space<vmem_shared>>) target_semaphore(%run_scoped3A_92 : memref<!tpu.dma_semaphore, #tpu.memory_space<semaphore_mem>>)
      %dma_wait3A_97 = arith.constant 0 : i32
      %dma_wait3A_98 = tpu.memref_slice %arg19[%mul3A_21, %dma_wait3A_97] : memref<10240x16xf32, #tpu.memory_space<vmem_shared>> -> memref<640x16xf32, #tpu.memory_space<vmem_shared>>
      %dma_wait3A_99 = arith.constant 16 : i32
      %dma_wait3A_100 = tpu.memref_slice %arg3[%mul3A_21, %dma_wait3A_99] : memref<10240x128xf32, #tpu.memory_space<hbm>> -> memref<640x16xf32, #tpu.memory_space<hbm>>
      tpu.wait_dma2 semaphore(%run_scoped3A_92 : memref<!tpu.dma_semaphore, #tpu.memory_space<semaphore_mem>>) src(%dma_wait3A_100 : memref<640x16xf32, #tpu.memory_space<hbm>>) dst(%dma_wait3A_98 : memref<640x16xf32, #tpu.memory_space<vmem_shared>>)
      tpu.yield
    }) : () -> ()
    "tpu.region"() ({
      %run_scoped3A_92 = tpu.sem_alloc : memref<!tpu.dma_semaphore, #tpu.memory_space<semaphore_mem>>
      %dma_start3A_93 = arith.constant 0 : i32
      %dma_start3A_94 = tpu.memref_slice %arg20[%mul3A_21, %dma_start3A_93] : memref<10240x16xf32, #tpu.memory_space<vmem_shared>> -> memref<640x16xf32, #tpu.memory_space<vmem_shared>>
      %dma_start3A_95 = arith.constant 32 : i32
      %dma_start3A_96 = tpu.memref_slice %arg3[%mul3A_21, %dma_start3A_95] : memref<10240x128xf32, #tpu.memory_space<hbm>> -> memref<640x16xf32, #tpu.memory_space<hbm>>
      tpu.enqueue_dma source(%dma_start3A_96 : memref<640x16xf32, #tpu.memory_space<hbm>>) target(%dma_start3A_94 : memref<640x16xf32, #tpu.memory_space<vmem_shared>>) target_semaphore(%run_scoped3A_92 : memref<!tpu.dma_semaphore, #tpu.memory_space<semaphore_mem>>)
      %dma_wait3A_97 = arith.constant 0 : i32
      %dma_wait3A_98 = tpu.memref_slice %arg20[%mul3A_21, %dma_wait3A_97] : memref<10240x16xf32, #tpu.memory_space<vmem_shared>> -> memref<640x16xf32, #tpu.memory_space<vmem_shared>>
      %dma_wait3A_99 = arith.constant 32 : i32
      %dma_wait3A_100 = tpu.memref_slice %arg3[%mul3A_21, %dma_wait3A_99] : memref<10240x128xf32, #tpu.memory_space<hbm>> -> memref<640x16xf32, #tpu.memory_space<hbm>>
      tpu.wait_dma2 semaphore(%run_scoped3A_92 : memref<!tpu.dma_semaphore, #tpu.memory_space<semaphore_mem>>) src(%dma_wait3A_100 : memref<640x16xf32, #tpu.memory_space<hbm>>) dst(%dma_wait3A_98 : memref<640x16xf32, #tpu.memory_space<vmem_shared>>)
      tpu.yield
    }) : () -> ()
    "tpu.region"() ({
      %run_scoped3A_92 = tpu.sem_alloc : memref<!tpu.dma_semaphore, #tpu.memory_space<semaphore_mem>>
      %dma_start3A_93 = arith.constant 0 : i32
      %dma_start3A_94 = tpu.memref_slice %arg21[%mul3A_21, %dma_start3A_93] : memref<10240x16xf32, #tpu.memory_space<vmem_shared>> -> memref<640x16xf32, #tpu.memory_space<vmem_shared>>
      %dma_start3A_95 = arith.constant 48 : i32
      %dma_start3A_96 = tpu.memref_slice %arg3[%mul3A_21, %dma_start3A_95] : memref<10240x128xf32, #tpu.memory_space<hbm>> -> memref<640x16xf32, #tpu.memory_space<hbm>>
      tpu.enqueue_dma source(%dma_start3A_96 : memref<640x16xf32, #tpu.memory_space<hbm>>) target(%dma_start3A_94 : memref<640x16xf32, #tpu.memory_space<vmem_shared>>) target_semaphore(%run_scoped3A_92 : memref<!tpu.dma_semaphore, #tpu.memory_space<semaphore_mem>>)
      %dma_wait3A_97 = arith.constant 0 : i32
      %dma_wait3A_98 = tpu.memref_slice %arg21[%mul3A_21, %dma_wait3A_97] : memref<10240x16xf32, #tpu.memory_space<vmem_shared>> -> memref<640x16xf32, #tpu.memory_space<vmem_shared>>
      %dma_wait3A_99 = arith.constant 48 : i32
      %dma_wait3A_100 = tpu.memref_slice %arg3[%mul3A_21, %dma_wait3A_99] : memref<10240x128xf32, #tpu.memory_space<hbm>> -> memref<640x16xf32, #tpu.memory_space<hbm>>
      tpu.wait_dma2 semaphore(%run_scoped3A_92 : memref<!tpu.dma_semaphore, #tpu.memory_space<semaphore_mem>>) src(%dma_wait3A_100 : memref<640x16xf32, #tpu.memory_space<hbm>>) dst(%dma_wait3A_98 : memref<640x16xf32, #tpu.memory_space<vmem_shared>>)
      tpu.yield
    }) : () -> ()
    %scan3A = arith.constant 0 : i32
    %scan3A_22 = arith.constant 0 : i32
    %scan3A_23 = arith.constant 640 : i32
    %scan3A_24 = arith.addi %scan3A_22, %scan3A_23 : i32
    %scan3A_25 = arith.constant 1 : i32
    scf.for %scan3A_92 = %scan3A_22 to %scan3A_24 step %scan3A_25  : i32 {
      %broadcast_in_dim3A = arith.constant 0.000000e+00 : f32
      %broadcast_in_dim3A_93 = vector.broadcast %broadcast_in_dim3A : f32 to vector<16xf32>
      %swap3A = arith.index_cast %scan3A_92 : i32 to index
      %swap3A_94 = arith.constant 0 : index
      %swap3A_95 = tpu.vector_load %arg16[%swap3A, %swap3A_94] {strides = array<i32>} : memref<640x16xf32, #tpu.memory_space<vmem>>, vector<1x16xf32>,
      %swap3A_96 = vector.shape_cast %swap3A_95 : vector<1x16xf32> to vector<16xf32>
      %swap3A_97 = vector.shape_cast %broadcast_in_dim3A_93 : vector<16xf32> to vector<1x16xf32>
      tpu.vector_store %arg16[%swap3A, %swap3A_94], %swap3A_97 {strides = array<i32>} : memref<640x16xf32, #tpu.memory_space<vmem>>, vector<1x16xf32>,
    }
    %scan3A_26 = arith.constant 640 : i32
    "tpu.region"() ({
      %run_scoped3A_92 = tpu.sem_alloc : memref<!tpu.dma_semaphore, #tpu.memory_space<semaphore_mem>>
      %dma_start3A_93 = arith.constant 0 : i32
      %dma_start3A_94 = tpu.memref_slice %arg22[%mul3A_21, %dma_start3A_93] : memref<10240x16xf32, #tpu.memory_space<vmem_shared>> -> memref<640x16xf32, #tpu.memory_space<vmem_shared>>
      %dma_start3A_95 = arith.constant 0 : i32
      %dma_start3A_96 = tpu.memref_slice %arg22[%mul3A_21, %dma_start3A_95] : memref<10240x16xf32, #tpu.memory_space<vmem_shared>> -> memref<640x16xf32, #tpu.memory_space<vmem_shared>>
      tpu.enqueue_dma source(%arg16 : memref<640x16xf32, #tpu.memory_space<vmem>>) target(%dma_start3A_96 : memref<640x16xf32, #tpu.memory_space<vmem_shared>>) target_semaphore(%run_scoped3A_92 : memref<!tpu.dma_semaphore, #tpu.memory_space<semaphore_mem>>)
      %dma_wait3A_97 = arith.constant 0 : i32
      %dma_wait3A_98 = tpu.memref_slice %arg22[%mul3A_21, %dma_wait3A_97] : memref<10240x16xf32, #tpu.memory_space<vmem_shared>> -> memref<640x16xf32, #tpu.memory_space<vmem_shared>>
      %dma_wait3A_99 = arith.constant 0 : i32
      %dma_wait3A_100 = tpu.memref_slice %arg22[%mul3A_21, %dma_wait3A_99] : memref<10240x16xf32, #tpu.memory_space<vmem_shared>> -> memref<640x16xf32, #tpu.memory_space<vmem_shared>>
      tpu.wait_dma2 semaphore(%run_scoped3A_92 : memref<!tpu.dma_semaphore, #tpu.memory_space<semaphore_mem>>) src(%arg16 : memref<640x16xf32, #tpu.memory_space<vmem>>) dst(%dma_wait3A_100 : memref<640x16xf32, #tpu.memory_space<vmem_shared>>)
      tpu.yield
    }) : () -> ()
    "tpu.region"() ({
      %run_scoped3A_92 = tpu.sem_alloc : memref<!tpu.dma_semaphore, #tpu.memory_space<semaphore_mem>>
      %dma_start3A_93 = arith.constant 0 : i32
      %dma_start3A_94 = tpu.memref_slice %arg23[%mul3A_21, %dma_start3A_93] : memref<10240x16xf32, #tpu.memory_space<vmem_shared>> -> memref<640x16xf32, #tpu.memory_space<vmem_shared>>
      %dma_start3A_95 = arith.constant 0 : i32
      %dma_start3A_96 = tpu.memref_slice %arg23[%mul3A_21, %dma_start3A_95] : memref<10240x16xf32, #tpu.memory_space<vmem_shared>> -> memref<640x16xf32, #tpu.memory_space<vmem_shared>>
      tpu.enqueue_dma source(%arg16 : memref<640x16xf32, #tpu.memory_space<vmem>>) target(%dma_start3A_96 : memref<640x16xf32, #tpu.memory_space<vmem_shared>>) target_semaphore(%run_scoped3A_92 : memref<!tpu.dma_semaphore, #tpu.memory_space<semaphore_mem>>)
      %dma_wait3A_97 = arith.constant 0 : i32
      %dma_wait3A_98 = tpu.memref_slice %arg23[%mul3A_21, %dma_wait3A_97] : memref<10240x16xf32, #tpu.memory_space<vmem_shared>> -> memref<640x16xf32, #tpu.memory_space<vmem_shared>>
      %dma_wait3A_99 = arith.constant 0 : i32
      %dma_wait3A_100 = tpu.memref_slice %arg23[%mul3A_21, %dma_wait3A_99] : memref<10240x16xf32, #tpu.memory_space<vmem_shared>> -> memref<640x16xf32, #tpu.memory_space<vmem_shared>>
      tpu.wait_dma2 semaphore(%run_scoped3A_92 : memref<!tpu.dma_semaphore, #tpu.memory_space<semaphore_mem>>) src(%arg16 : memref<640x16xf32, #tpu.memory_space<vmem>>) dst(%dma_wait3A_100 : memref<640x16xf32, #tpu.memory_space<vmem_shared>>)
      tpu.yield
    }) : () -> ()
    %run_scoped3A = arith.constant 0 : i32
    "tpu.region"() ({
      %run_scoped3A_92 = tpu.sem_alloc : memref<!tpu.dma_semaphore, #tpu.memory_space<semaphore_mem>>
      %dma_start3A_93 = arith.constant 0 : i32
      %dma_start3A_94 = arith.constant 0 : i32
      %dma_start3A_95 = tpu.memref_slice %arg2[%run_scoped3A, %add3A, %dma_start3A_93, %dma_start3A_94] : memref<2x32x125x80xi32, #tpu.memory_space<hbm>> -> memref<1x1x125x80xi32, #tpu.memory_space<hbm>>
      %dma_start3A_96 = tpu.memref_squeeze %dma_start3A_95 : memref<1x1x125x80xi32, #tpu.memory_space<hbm>> -> memref<125x80xi32, #tpu.memory_space<hbm>>
      %dma_start3A_97 = arith.constant 0 : i32
      %dma_start3A_98 = arith.constant 0 : i32
      %dma_start3A_99 = tpu.memref_slice %arg2[%run_scoped3A, %add3A, %dma_start3A_97, %dma_start3A_98] : memref<2x32x125x80xi32, #tpu.memory_space<hbm>> -> memref<1x1x125x80xi32, #tpu.memory_space<hbm>>
      %dma_start3A_100 = tpu.memref_squeeze %dma_start3A_99 : memref<1x1x125x80xi32, #tpu.memory_space<hbm>> -> memref<125x80xi32, #tpu.memory_space<hbm>>
      tpu.enqueue_dma source(%dma_start3A_100 : memref<125x80xi32, #tpu.memory_space<hbm>>) target(%arg6 : memref<125x80xi32, #tpu.memory_space<vmem>>) target_semaphore(%run_scoped3A_92 : memref<!tpu.dma_semaphore, #tpu.memory_space<semaphore_mem>>)
      %dma_wait3A_101 = arith.constant 0 : i32
      %dma_wait3A_102 = arith.constant 0 : i32
      %dma_wait3A_103 = tpu.memref_slice %arg2[%run_scoped3A, %add3A, %dma_wait3A_101, %dma_wait3A_102] : memref<2x32x125x80xi32, #tpu.memory_space<hbm>> -> memref<1x1x125x80xi32, #tpu.memory_space<hbm>>
      %dma_wait3A_104 = tpu.memref_squeeze %dma_wait3A_103 : memref<1x1x125x80xi32, #tpu.memory_space<hbm>> -> memref<125x80xi32, #tpu.memory_space<hbm>>
      %dma_wait3A_105 = arith.constant 0 : i32
      %dma_wait3A_106 = arith.constant 0 : i32
      %dma_wait3A_107 = tpu.memref_slice %arg2[%run_scoped3A, %add3A, %dma_wait3A_105, %dma_wait3A_106] : memref<2x32x125x80xi32, #tpu.memory_space<hbm>> -> memref<1x1x125x80xi32, #tpu.memory_space<hbm>>
      %dma_wait3A_108 = tpu.memref_squeeze %dma_wait3A_107 : memref<1x1x125x80xi32, #tpu.memory_space<hbm>> -> memref<125x80xi32, #tpu.memory_space<hbm>>
      tpu.wait_dma2 semaphore(%run_scoped3A_92 : memref<!tpu.dma_semaphore, #tpu.memory_space<semaphore_mem>>) src(%dma_wait3A_108 : memref<125x80xi32, #tpu.memory_space<hbm>>) dst(%arg6 : memref<125x80xi32, #tpu.memory_space<vmem>>)
      tpu.yield
    }) : () -> ()
    %run_scoped3A_27 = arith.constant 1 : i32
    "tpu.region"() ({
      %run_scoped3A_92 = tpu.sem_alloc : memref<!tpu.dma_semaphore, #tpu.memory_space<semaphore_mem>>
      %dma_start3A_93 = arith.constant 0 : i32
      %dma_start3A_94 = arith.constant 0 : i32
      %dma_start3A_95 = tpu.memref_slice %arg2[%run_scoped3A_27, %add3A, %dma_start3A_93, %dma_start3A_94] : memref<2x32x125x80xi32, #tpu.memory_space<hbm>> -> memref<1x1x125x80xi32, #tpu.memory_space<hbm>>
      %dma_start3A_96 = tpu.memref_squeeze %dma_start3A_95 : memref<1x1x125x80xi32, #tpu.memory_space<hbm>> -> memref<125x80xi32, #tpu.memory_space<hbm>>
      %dma_start3A_97 = arith.constant 0 : i32
      %dma_start3A_98 = arith.constant 0 : i32
      %dma_start3A_99 = tpu.memref_slice %arg2[%run_scoped3A_27, %add3A, %dma_start3A_97, %dma_start3A_98] : memref<2x32x125x80xi32, #tpu.memory_space<hbm>> -> memref<1x1x125x80xi32, #tpu.memory_space<hbm>>
      %dma_start3A_100 = tpu.memref_squeeze %dma_start3A_99 : memref<1x1x125x80xi32, #tpu.memory_space<hbm>> -> memref<125x80xi32, #tpu.memory_space<hbm>>
      tpu.enqueue_dma source(%dma_start3A_100 : memref<125x80xi32, #tpu.memory_space<hbm>>) target(%arg7 : memref<125x80xi32, #tpu.memory_space<vmem>>) target_semaphore(%run_scoped3A_92 : memref<!tpu.dma_semaphore, #tpu.memory_space<semaphore_mem>>)
      %dma_wait3A_101 = arith.constant 0 : i32
      %dma_wait3A_102 = arith.constant 0 : i32
      %dma_wait3A_103 = tpu.memref_slice %arg2[%run_scoped3A_27, %add3A, %dma_wait3A_101, %dma_wait3A_102] : memref<2x32x125x80xi32, #tpu.memory_space<hbm>> -> memref<1x1x125x80xi32, #tpu.memory_space<hbm>>
      %dma_wait3A_104 = tpu.memref_squeeze %dma_wait3A_103 : memref<1x1x125x80xi32, #tpu.memory_space<hbm>> -> memref<125x80xi32, #tpu.memory_space<hbm>>
      %dma_wait3A_105 = arith.constant 0 : i32
      %dma_wait3A_106 = arith.constant 0 : i32
      %dma_wait3A_107 = tpu.memref_slice %arg2[%run_scoped3A_27, %add3A, %dma_wait3A_105, %dma_wait3A_106] : memref<2x32x125x80xi32, #tpu.memory_space<hbm>> -> memref<1x1x125x80xi32, #tpu.memory_space<hbm>>
      %dma_wait3A_108 = tpu.memref_squeeze %dma_wait3A_107 : memref<1x1x125x80xi32, #tpu.memory_space<hbm>> -> memref<125x80xi32, #tpu.memory_space<hbm>>
      tpu.wait_dma2 semaphore(%run_scoped3A_92 : memref<!tpu.dma_semaphore, #tpu.memory_space<semaphore_mem>>) src(%dma_wait3A_108 : memref<125x80xi32, #tpu.memory_space<hbm>>) dst(%arg7 : memref<125x80xi32, #tpu.memory_space<vmem>>)
      tpu.yield
    }) : () -> ()
    %barrier3A = arith.constant 0 : index
    tpu.barrier barrier_id(%barrier3A)
    %dma_start3A = arith.constant 0 : i32
    %dma_start3A_28 = arith.constant 0 : i32
    %dma_start3A_29 = tpu.memref_slice %arg6[%dma_start3A, %dma_start3A_28] : memref<125x80xi32, #tpu.memory_space<vmem>> -> memref<1x80xi32, #tpu.memory_space<vmem>>
    %dma_start3A_30 = tpu.memref_squeeze %dma_start3A_29 : memref<1x80xi32, #tpu.memory_space<vmem>> -> memref<80xi32, #tpu.memory_space<vmem>>
    %dma_start3A_31 = arith.constant 0 : i32
    %dma_start3A_32 = arith.constant 0 : i32
    %dma_start3A_33 = tpu.memref_slice %arg18[%dma_start3A_31, %dma_start3A_32] : memref<10240x16xf32, #tpu.memory_space<vmem_shared>> -> memref<10240x16xf32, #tpu.memory_space<vmem_shared>>
    tpu.enqueue_indirect_dma source(%dma_start3A_33 : memref<10240x16xf32, #tpu.memory_space<vmem_shared>>) target(%arg8 : memref<80x16xf32, #tpu.memory_space<vmem>>) offsets(%dma_start3A_30 : memref<80xi32, #tpu.memory_space<vmem>>) semaphore(%arg24 : memref<!tpu.dma_semaphore, #tpu.memory_space<semaphore_mem>>)
    %dma_start3A_34 = arith.constant 0 : i32
    %dma_start3A_35 = arith.constant 0 : i32
    %dma_start3A_36 = tpu.memref_slice %arg7[%dma_start3A_34, %dma_start3A_35] : memref<125x80xi32, #tpu.memory_space<vmem>> -> memref<1x80xi32, #tpu.memory_space<vmem>>
    %dma_start3A_37 = tpu.memref_squeeze %dma_start3A_36 : memref<1x80xi32, #tpu.memory_space<vmem>> -> memref<80xi32, #tpu.memory_space<vmem>>
    %dma_start3A_38 = arith.constant 0 : i32
    %dma_start3A_39 = arith.constant 0 : i32
    %dma_start3A_40 = tpu.memref_slice %arg19[%dma_start3A_38, %dma_start3A_39] : memref<10240x16xf32, #tpu.memory_space<vmem_shared>> -> memref<10240x16xf32, #tpu.memory_space<vmem_shared>>
    tpu.enqueue_indirect_dma source(%dma_start3A_40 : memref<10240x16xf32, #tpu.memory_space<vmem_shared>>) target(%arg9 : memref<80x16xf32, #tpu.memory_space<vmem>>) offsets(%dma_start3A_37 : memref<80xi32, #tpu.memory_space<vmem>>) semaphore(%arg24 : memref<!tpu.dma_semaphore, #tpu.memory_space<semaphore_mem>>)
    %dma_start3A_41 = arith.constant 0 : i32
    %dma_start3A_42 = arith.constant 0 : i32
    %dma_start3A_43 = tpu.memref_slice %arg6[%dma_start3A_41, %dma_start3A_42] : memref<125x80xi32, #tpu.memory_space<vmem>> -> memref<1x80xi32, #tpu.memory_space<vmem>>
    %dma_start3A_44 = tpu.memref_squeeze %dma_start3A_43 : memref<1x80xi32, #tpu.memory_space<vmem>> -> memref<80xi32, #tpu.memory_space<vmem>>
    %dma_start3A_45 = arith.constant 0 : i32
    %dma_start3A_46 = arith.constant 0 : i32
    %dma_start3A_47 = tpu.memref_slice %arg20[%dma_start3A_45, %dma_start3A_46] : memref<10240x16xf32, #tpu.memory_space<vmem_shared>> -> memref<10240x16xf32, #tpu.memory_space<vmem_shared>>
    tpu.enqueue_indirect_dma source(%dma_start3A_47 : memref<10240x16xf32, #tpu.memory_space<vmem_shared>>) target(%arg10 : memref<80x16xf32, #tpu.memory_space<vmem>>) offsets(%dma_start3A_44 : memref<80xi32, #tpu.memory_space<vmem>>) semaphore(%arg24 : memref<!tpu.dma_semaphore, #tpu.memory_space<semaphore_mem>>)
    %dma_start3A_48 = arith.constant 0 : i32
    %dma_start3A_49 = arith.constant 0 : i32
    %dma_start3A_50 = tpu.memref_slice %arg7[%dma_start3A_48, %dma_start3A_49] : memref<125x80xi32, #tpu.memory_space<vmem>> -> memref<1x80xi32, #tpu.memory_space<vmem>>
    %dma_start3A_51 = tpu.memref_squeeze %dma_start3A_50 : memref<1x80xi32, #tpu.memory_space<vmem>> -> memref<80xi32, #tpu.memory_space<vmem>>
    %dma_start3A_52 = arith.constant 0 : i32
    %dma_start3A_53 = arith.constant 0 : i32
    %dma_start3A_54 = tpu.memref_slice %arg21[%dma_start3A_52, %dma_start3A_53] : memref<10240x16xf32, #tpu.memory_space<vmem_shared>> -> memref<10240x16xf32, #tpu.memory_space<vmem_shared>>
    tpu.enqueue_indirect_dma source(%dma_start3A_54 : memref<10240x16xf32, #tpu.memory_space<vmem_shared>>) target(%arg11 : memref<80x16xf32, #tpu.memory_space<vmem>>) offsets(%dma_start3A_51 : memref<80xi32, #tpu.memory_space<vmem>>) semaphore(%arg24 : memref<!tpu.dma_semaphore, #tpu.memory_space<semaphore_mem>>)
    %scan3A_55 = arith.constant 0 : i32
    %scan3A_56 = arith.constant 0 : i32
    %scan3A_57 = arith.constant 62 : i32
    %scan3A_58 = arith.addi %scan3A_56, %scan3A_57 : i32
    %scan3A_59 = arith.constant 1 : i32
    scf.for %scan3A_92 = %scan3A_56 to %scan3A_58 step %scan3A_59  : i32 {
      %mul3A_93 = arith.constant 2 : i32
      %mul3A_94 = arith.muli %mul3A_93, %scan3A_92 : i32
      %add3A_95 = arith.constant 1 : i32
      %add3A_96 = arith.addi %mul3A_94, %add3A_95 : i32
      %dma_start3A_97 = arith.constant 0 : i32
      %dma_start3A_98 = tpu.memref_slice %arg6[%add3A_96, %dma_start3A_97] : memref<125x80xi32, #tpu.memory_space<vmem>> -> memref<1x80xi32, #tpu.memory_space<vmem>>
      %dma_start3A_99 = tpu.memref_squeeze %dma_start3A_98 : memref<1x80xi32, #tpu.memory_space<vmem>> -> memref<80xi32, #tpu.memory_space<vmem>>
      %dma_start3A_100 = arith.constant 0 : i32
      %dma_start3A_101 = arith.constant 0 : i32
      %dma_start3A_102 = tpu.memref_slice %arg18[%dma_start3A_100, %dma_start3A_101] : memref<10240x16xf32, #tpu.memory_space<vmem_shared>> -> memref<10240x16xf32, #tpu.memory_space<vmem_shared>>
      tpu.enqueue_indirect_dma source(%dma_start3A_102 : memref<10240x16xf32, #tpu.memory_space<vmem_shared>>) target(%arg12 : memref<80x16xf32, #tpu.memory_space<vmem>>) offsets(%dma_start3A_99 : memref<80xi32, #tpu.memory_space<vmem>>) semaphore(%arg24 : memref<!tpu.dma_semaphore, #tpu.memory_space<semaphore_mem>>)
      %dma_start3A_103 = arith.constant 0 : i32
      %dma_start3A_104 = tpu.memref_slice %arg7[%add3A_96, %dma_start3A_103] : memref<125x80xi32, #tpu.memory_space<vmem>> -> memref<1x80xi32, #tpu.memory_space<vmem>>
      %dma_start3A_105 = tpu.memref_squeeze %dma_start3A_104 : memref<1x80xi32, #tpu.memory_space<vmem>> -> memref<80xi32, #tpu.memory_space<vmem>>
      %dma_start3A_106 = arith.constant 0 : i32
      %dma_start3A_107 = arith.constant 0 : i32
      %dma_start3A_108 = tpu.memref_slice %arg19[%dma_start3A_106, %dma_start3A_107] : memref<10240x16xf32, #tpu.memory_space<vmem_shared>> -> memref<10240x16xf32, #tpu.memory_space<vmem_shared>>
      tpu.enqueue_indirect_dma source(%dma_start3A_108 : memref<10240x16xf32, #tpu.memory_space<vmem_shared>>) target(%arg13 : memref<80x16xf32, #tpu.memory_space<vmem>>) offsets(%dma_start3A_105 : memref<80xi32, #tpu.memory_space<vmem>>) semaphore(%arg24 : memref<!tpu.dma_semaphore, #tpu.memory_space<semaphore_mem>>)
      %dma_start3A_109 = arith.constant 0 : i32
      %dma_start3A_110 = tpu.memref_slice %arg6[%add3A_96, %dma_start3A_109] : memref<125x80xi32, #tpu.memory_space<vmem>> -> memref<1x80xi32, #tpu.memory_space<vmem>>
      %dma_start3A_111 = tpu.memref_squeeze %dma_start3A_110 : memref<1x80xi32, #tpu.memory_space<vmem>> -> memref<80xi32, #tpu.memory_space<vmem>>
      %dma_start3A_112 = arith.constant 0 : i32
      %dma_start3A_113 = arith.constant 0 : i32
      %dma_start3A_114 = tpu.memref_slice %arg20[%dma_start3A_112, %dma_start3A_113] : memref<10240x16xf32, #tpu.memory_space<vmem_shared>> -> memref<10240x16xf32, #tpu.memory_space<vmem_shared>>
      tpu.enqueue_indirect_dma source(%dma_start3A_114 : memref<10240x16xf32, #tpu.memory_space<vmem_shared>>) target(%arg14 : memref<80x16xf32, #tpu.memory_space<vmem>>) offsets(%dma_start3A_111 : memref<80xi32, #tpu.memory_space<vmem>>) semaphore(%arg24 : memref<!tpu.dma_semaphore, #tpu.memory_space<semaphore_mem>>)
      %dma_start3A_115 = arith.constant 0 : i32
      %dma_start3A_116 = tpu.memref_slice %arg7[%add3A_96, %dma_start3A_115] : memref<125x80xi32, #tpu.memory_space<vmem>> -> memref<1x80xi32, #tpu.memory_space<vmem>>
      %dma_start3A_117 = tpu.memref_squeeze %dma_start3A_116 : memref<1x80xi32, #tpu.memory_space<vmem>> -> memref<80xi32, #tpu.memory_space<vmem>>
      %dma_start3A_118 = arith.constant 0 : i32
      %dma_start3A_119 = arith.constant 0 : i32
      %dma_start3A_120 = tpu.memref_slice %arg21[%dma_start3A_118, %dma_start3A_119] : memref<10240x16xf32, #tpu.memory_space<vmem_shared>> -> memref<10240x16xf32, #tpu.memory_space<vmem_shared>>
      tpu.enqueue_indirect_dma source(%dma_start3A_120 : memref<10240x16xf32, #tpu.memory_space<vmem_shared>>) target(%arg15 : memref<80x16xf32, #tpu.memory_space<vmem>>) offsets(%dma_start3A_117 : memref<80xi32, #tpu.memory_space<vmem>>) semaphore(%arg24 : memref<!tpu.dma_semaphore, #tpu.memory_space<semaphore_mem>>)
      %dma_wait3A_121 = arith.constant 0 : i32
      %dma_wait3A_122 = arith.constant 0 : i32
      %dma_wait3A_123 = tpu.memref_slice %arg3[%dma_wait3A_121, %dma_wait3A_122] : memref<10240x128xf32, #tpu.memory_space<hbm>> -> memref<80x16xf32, #tpu.memory_space<hbm>>
      %dma_wait3A_124 = arith.constant 0 : i32
      %dma_wait3A_125 = arith.constant 0 : i32
      %dma_wait3A_126 = tpu.memref_slice %arg3[%dma_wait3A_124, %dma_wait3A_125] : memref<10240x128xf32, #tpu.memory_space<hbm>> -> memref<80x16xf32, #tpu.memory_space<hbm>>
      tpu.wait_dma2 semaphore(%arg24 : memref<!tpu.dma_semaphore, #tpu.memory_space<semaphore_mem>>) src(%dma_wait3A_126 : memref<80x16xf32, #tpu.memory_space<hbm>>) dst(%arg8 : memref<80x16xf32, #tpu.memory_space<vmem>>)
      %dma_wait3A_127 = arith.constant 0 : i32
      %dma_wait3A_128 = arith.constant 0 : i32
      %dma_wait3A_129 = tpu.memref_slice %arg3[%dma_wait3A_127, %dma_wait3A_128] : memref<10240x128xf32, #tpu.memory_space<hbm>> -> memref<80x16xf32, #tpu.memory_space<hbm>>
      %dma_wait3A_130 = arith.constant 0 : i32
      %dma_wait3A_131 = arith.constant 0 : i32
      %dma_wait3A_132 = tpu.memref_slice %arg3[%dma_wait3A_130, %dma_wait3A_131] : memref<10240x128xf32, #tpu.memory_space<hbm>> -> memref<80x16xf32, #tpu.memory_space<hbm>>
      tpu.wait_dma2 semaphore(%arg24 : memref<!tpu.dma_semaphore, #tpu.memory_space<semaphore_mem>>) src(%dma_wait3A_132 : memref<80x16xf32, #tpu.memory_space<hbm>>) dst(%arg9 : memref<80x16xf32, #tpu.memory_space<vmem>>)
      %dma_wait3A_133 = arith.constant 0 : i32
      %dma_wait3A_134 = arith.constant 0 : i32
      %dma_wait3A_135 = tpu.memref_slice %arg3[%dma_wait3A_133, %dma_wait3A_134] : memref<10240x128xf32, #tpu.memory_space<hbm>> -> memref<80x16xf32, #tpu.memory_space<hbm>>
      %dma_wait3A_136 = arith.constant 0 : i32
      %dma_wait3A_137 = arith.constant 0 : i32
      %dma_wait3A_138 = tpu.memref_slice %arg3[%dma_wait3A_136, %dma_wait3A_137] : memref<10240x128xf32, #tpu.memory_space<hbm>> -> memref<80x16xf32, #tpu.memory_space<hbm>>
      tpu.wait_dma2 semaphore(%arg24 : memref<!tpu.dma_semaphore, #tpu.memory_space<semaphore_mem>>) src(%dma_wait3A_138 : memref<80x16xf32, #tpu.memory_space<hbm>>) dst(%arg10 : memref<80x16xf32, #tpu.memory_space<vmem>>)
      %dma_wait3A_139 = arith.constant 0 : i32
      %dma_wait3A_140 = arith.constant 0 : i32
      %dma_wait3A_141 = tpu.memref_slice %arg3[%dma_wait3A_139, %dma_wait3A_140] : memref<10240x128xf32, #tpu.memory_space<hbm>> -> memref<80x16xf32, #tpu.memory_space<hbm>>
      %dma_wait3A_142 = arith.constant 0 : i32
      %dma_wait3A_143 = arith.constant 0 : i32
      %dma_wait3A_144 = tpu.memref_slice %arg3[%dma_wait3A_142, %dma_wait3A_143] : memref<10240x128xf32, #tpu.memory_space<hbm>> -> memref<80x16xf32, #tpu.memory_space<hbm>>
      tpu.wait_dma2 semaphore(%arg24 : memref<!tpu.dma_semaphore, #tpu.memory_space<semaphore_mem>>) src(%dma_wait3A_144 : memref<80x16xf32, #tpu.memory_space<hbm>>) dst(%arg11 : memref<80x16xf32, #tpu.memory_space<vmem>>)
      %parallel_loop3A_145 = arith.constant 0 : i32
      %parallel_loop3A_146 = arith.constant 80 : i32
      %parallel_loop3A_147 = arith.constant 1 : i32
      scf.for %parallel_loop3A_203 = %parallel_loop3A_145 to %parallel_loop3A_146 step %parallel_loop3A_147  : i32 {
        %parallel_loop3A_204 = arith.index_cast %parallel_loop3A_203 : i32 to index
        %parallel_loop3A_205 = arith.constant 0 : index
        %parallel_loop3A_206 = tpu.vector_load %arg8[%parallel_loop3A_204, %parallel_loop3A_205] {strides = array<i32>} : memref<80x16xf32, #tpu.memory_space<vmem>>, vector<1x16xf32>,
        %parallel_loop3A_207 = vector.shape_cast %parallel_loop3A_206 : vector<1x16xf32> to vector<16xf32>
        %parallel_loop3A_208 = arith.index_cast %parallel_loop3A_203 : i32 to index
        %parallel_loop3A_209 = arith.constant 0 : index
        %parallel_loop3A_210 = tpu.vector_load %arg9[%parallel_loop3A_208, %parallel_loop3A_209] {strides = array<i32>} : memref<80x16xf32, #tpu.memory_space<vmem>>, vector<1x16xf32>,
        %parallel_loop3A_211 = vector.shape_cast %parallel_loop3A_210 : vector<1x16xf32> to vector<16xf32>
        %parallel_loop3A_212 = arith.addf %parallel_loop3A_207, %parallel_loop3A_211 : vector<16xf32>
        %parallel_loop3A_213 = arith.constant 2.000000e-01 : f32
        %parallel_loop3A_214 = vector.broadcast %parallel_loop3A_213 : f32 to vector<16xf32>
        %parallel_loop3A_215 = arith.mulf %parallel_loop3A_212, %parallel_loop3A_214 : vector<16xf32>
        %parallel_loop3A_216 = arith.maximumf %parallel_loop3A_212, %parallel_loop3A_215 : vector<16xf32>
        %parallel_loop3A_217 = arith.mulf %parallel_loop3A_216, %get3A_4 : vector<16xf32>
        %parallel_loop3A_218 = tpu.iota {dimensions = array<i32: 0>} : vector<16xi32>
        %parallel_loop3A_219 = arith.constant 8 : i32
        %parallel_loop3A_220 = vector.broadcast %parallel_loop3A_219 : i32 to vector<16xi32>
        %parallel_loop3A_221 = arith.xori %parallel_loop3A_218, %parallel_loop3A_220 : vector<16xi32>
        %parallel_loop3A_222 = vector.shape_cast %parallel_loop3A_221 : vector<16xi32> to vector<16x1xi32>
        %parallel_loop3A_223 = vector.shape_cast %parallel_loop3A_222 : vector<16x1xi32> to vector<16xi32>
        %parallel_loop3A_224 = tpu.dynamic_gather %parallel_loop3A_217[%parallel_loop3A_223] in [0] : vector<16xf32>, vector<16xi32> -> vector<16xf32>
        %parallel_loop3A_225 = arith.addf %parallel_loop3A_217, %parallel_loop3A_224 : vector<16xf32>
        %parallel_loop3A_226 = arith.constant 4 : i32
        %parallel_loop3A_227 = vector.broadcast %parallel_loop3A_226 : i32 to vector<16xi32>
        %parallel_loop3A_228 = arith.xori %parallel_loop3A_218, %parallel_loop3A_227 : vector<16xi32>
        %parallel_loop3A_229 = vector.shape_cast %parallel_loop3A_228 : vector<16xi32> to vector<16x1xi32>
        %parallel_loop3A_230 = vector.shape_cast %parallel_loop3A_229 : vector<16x1xi32> to vector<16xi32>
        %parallel_loop3A_231 = tpu.dynamic_gather %parallel_loop3A_225[%parallel_loop3A_230] in [0] : vector<16xf32>, vector<16xi32> -> vector<16xf32>
        %parallel_loop3A_232 = arith.addf %parallel_loop3A_225, %parallel_loop3A_231 : vector<16xf32>
        %parallel_loop3A_233 = arith.constant 2 : i32
        %parallel_loop3A_234 = vector.broadcast %parallel_loop3A_233 : i32 to vector<16xi32>
        %parallel_loop3A_235 = arith.xori %parallel_loop3A_218, %parallel_loop3A_234 : vector<16xi32>
        %parallel_loop3A_236 = vector.shape_cast %parallel_loop3A_235 : vector<16xi32> to vector<16x1xi32>
        %parallel_loop3A_237 = vector.shape_cast %parallel_loop3A_236 : vector<16x1xi32> to vector<16xi32>
        %parallel_loop3A_238 = tpu.dynamic_gather %parallel_loop3A_232[%parallel_loop3A_237] in [0] : vector<16xf32>, vector<16xi32> -> vector<16xf32>
        %parallel_loop3A_239 = arith.addf %parallel_loop3A_232, %parallel_loop3A_238 : vector<16xf32>
        %parallel_loop3A_240 = arith.constant 1 : i32
        %parallel_loop3A_241 = vector.broadcast %parallel_loop3A_240 : i32 to vector<16xi32>
        %parallel_loop3A_242 = arith.xori %parallel_loop3A_218, %parallel_loop3A_241 : vector<16xi32>
        %parallel_loop3A_243 = vector.shape_cast %parallel_loop3A_242 : vector<16xi32> to vector<16x1xi32>
        %parallel_loop3A_244 = vector.shape_cast %parallel_loop3A_243 : vector<16x1xi32> to vector<16xi32>
        %parallel_loop3A_245 = tpu.dynamic_gather %parallel_loop3A_239[%parallel_loop3A_244] in [0] : vector<16xf32>, vector<16xi32> -> vector<16xf32>
        %parallel_loop3A_246 = arith.addf %parallel_loop3A_239, %parallel_loop3A_245 : vector<16xf32>
        %parallel_loop3A_247 = arith.subf %parallel_loop3A_246, %get3A_14 : vector<16xf32>
        %parallel_loop3A_248 = math.exp %parallel_loop3A_247 : vector<16xf32>
        %parallel_loop3A_249 = arith.mulf %parallel_loop3A_207, %parallel_loop3A_248 : vector<16xf32>
        %parallel_loop3A_250 = arith.index_cast %parallel_loop3A_203 : i32 to index
        %parallel_loop3A_251 = arith.constant 0 : index
        %parallel_loop3A_252 = tpu.vector_load %arg8[%parallel_loop3A_250, %parallel_loop3A_251] {strides = array<i32>} : memref<80x16xf32, #tpu.memory_space<vmem>>, vector<1x16xf32>,
        %parallel_loop3A_253 = vector.shape_cast %parallel_loop3A_252 : vector<1x16xf32> to vector<16xf32>
        %parallel_loop3A_254 = vector.shape_cast %parallel_loop3A_249 : vector<16xf32> to vector<1x16xf32>
        tpu.vector_store %arg8[%parallel_loop3A_250, %parallel_loop3A_251], %parallel_loop3A_254 {strides = array<i32>} : memref<80x16xf32, #tpu.memory_space<vmem>>, vector<1x16xf32>,
        %parallel_loop3A_255 = arith.index_cast %parallel_loop3A_203 : i32 to index
        %parallel_loop3A_256 = arith.constant 0 : index
        %parallel_loop3A_257 = tpu.vector_load %arg10[%parallel_loop3A_255, %parallel_loop3A_256] {strides = array<i32>} : memref<80x16xf32, #tpu.memory_space<vmem>>, vector<1x16xf32>,
        %parallel_loop3A_258 = vector.shape_cast %parallel_loop3A_257 : vector<1x16xf32> to vector<16xf32>
        %parallel_loop3A_259 = arith.index_cast %parallel_loop3A_203 : i32 to index
        %parallel_loop3A_260 = arith.constant 0 : index
        %parallel_loop3A_261 = tpu.vector_load %arg11[%parallel_loop3A_259, %parallel_loop3A_260] {strides = array<i32>} : memref<80x16xf32, #tpu.memory_space<vmem>>, vector<1x16xf32>,
        %parallel_loop3A_262 = vector.shape_cast %parallel_loop3A_261 : vector<1x16xf32> to vector<16xf32>
        %parallel_loop3A_263 = arith.addf %parallel_loop3A_258, %parallel_loop3A_262 : vector<16xf32>
        %parallel_loop3A_264 = arith.constant 2.000000e-01 : f32
        %parallel_loop3A_265 = vector.broadcast %parallel_loop3A_264 : f32 to vector<16xf32>
        %parallel_loop3A_266 = arith.mulf %parallel_loop3A_263, %parallel_loop3A_265 : vector<16xf32>
        %parallel_loop3A_267 = arith.maximumf %parallel_loop3A_263, %parallel_loop3A_266 : vector<16xf32>
        %parallel_loop3A_268 = arith.mulf %parallel_loop3A_267, %get3A_9 : vector<16xf32>
        %parallel_loop3A_269 = tpu.iota {dimensions = array<i32: 0>} : vector<16xi32>
        %parallel_loop3A_270 = arith.constant 8 : i32
        %parallel_loop3A_271 = vector.broadcast %parallel_loop3A_270 : i32 to vector<16xi32>
        %parallel_loop3A_272 = arith.xori %parallel_loop3A_269, %parallel_loop3A_271 : vector<16xi32>
        %parallel_loop3A_273 = vector.shape_cast %parallel_loop3A_272 : vector<16xi32> to vector<16x1xi32>
        %parallel_loop3A_274 = vector.shape_cast %parallel_loop3A_273 : vector<16x1xi32> to vector<16xi32>
        %parallel_loop3A_275 = tpu.dynamic_gather %parallel_loop3A_268[%parallel_loop3A_274] in [0] : vector<16xf32>, vector<16xi32> -> vector<16xf32>
        %parallel_loop3A_276 = arith.addf %parallel_loop3A_268, %parallel_loop3A_275 : vector<16xf32>
        %parallel_loop3A_277 = arith.constant 4 : i32
        %parallel_loop3A_278 = vector.broadcast %parallel_loop3A_277 : i32 to vector<16xi32>
        %parallel_loop3A_279 = arith.xori %parallel_loop3A_269, %parallel_loop3A_278 : vector<16xi32>
        %parallel_loop3A_280 = vector.shape_cast %parallel_loop3A_279 : vector<16xi32> to vector<16x1xi32>
        %parallel_loop3A_281 = vector.shape_cast %parallel_loop3A_280 : vector<16x1xi32> to vector<16xi32>
        %parallel_loop3A_282 = tpu.dynamic_gather %parallel_loop3A_276[%parallel_loop3A_281] in [0] : vector<16xf32>, vector<16xi32> -> vector<16xf32>
        %parallel_loop3A_283 = arith.addf %parallel_loop3A_276, %parallel_loop3A_282 : vector<16xf32>
        %parallel_loop3A_284 = arith.constant 2 : i32
        %parallel_loop3A_285 = vector.broadcast %parallel_loop3A_284 : i32 to vector<16xi32>
        %parallel_loop3A_286 = arith.xori %parallel_loop3A_269, %parallel_loop3A_285 : vector<16xi32>
        %parallel_loop3A_287 = vector.shape_cast %parallel_loop3A_286 : vector<16xi32> to vector<16x1xi32>
        %parallel_loop3A_288 = vector.shape_cast %parallel_loop3A_287 : vector<16x1xi32> to vector<16xi32>
        %parallel_loop3A_289 = tpu.dynamic_gather %parallel_loop3A_283[%parallel_loop3A_288] in [0] : vector<16xf32>, vector<16xi32> -> vector<16xf32>
        %parallel_loop3A_290 = arith.addf %parallel_loop3A_283, %parallel_loop3A_289 : vector<16xf32>
        %parallel_loop3A_291 = arith.constant 1 : i32
        %parallel_loop3A_292 = vector.broadcast %parallel_loop3A_291 : i32 to vector<16xi32>
        %parallel_loop3A_293 = arith.xori %parallel_loop3A_269, %parallel_loop3A_292 : vector<16xi32>
        %parallel_loop3A_294 = vector.shape_cast %parallel_loop3A_293 : vector<16xi32> to vector<16x1xi32>
        %parallel_loop3A_295 = vector.shape_cast %parallel_loop3A_294 : vector<16x1xi32> to vector<16xi32>
        %parallel_loop3A_296 = tpu.dynamic_gather %parallel_loop3A_290[%parallel_loop3A_295] in [0] : vector<16xf32>, vector<16xi32> -> vector<16xf32>
        %parallel_loop3A_297 = arith.addf %parallel_loop3A_290, %parallel_loop3A_296 : vector<16xf32>
        %parallel_loop3A_298 = arith.subf %parallel_loop3A_297, %get3A_19 : vector<16xf32>
        %parallel_loop3A_299 = math.exp %parallel_loop3A_298 : vector<16xf32>
        %parallel_loop3A_300 = arith.mulf %parallel_loop3A_258, %parallel_loop3A_299 : vector<16xf32>
        %parallel_loop3A_301 = arith.index_cast %parallel_loop3A_203 : i32 to index
        %parallel_loop3A_302 = arith.constant 0 : index
        %parallel_loop3A_303 = tpu.vector_load %arg10[%parallel_loop3A_301, %parallel_loop3A_302] {strides = array<i32>} : memref<80x16xf32, #tpu.memory_space<vmem>>, vector<1x16xf32>,
        %parallel_loop3A_304 = vector.shape_cast %parallel_loop3A_303 : vector<1x16xf32> to vector<16xf32>
        %parallel_loop3A_305 = vector.shape_cast %parallel_loop3A_300 : vector<16xf32> to vector<1x16xf32>
        tpu.vector_store %arg10[%parallel_loop3A_301, %parallel_loop3A_302], %parallel_loop3A_305 {strides = array<i32>} : memref<80x16xf32, #tpu.memory_space<vmem>>, vector<1x16xf32>,
      } {sc.loop_unroll_factor = 4 : i64, sc.parallel_access}
      "tpu.region"() ({
        %run_scoped3A_203 = tpu.sem_alloc : memref<!tpu.dma_semaphore, #tpu.memory_space<semaphore_mem>>
        %dma_start3A_204 = arith.constant 0 : i32
        %dma_start3A_205 = tpu.memref_slice %arg7[%mul3A_94, %dma_start3A_204] : memref<125x80xi32, #tpu.memory_space<vmem>> -> memref<1x80xi32, #tpu.memory_space<vmem>>
        %dma_start3A_206 = tpu.memref_squeeze %dma_start3A_205 : memref<1x80xi32, #tpu.memory_space<vmem>> -> memref<80xi32, #tpu.memory_space<vmem>>
        %dma_start3A_207 = arith.constant 0 : i32
        %dma_start3A_208 = arith.constant 0 : i32
        %dma_start3A_209 = tpu.memref_slice %arg22[%dma_start3A_207, %dma_start3A_208] : memref<10240x16xf32, #tpu.memory_space<vmem_shared>> -> memref<10240x16xf32, #tpu.memory_space<vmem_shared>>
        tpu.enqueue_indirect_dma source(%arg8 : memref<80x16xf32, #tpu.memory_space<vmem>>) target(%dma_start3A_209 : memref<10240x16xf32, #tpu.memory_space<vmem_shared>>) offsets(%dma_start3A_206 : memref<80xi32, #tpu.memory_space<vmem>>) semaphore(%run_scoped3A_203 : memref<!tpu.dma_semaphore, #tpu.memory_space<semaphore_mem>>) {add = true}
        %dma_wait3A_210 = arith.constant 0 : i32
        %dma_wait3A_211 = tpu.memref_slice %arg7[%mul3A_94, %dma_wait3A_210] : memref<125x80xi32, #tpu.memory_space<vmem>> -> memref<1x80xi32, #tpu.memory_space<vmem>>
        %dma_wait3A_212 = tpu.memref_squeeze %dma_wait3A_211 : memref<1x80xi32, #tpu.memory_space<vmem>> -> memref<80xi32, #tpu.memory_space<vmem>>
        %dma_wait3A_213 = arith.constant 0 : i32
        %dma_wait3A_214 = arith.constant 0 : i32
        %dma_wait3A_215 = tpu.memref_slice %arg22[%dma_wait3A_213, %dma_wait3A_214] : memref<10240x16xf32, #tpu.memory_space<vmem_shared>> -> memref<10240x16xf32, #tpu.memory_space<vmem_shared>>
        tpu.wait_indirect_dma semaphore(%run_scoped3A_203 : memref<!tpu.dma_semaphore, #tpu.memory_space<semaphore_mem>>) src(%arg8 : memref<80x16xf32, #tpu.memory_space<vmem>>) dst(%dma_wait3A_215 : memref<10240x16xf32, #tpu.memory_space<vmem_shared>>)
        tpu.yield
      }) : () -> ()
      "tpu.region"() ({
        %run_scoped3A_203 = tpu.sem_alloc : memref<!tpu.dma_semaphore, #tpu.memory_space<semaphore_mem>>
        %dma_start3A_204 = arith.constant 0 : i32
        %dma_start3A_205 = tpu.memref_slice %arg7[%mul3A_94, %dma_start3A_204] : memref<125x80xi32, #tpu.memory_space<vmem>> -> memref<1x80xi32, #tpu.memory_space<vmem>>
        %dma_start3A_206 = tpu.memref_squeeze %dma_start3A_205 : memref<1x80xi32, #tpu.memory_space<vmem>> -> memref<80xi32, #tpu.memory_space<vmem>>
        %dma_start3A_207 = arith.constant 0 : i32
        %dma_start3A_208 = arith.constant 0 : i32
        %dma_start3A_209 = tpu.memref_slice %arg23[%dma_start3A_207, %dma_start3A_208] : memref<10240x16xf32, #tpu.memory_space<vmem_shared>> -> memref<10240x16xf32, #tpu.memory_space<vmem_shared>>
        tpu.enqueue_indirect_dma source(%arg10 : memref<80x16xf32, #tpu.memory_space<vmem>>) target(%dma_start3A_209 : memref<10240x16xf32, #tpu.memory_space<vmem_shared>>) offsets(%dma_start3A_206 : memref<80xi32, #tpu.memory_space<vmem>>) semaphore(%run_scoped3A_203 : memref<!tpu.dma_semaphore, #tpu.memory_space<semaphore_mem>>) {add = true}
        %dma_wait3A_210 = arith.constant 0 : i32
        %dma_wait3A_211 = tpu.memref_slice %arg7[%mul3A_94, %dma_wait3A_210] : memref<125x80xi32, #tpu.memory_space<vmem>> -> memref<1x80xi32, #tpu.memory_space<vmem>>
        %dma_wait3A_212 = tpu.memref_squeeze %dma_wait3A_211 : memref<1x80xi32, #tpu.memory_space<vmem>> -> memref<80xi32, #tpu.memory_space<vmem>>
        %dma_wait3A_213 = arith.constant 0 : i32
        %dma_wait3A_214 = arith.constant 0 : i32
        %dma_wait3A_215 = tpu.memref_slice %arg23[%dma_wait3A_213, %dma_wait3A_214] : memref<10240x16xf32, #tpu.memory_space<vmem_shared>> -> memref<10240x16xf32, #tpu.memory_space<vmem_shared>>
        tpu.wait_indirect_dma semaphore(%run_scoped3A_203 : memref<!tpu.dma_semaphore, #tpu.memory_space<semaphore_mem>>) src(%arg10 : memref<80x16xf32, #tpu.memory_space<vmem>>) dst(%dma_wait3A_215 : memref<10240x16xf32, #tpu.memory_space<vmem_shared>>)
        tpu.yield
      }) : () -> ()
      %add3A_148 = arith.constant 2 : i32
      %add3A_149 = arith.addi %mul3A_94, %add3A_148 : i32
      %dma_start3A_150 = arith.constant 0 : i32
      %dma_start3A_151 = tpu.memref_slice %arg6[%add3A_149, %dma_start3A_150] : memref<125x80xi32, #tpu.memory_space<vmem>> -> memref<1x80xi32, #tpu.memory_space<vmem>>
      %dma_start3A_152 = tpu.memref_squeeze %dma_start3A_151 : memref<1x80xi32, #tpu.memory_space<vmem>> -> memref<80xi32, #tpu.memory_space<vmem>>
      %dma_start3A_153 = arith.constant 0 : i32
      %dma_start3A_154 = arith.constant 0 : i32
      %dma_start3A_155 = tpu.memref_slice %arg18[%dma_start3A_153, %dma_start3A_154] : memref<10240x16xf32, #tpu.memory_space<vmem_shared>> -> memref<10240x16xf32, #tpu.memory_space<vmem_shared>>
      tpu.enqueue_indirect_dma source(%dma_start3A_155 : memref<10240x16xf32, #tpu.memory_space<vmem_shared>>) target(%arg8 : memref<80x16xf32, #tpu.memory_space<vmem>>) offsets(%dma_start3A_152 : memref<80xi32, #tpu.memory_space<vmem>>) semaphore(%arg24 : memref<!tpu.dma_semaphore, #tpu.memory_space<semaphore_mem>>)
      %dma_start3A_156 = arith.constant 0 : i32
      %dma_start3A_157 = tpu.memref_slice %arg7[%add3A_149, %dma_start3A_156] : memref<125x80xi32, #tpu.memory_space<vmem>> -> memref<1x80xi32, #tpu.memory_space<vmem>>
      %dma_start3A_158 = tpu.memref_squeeze %dma_start3A_157 : memref<1x80xi32, #tpu.memory_space<vmem>> -> memref<80xi32, #tpu.memory_space<vmem>>
      %dma_start3A_159 = arith.constant 0 : i32
      %dma_start3A_160 = arith.constant 0 : i32
      %dma_start3A_161 = tpu.memref_slice %arg19[%dma_start3A_159, %dma_start3A_160] : memref<10240x16xf32, #tpu.memory_space<vmem_shared>> -> memref<10240x16xf32, #tpu.memory_space<vmem_shared>>
      tpu.enqueue_indirect_dma source(%dma_start3A_161 : memref<10240x16xf32, #tpu.memory_space<vmem_shared>>) target(%arg9 : memref<80x16xf32, #tpu.memory_space<vmem>>) offsets(%dma_start3A_158 : memref<80xi32, #tpu.memory_space<vmem>>) semaphore(%arg24 : memref<!tpu.dma_semaphore, #tpu.memory_space<semaphore_mem>>)
      %dma_start3A_162 = arith.constant 0 : i32
      %dma_start3A_163 = tpu.memref_slice %arg6[%add3A_149, %dma_start3A_162] : memref<125x80xi32, #tpu.memory_space<vmem>> -> memref<1x80xi32, #tpu.memory_space<vmem>>
      %dma_start3A_164 = tpu.memref_squeeze %dma_start3A_163 : memref<1x80xi32, #tpu.memory_space<vmem>> -> memref<80xi32, #tpu.memory_space<vmem>>
      %dma_start3A_165 = arith.constant 0 : i32
      %dma_start3A_166 = arith.constant 0 : i32
      %dma_start3A_167 = tpu.memref_slice %arg20[%dma_start3A_165, %dma_start3A_166] : memref<10240x16xf32, #tpu.memory_space<vmem_shared>> -> memref<10240x16xf32, #tpu.memory_space<vmem_shared>>
      tpu.enqueue_indirect_dma source(%dma_start3A_167 : memref<10240x16xf32, #tpu.memory_space<vmem_shared>>) target(%arg10 : memref<80x16xf32, #tpu.memory_space<vmem>>) offsets(%dma_start3A_164 : memref<80xi32, #tpu.memory_space<vmem>>) semaphore(%arg24 : memref<!tpu.dma_semaphore, #tpu.memory_space<semaphore_mem>>)
      %dma_start3A_168 = arith.constant 0 : i32
      %dma_start3A_169 = tpu.memref_slice %arg7[%add3A_149, %dma_start3A_168] : memref<125x80xi32, #tpu.memory_space<vmem>> -> memref<1x80xi32, #tpu.memory_space<vmem>>
      %dma_start3A_170 = tpu.memref_squeeze %dma_start3A_169 : memref<1x80xi32, #tpu.memory_space<vmem>> -> memref<80xi32, #tpu.memory_space<vmem>>
      %dma_start3A_171 = arith.constant 0 : i32
      %dma_start3A_172 = arith.constant 0 : i32
      %dma_start3A_173 = tpu.memref_slice %arg21[%dma_start3A_171, %dma_start3A_172] : memref<10240x16xf32, #tpu.memory_space<vmem_shared>> -> memref<10240x16xf32, #tpu.memory_space<vmem_shared>>
      tpu.enqueue_indirect_dma source(%dma_start3A_173 : memref<10240x16xf32, #tpu.memory_space<vmem_shared>>) target(%arg11 : memref<80x16xf32, #tpu.memory_space<vmem>>) offsets(%dma_start3A_170 : memref<80xi32, #tpu.memory_space<vmem>>) semaphore(%arg24 : memref<!tpu.dma_semaphore, #tpu.memory_space<semaphore_mem>>)
      %dma_wait3A_174 = arith.constant 0 : i32
      %dma_wait3A_175 = arith.constant 0 : i32
      %dma_wait3A_176 = tpu.memref_slice %arg3[%dma_wait3A_174, %dma_wait3A_175] : memref<10240x128xf32, #tpu.memory_space<hbm>> -> memref<80x16xf32, #tpu.memory_space<hbm>>
      %dma_wait3A_177 = arith.constant 0 : i32
      %dma_wait3A_178 = arith.constant 0 : i32
      %dma_wait3A_179 = tpu.memref_slice %arg3[%dma_wait3A_177, %dma_wait3A_178] : memref<10240x128xf32, #tpu.memory_space<hbm>> -> memref<80x16xf32, #tpu.memory_space<hbm>>
      tpu.wait_dma2 semaphore(%arg24 : memref<!tpu.dma_semaphore, #tpu.memory_space<semaphore_mem>>) src(%dma_wait3A_179 : memref<80x16xf32, #tpu.memory_space<hbm>>) dst(%arg12 : memref<80x16xf32, #tpu.memory_space<vmem>>)
      %dma_wait3A_180 = arith.constant 0 : i32
      %dma_wait3A_181 = arith.constant 0 : i32
      %dma_wait3A_182 = tpu.memref_slice %arg3[%dma_wait3A_180, %dma_wait3A_181] : memref<10240x128xf32, #tpu.memory_space<hbm>> -> memref<80x16xf32, #tpu.memory_space<hbm>>
      %dma_wait3A_183 = arith.constant 0 : i32
      %dma_wait3A_184 = arith.constant 0 : i32
      %dma_wait3A_185 = tpu.memref_slice %arg3[%dma_wait3A_183, %dma_wait3A_184] : memref<10240x128xf32, #tpu.memory_space<hbm>> -> memref<80x16xf32, #tpu.memory_space<hbm>>
      tpu.wait_dma2 semaphore(%arg24 : memref<!tpu.dma_semaphore, #tpu.memory_space<semaphore_mem>>) src(%dma_wait3A_185 : memref<80x16xf32, #tpu.memory_space<hbm>>) dst(%arg13 : memref<80x16xf32, #tpu.memory_space<vmem>>)
      %dma_wait3A_186 = arith.constant 0 : i32
      %dma_wait3A_187 = arith.constant 0 : i32
      %dma_wait3A_188 = tpu.memref_slice %arg3[%dma_wait3A_186, %dma_wait3A_187] : memref<10240x128xf32, #tpu.memory_space<hbm>> -> memref<80x16xf32, #tpu.memory_space<hbm>>
      %dma_wait3A_189 = arith.constant 0 : i32
      %dma_wait3A_190 = arith.constant 0 : i32
      %dma_wait3A_191 = tpu.memref_slice %arg3[%dma_wait3A_189, %dma_wait3A_190] : memref<10240x128xf32, #tpu.memory_space<hbm>> -> memref<80x16xf32, #tpu.memory_space<hbm>>
      tpu.wait_dma2 semaphore(%arg24 : memref<!tpu.dma_semaphore, #tpu.memory_space<semaphore_mem>>) src(%dma_wait3A_191 : memref<80x16xf32, #tpu.memory_space<hbm>>) dst(%arg14 : memref<80x16xf32, #tpu.memory_space<vmem>>)
      %dma_wait3A_192 = arith.constant 0 : i32
      %dma_wait3A_193 = arith.constant 0 : i32
      %dma_wait3A_194 = tpu.memref_slice %arg3[%dma_wait3A_192, %dma_wait3A_193] : memref<10240x128xf32, #tpu.memory_space<hbm>> -> memref<80x16xf32, #tpu.memory_space<hbm>>
      %dma_wait3A_195 = arith.constant 0 : i32
      %dma_wait3A_196 = arith.constant 0 : i32
      %dma_wait3A_197 = tpu.memref_slice %arg3[%dma_wait3A_195, %dma_wait3A_196] : memref<10240x128xf32, #tpu.memory_space<hbm>> -> memref<80x16xf32, #tpu.memory_space<hbm>>
      tpu.wait_dma2 semaphore(%arg24 : memref<!tpu.dma_semaphore, #tpu.memory_space<semaphore_mem>>) src(%dma_wait3A_197 : memref<80x16xf32, #tpu.memory_space<hbm>>) dst(%arg15 : memref<80x16xf32, #tpu.memory_space<vmem>>)
      %parallel_loop3A_198 = arith.constant 0 : i32
      %parallel_loop3A_199 = arith.constant 80 : i32
      %parallel_loop3A_200 = arith.constant 1 : i32
      scf.for %parallel_loop3A_203 = %parallel_loop3A_198 to %parallel_loop3A_199 step %parallel_loop3A_200  : i32 {
        %parallel_loop3A_204 = arith.index_cast %parallel_loop3A_203 : i32 to index
        %parallel_loop3A_205 = arith.constant 0 : index
        %parallel_loop3A_206 = tpu.vector_load %arg12[%parallel_loop3A_204, %parallel_loop3A_205] {strides = array<i32>} : memref<80x16xf32, #tpu.memory_space<vmem>>, vector<1x16xf32>,
        %parallel_loop3A_207 = vector.shape_cast %parallel_loop3A_206 : vector<1x16xf32> to vector<16xf32>
        %parallel_loop3A_208 = arith.index_cast %parallel_loop3A_203 : i32 to index
        %parallel_loop3A_209 = arith.constant 0 : index
        %parallel_loop3A_210 = tpu.vector_load %arg13[%parallel_loop3A_208, %parallel_loop3A_209] {strides = array<i32>} : memref<80x16xf32, #tpu.memory_space<vmem>>, vector<1x16xf32>,
        %parallel_loop3A_211 = vector.shape_cast %parallel_loop3A_210 : vector<1x16xf32> to vector<16xf32>
        %parallel_loop3A_212 = arith.addf %parallel_loop3A_207, %parallel_loop3A_211 : vector<16xf32>
        %parallel_loop3A_213 = arith.constant 2.000000e-01 : f32
        %parallel_loop3A_214 = vector.broadcast %parallel_loop3A_213 : f32 to vector<16xf32>
        %parallel_loop3A_215 = arith.mulf %parallel_loop3A_212, %parallel_loop3A_214 : vector<16xf32>
        %parallel_loop3A_216 = arith.maximumf %parallel_loop3A_212, %parallel_loop3A_215 : vector<16xf32>
        %parallel_loop3A_217 = arith.mulf %parallel_loop3A_216, %get3A_4 : vector<16xf32>
        %parallel_loop3A_218 = tpu.iota {dimensions = array<i32: 0>} : vector<16xi32>
        %parallel_loop3A_219 = arith.constant 8 : i32
        %parallel_loop3A_220 = vector.broadcast %parallel_loop3A_219 : i32 to vector<16xi32>
        %parallel_loop3A_221 = arith.xori %parallel_loop3A_218, %parallel_loop3A_220 : vector<16xi32>
        %parallel_loop3A_222 = vector.shape_cast %parallel_loop3A_221 : vector<16xi32> to vector<16x1xi32>
        %parallel_loop3A_223 = vector.shape_cast %parallel_loop3A_222 : vector<16x1xi32> to vector<16xi32>
        %parallel_loop3A_224 = tpu.dynamic_gather %parallel_loop3A_217[%parallel_loop3A_223] in [0] : vector<16xf32>, vector<16xi32> -> vector<16xf32>
        %parallel_loop3A_225 = arith.addf %parallel_loop3A_217, %parallel_loop3A_224 : vector<16xf32>
        %parallel_loop3A_226 = arith.constant 4 : i32
        %parallel_loop3A_227 = vector.broadcast %parallel_loop3A_226 : i32 to vector<16xi32>
        %parallel_loop3A_228 = arith.xori %parallel_loop3A_218, %parallel_loop3A_227 : vector<16xi32>
        %parallel_loop3A_229 = vector.shape_cast %parallel_loop3A_228 : vector<16xi32> to vector<16x1xi32>
        %parallel_loop3A_230 = vector.shape_cast %parallel_loop3A_229 : vector<16x1xi32> to vector<16xi32>
        %parallel_loop3A_231 = tpu.dynamic_gather %parallel_loop3A_225[%parallel_loop3A_230] in [0] : vector<16xf32>, vector<16xi32> -> vector<16xf32>
        %parallel_loop3A_232 = arith.addf %parallel_loop3A_225, %parallel_loop3A_231 : vector<16xf32>
        %parallel_loop3A_233 = arith.constant 2 : i32
        %parallel_loop3A_234 = vector.broadcast %parallel_loop3A_233 : i32 to vector<16xi32>
        %parallel_loop3A_235 = arith.xori %parallel_loop3A_218, %parallel_loop3A_234 : vector<16xi32>
        %parallel_loop3A_236 = vector.shape_cast %parallel_loop3A_235 : vector<16xi32> to vector<16x1xi32>
        %parallel_loop3A_237 = vector.shape_cast %parallel_loop3A_236 : vector<16x1xi32> to vector<16xi32>
        %parallel_loop3A_238 = tpu.dynamic_gather %parallel_loop3A_232[%parallel_loop3A_237] in [0] : vector<16xf32>, vector<16xi32> -> vector<16xf32>
        %parallel_loop3A_239 = arith.addf %parallel_loop3A_232, %parallel_loop3A_238 : vector<16xf32>
        %parallel_loop3A_240 = arith.constant 1 : i32
        %parallel_loop3A_241 = vector.broadcast %parallel_loop3A_240 : i32 to vector<16xi32>
        %parallel_loop3A_242 = arith.xori %parallel_loop3A_218, %parallel_loop3A_241 : vector<16xi32>
        %parallel_loop3A_243 = vector.shape_cast %parallel_loop3A_242 : vector<16xi32> to vector<16x1xi32>
        %parallel_loop3A_244 = vector.shape_cast %parallel_loop3A_243 : vector<16x1xi32> to vector<16xi32>
        %parallel_loop3A_245 = tpu.dynamic_gather %parallel_loop3A_239[%parallel_loop3A_244] in [0] : vector<16xf32>, vector<16xi32> -> vector<16xf32>
        %parallel_loop3A_246 = arith.addf %parallel_loop3A_239, %parallel_loop3A_245 : vector<16xf32>
        %parallel_loop3A_247 = arith.subf %parallel_loop3A_246, %get3A_14 : vector<16xf32>
        %parallel_loop3A_248 = math.exp %parallel_loop3A_247 : vector<16xf32>
        %parallel_loop3A_249 = arith.mulf %parallel_loop3A_207, %parallel_loop3A_248 : vector<16xf32>
        %parallel_loop3A_250 = arith.index_cast %parallel_loop3A_203 : i32 to index
        %parallel_loop3A_251 = arith.constant 0 : index
        %parallel_loop3A_252 = tpu.vector_load %arg12[%parallel_loop3A_250, %parallel_loop3A_251] {strides = array<i32>} : memref<80x16xf32, #tpu.memory_space<vmem>>, vector<1x16xf32>,
        %parallel_loop3A_253 = vector.shape_cast %parallel_loop3A_252 : vector<1x16xf32> to vector<16xf32>
        %parallel_loop3A_254 = vector.shape_cast %parallel_loop3A_249 : vector<16xf32> to vector<1x16xf32>
        tpu.vector_store %arg12[%parallel_loop3A_250, %parallel_loop3A_251], %parallel_loop3A_254 {strides = array<i32>} : memref<80x16xf32, #tpu.memory_space<vmem>>, vector<1x16xf32>,
        %parallel_loop3A_255 = arith.index_cast %parallel_loop3A_203 : i32 to index
        %parallel_loop3A_256 = arith.constant 0 : index
        %parallel_loop3A_257 = tpu.vector_load %arg14[%parallel_loop3A_255, %parallel_loop3A_256] {strides = array<i32>} : memref<80x16xf32, #tpu.memory_space<vmem>>, vector<1x16xf32>,
        %parallel_loop3A_258 = vector.shape_cast %parallel_loop3A_257 : vector<1x16xf32> to vector<16xf32>
        %parallel_loop3A_259 = arith.index_cast %parallel_loop3A_203 : i32 to index
        %parallel_loop3A_260 = arith.constant 0 : index
        %parallel_loop3A_261 = tpu.vector_load %arg15[%parallel_loop3A_259, %parallel_loop3A_260] {strides = array<i32>} : memref<80x16xf32, #tpu.memory_space<vmem>>, vector<1x16xf32>,
        %parallel_loop3A_262 = vector.shape_cast %parallel_loop3A_261 : vector<1x16xf32> to vector<16xf32>
        %parallel_loop3A_263 = arith.addf %parallel_loop3A_258, %parallel_loop3A_262 : vector<16xf32>
        %parallel_loop3A_264 = arith.constant 2.000000e-01 : f32
        %parallel_loop3A_265 = vector.broadcast %parallel_loop3A_264 : f32 to vector<16xf32>
        %parallel_loop3A_266 = arith.mulf %parallel_loop3A_263, %parallel_loop3A_265 : vector<16xf32>
        %parallel_loop3A_267 = arith.maximumf %parallel_loop3A_263, %parallel_loop3A_266 : vector<16xf32>
        %parallel_loop3A_268 = arith.mulf %parallel_loop3A_267, %get3A_9 : vector<16xf32>
        %parallel_loop3A_269 = tpu.iota {dimensions = array<i32: 0>} : vector<16xi32>
        %parallel_loop3A_270 = arith.constant 8 : i32
        %parallel_loop3A_271 = vector.broadcast %parallel_loop3A_270 : i32 to vector<16xi32>
        %parallel_loop3A_272 = arith.xori %parallel_loop3A_269, %parallel_loop3A_271 : vector<16xi32>
        %parallel_loop3A_273 = vector.shape_cast %parallel_loop3A_272 : vector<16xi32> to vector<16x1xi32>
        %parallel_loop3A_274 = vector.shape_cast %parallel_loop3A_273 : vector<16x1xi32> to vector<16xi32>
        %parallel_loop3A_275 = tpu.dynamic_gather %parallel_loop3A_268[%parallel_loop3A_274] in [0] : vector<16xf32>, vector<16xi32> -> vector<16xf32>
        %parallel_loop3A_276 = arith.addf %parallel_loop3A_268, %parallel_loop3A_275 : vector<16xf32>
        %parallel_loop3A_277 = arith.constant 4 : i32
        %parallel_loop3A_278 = vector.broadcast %parallel_loop3A_277 : i32 to vector<16xi32>
        %parallel_loop3A_279 = arith.xori %parallel_loop3A_269, %parallel_loop3A_278 : vector<16xi32>
        %parallel_loop3A_280 = vector.shape_cast %parallel_loop3A_279 : vector<16xi32> to vector<16x1xi32>
        %parallel_loop3A_281 = vector.shape_cast %parallel_loop3A_280 : vector<16x1xi32> to vector<16xi32>
        %parallel_loop3A_282 = tpu.dynamic_gather %parallel_loop3A_276[%parallel_loop3A_281] in [0] : vector<16xf32>, vector<16xi32> -> vector<16xf32>
        %parallel_loop3A_283 = arith.addf %parallel_loop3A_276, %parallel_loop3A_282 : vector<16xf32>
        %parallel_loop3A_284 = arith.constant 2 : i32
        %parallel_loop3A_285 = vector.broadcast %parallel_loop3A_284 : i32 to vector<16xi32>
        %parallel_loop3A_286 = arith.xori %parallel_loop3A_269, %parallel_loop3A_285 : vector<16xi32>
        %parallel_loop3A_287 = vector.shape_cast %parallel_loop3A_286 : vector<16xi32> to vector<16x1xi32>
        %parallel_loop3A_288 = vector.shape_cast %parallel_loop3A_287 : vector<16x1xi32> to vector<16xi32>
        %parallel_loop3A_289 = tpu.dynamic_gather %parallel_loop3A_283[%parallel_loop3A_288] in [0] : vector<16xf32>, vector<16xi32> -> vector<16xf32>
        %parallel_loop3A_290 = arith.addf %parallel_loop3A_283, %parallel_loop3A_289 : vector<16xf32>
        %parallel_loop3A_291 = arith.constant 1 : i32
        %parallel_loop3A_292 = vector.broadcast %parallel_loop3A_291 : i32 to vector<16xi32>
        %parallel_loop3A_293 = arith.xori %parallel_loop3A_269, %parallel_loop3A_292 : vector<16xi32>
        %parallel_loop3A_294 = vector.shape_cast %parallel_loop3A_293 : vector<16xi32> to vector<16x1xi32>
        %parallel_loop3A_295 = vector.shape_cast %parallel_loop3A_294 : vector<16x1xi32> to vector<16xi32>
        %parallel_loop3A_296 = tpu.dynamic_gather %parallel_loop3A_290[%parallel_loop3A_295] in [0] : vector<16xf32>, vector<16xi32> -> vector<16xf32>
        %parallel_loop3A_297 = arith.addf %parallel_loop3A_290, %parallel_loop3A_296 : vector<16xf32>
        %parallel_loop3A_298 = arith.subf %parallel_loop3A_297, %get3A_19 : vector<16xf32>
        %parallel_loop3A_299 = math.exp %parallel_loop3A_298 : vector<16xf32>
        %parallel_loop3A_300 = arith.mulf %parallel_loop3A_258, %parallel_loop3A_299 : vector<16xf32>
        %parallel_loop3A_301 = arith.index_cast %parallel_loop3A_203 : i32 to index
        %parallel_loop3A_302 = arith.constant 0 : index
        %parallel_loop3A_303 = tpu.vector_load %arg14[%parallel_loop3A_301, %parallel_loop3A_302] {strides = array<i32>} : memref<80x16xf32, #tpu.memory_space<vmem>>, vector<1x16xf32>,
        %parallel_loop3A_304 = vector.shape_cast %parallel_loop3A_303 : vector<1x16xf32> to vector<16xf32>
        %parallel_loop3A_305 = vector.shape_cast %parallel_loop3A_300 : vector<16xf32> to vector<1x16xf32>
        tpu.vector_store %arg14[%parallel_loop3A_301, %parallel_loop3A_302], %parallel_loop3A_305 {strides = array<i32>} : memref<80x16xf32, #tpu.memory_space<vmem>>, vector<1x16xf32>,
      } {sc.loop_unroll_factor = 4 : i64, sc.parallel_access}
      %add3A_201 = arith.constant 1 : i32
      %add3A_202 = arith.addi %mul3A_94, %add3A_201 : i32
      "tpu.region"() ({
        %run_scoped3A_203 = tpu.sem_alloc : memref<!tpu.dma_semaphore, #tpu.memory_space<semaphore_mem>>
        %dma_start3A_204 = arith.constant 0 : i32
        %dma_start3A_205 = tpu.memref_slice %arg7[%add3A_202, %dma_start3A_204] : memref<125x80xi32, #tpu.memory_space<vmem>> -> memref<1x80xi32, #tpu.memory_space<vmem>>
        %dma_start3A_206 = tpu.memref_squeeze %dma_start3A_205 : memref<1x80xi32, #tpu.memory_space<vmem>> -> memref<80xi32, #tpu.memory_space<vmem>>
        %dma_start3A_207 = arith.constant 0 : i32
        %dma_start3A_208 = arith.constant 0 : i32
        %dma_start3A_209 = tpu.memref_slice %arg22[%dma_start3A_207, %dma_start3A_208] : memref<10240x16xf32, #tpu.memory_space<vmem_shared>> -> memref<10240x16xf32, #tpu.memory_space<vmem_shared>>
        tpu.enqueue_indirect_dma source(%arg12 : memref<80x16xf32, #tpu.memory_space<vmem>>) target(%dma_start3A_209 : memref<10240x16xf32, #tpu.memory_space<vmem_shared>>) offsets(%dma_start3A_206 : memref<80xi32, #tpu.memory_space<vmem>>) semaphore(%run_scoped3A_203 : memref<!tpu.dma_semaphore, #tpu.memory_space<semaphore_mem>>) {add = true}
        %dma_wait3A_210 = arith.constant 0 : i32
        %dma_wait3A_211 = tpu.memref_slice %arg7[%add3A_202, %dma_wait3A_210] : memref<125x80xi32, #tpu.memory_space<vmem>> -> memref<1x80xi32, #tpu.memory_space<vmem>>
        %dma_wait3A_212 = tpu.memref_squeeze %dma_wait3A_211 : memref<1x80xi32, #tpu.memory_space<vmem>> -> memref<80xi32, #tpu.memory_space<vmem>>
        %dma_wait3A_213 = arith.constant 0 : i32
        %dma_wait3A_214 = arith.constant 0 : i32
        %dma_wait3A_215 = tpu.memref_slice %arg22[%dma_wait3A_213, %dma_wait3A_214] : memref<10240x16xf32, #tpu.memory_space<vmem_shared>> -> memref<10240x16xf32, #tpu.memory_space<vmem_shared>>
        tpu.wait_indirect_dma semaphore(%run_scoped3A_203 : memref<!tpu.dma_semaphore, #tpu.memory_space<semaphore_mem>>) src(%arg12 : memref<80x16xf32, #tpu.memory_space<vmem>>) dst(%dma_wait3A_215 : memref<10240x16xf32, #tpu.memory_space<vmem_shared>>)
        tpu.yield
      }) : () -> ()
      "tpu.region"() ({
        %run_scoped3A_203 = tpu.sem_alloc : memref<!tpu.dma_semaphore, #tpu.memory_space<semaphore_mem>>
        %dma_start3A_204 = arith.constant 0 : i32
        %dma_start3A_205 = tpu.memref_slice %arg7[%add3A_202, %dma_start3A_204] : memref<125x80xi32, #tpu.memory_space<vmem>> -> memref<1x80xi32, #tpu.memory_space<vmem>>
        %dma_start3A_206 = tpu.memref_squeeze %dma_start3A_205 : memref<1x80xi32, #tpu.memory_space<vmem>> -> memref<80xi32, #tpu.memory_space<vmem>>
        %dma_start3A_207 = arith.constant 0 : i32
        %dma_start3A_208 = arith.constant 0 : i32
        %dma_start3A_209 = tpu.memref_slice %arg23[%dma_start3A_207, %dma_start3A_208] : memref<10240x16xf32, #tpu.memory_space<vmem_shared>> -> memref<10240x16xf32, #tpu.memory_space<vmem_shared>>
        tpu.enqueue_indirect_dma source(%arg14 : memref<80x16xf32, #tpu.memory_space<vmem>>) target(%dma_start3A_209 : memref<10240x16xf32, #tpu.memory_space<vmem_shared>>) offsets(%dma_start3A_206 : memref<80xi32, #tpu.memory_space<vmem>>) semaphore(%run_scoped3A_203 : memref<!tpu.dma_semaphore, #tpu.memory_space<semaphore_mem>>) {add = true}
        %dma_wait3A_210 = arith.constant 0 : i32
        %dma_wait3A_211 = tpu.memref_slice %arg7[%add3A_202, %dma_wait3A_210] : memref<125x80xi32, #tpu.memory_space<vmem>> -> memref<1x80xi32, #tpu.memory_space<vmem>>
        %dma_wait3A_212 = tpu.memref_squeeze %dma_wait3A_211 : memref<1x80xi32, #tpu.memory_space<vmem>> -> memref<80xi32, #tpu.memory_space<vmem>>
        %dma_wait3A_213 = arith.constant 0 : i32
        %dma_wait3A_214 = arith.constant 0 : i32
        %dma_wait3A_215 = tpu.memref_slice %arg23[%dma_wait3A_213, %dma_wait3A_214] : memref<10240x16xf32, #tpu.memory_space<vmem_shared>> -> memref<10240x16xf32, #tpu.memory_space<vmem_shared>>
        tpu.wait_indirect_dma semaphore(%run_scoped3A_203 : memref<!tpu.dma_semaphore, #tpu.memory_space<semaphore_mem>>) src(%arg14 : memref<80x16xf32, #tpu.memory_space<vmem>>) dst(%dma_wait3A_215 : memref<10240x16xf32, #tpu.memory_space<vmem_shared>>)
        tpu.yield
      }) : () -> ()
    }
    %scan3A_60 = arith.constant 62 : i32
    %dma_wait3A = arith.constant 0 : i32
    %dma_wait3A_61 = arith.constant 0 : i32
    %dma_wait3A_62 = tpu.memref_slice %arg3[%dma_wait3A, %dma_wait3A_61] : memref<10240x128xf32, #tpu.memory_space<hbm>> -> memref<80x16xf32, #tpu.memory_space<hbm>>
    %dma_wait3A_63 = arith.constant 0 : i32
    %dma_wait3A_64 = arith.constant 0 : i32
    %dma_wait3A_65 = tpu.memref_slice %arg3[%dma_wait3A_63, %dma_wait3A_64] : memref<10240x128xf32, #tpu.memory_space<hbm>> -> memref<80x16xf32, #tpu.memory_space<hbm>>
    tpu.wait_dma2 semaphore(%arg24 : memref<!tpu.dma_semaphore, #tpu.memory_space<semaphore_mem>>) src(%dma_wait3A_65 : memref<80x16xf32, #tpu.memory_space<hbm>>) dst(%arg8 : memref<80x16xf32, #tpu.memory_space<vmem>>)
    %dma_wait3A_66 = arith.constant 0 : i32
    %dma_wait3A_67 = arith.constant 0 : i32
    %dma_wait3A_68 = tpu.memref_slice %arg3[%dma_wait3A_66, %dma_wait3A_67] : memref<10240x128xf32, #tpu.memory_space<hbm>> -> memref<80x16xf32, #tpu.memory_space<hbm>>
    %dma_wait3A_69 = arith.constant 0 : i32
    %dma_wait3A_70 = arith.constant 0 : i32
    %dma_wait3A_71 = tpu.memref_slice %arg3[%dma_wait3A_69, %dma_wait3A_70] : memref<10240x128xf32, #tpu.memory_space<hbm>> -> memref<80x16xf32, #tpu.memory_space<hbm>>
    tpu.wait_dma2 semaphore(%arg24 : memref<!tpu.dma_semaphore, #tpu.memory_space<semaphore_mem>>) src(%dma_wait3A_71 : memref<80x16xf32, #tpu.memory_space<hbm>>) dst(%arg9 : memref<80x16xf32, #tpu.memory_space<vmem>>)
    %dma_wait3A_72 = arith.constant 0 : i32
    %dma_wait3A_73 = arith.constant 0 : i32
    %dma_wait3A_74 = tpu.memref_slice %arg3[%dma_wait3A_72, %dma_wait3A_73] : memref<10240x128xf32, #tpu.memory_space<hbm>> -> memref<80x16xf32, #tpu.memory_space<hbm>>
    %dma_wait3A_75 = arith.constant 0 : i32
    %dma_wait3A_76 = arith.constant 0 : i32
    %dma_wait3A_77 = tpu.memref_slice %arg3[%dma_wait3A_75, %dma_wait3A_76] : memref<10240x128xf32, #tpu.memory_space<hbm>> -> memref<80x16xf32, #tpu.memory_space<hbm>>
    tpu.wait_dma2 semaphore(%arg24 : memref<!tpu.dma_semaphore, #tpu.memory_space<semaphore_mem>>) src(%dma_wait3A_77 : memref<80x16xf32, #tpu.memory_space<hbm>>) dst(%arg10 : memref<80x16xf32, #tpu.memory_space<vmem>>)
    %dma_wait3A_78 = arith.constant 0 : i32
    %dma_wait3A_79 = arith.constant 0 : i32
    %dma_wait3A_80 = tpu.memref_slice %arg3[%dma_wait3A_78, %dma_wait3A_79] : memref<10240x128xf32, #tpu.memory_space<hbm>> -> memref<80x16xf32, #tpu.memory_space<hbm>>
    %dma_wait3A_81 = arith.constant 0 : i32
    %dma_wait3A_82 = arith.constant 0 : i32
    %dma_wait3A_83 = tpu.memref_slice %arg3[%dma_wait3A_81, %dma_wait3A_82] : memref<10240x128xf32, #tpu.memory_space<hbm>> -> memref<80x16xf32, #tpu.memory_space<hbm>>
    tpu.wait_dma2 semaphore(%arg24 : memref<!tpu.dma_semaphore, #tpu.memory_space<semaphore_mem>>) src(%dma_wait3A_83 : memref<80x16xf32, #tpu.memory_space<hbm>>) dst(%arg11 : memref<80x16xf32, #tpu.memory_space<vmem>>)
    %parallel_loop3A = arith.constant 0 : i32
    %parallel_loop3A_84 = arith.constant 80 : i32
    %parallel_loop3A_85 = arith.constant 1 : i32
    scf.for %parallel_loop3A_92 = %parallel_loop3A to %parallel_loop3A_84 step %parallel_loop3A_85  : i32 {
      %parallel_loop3A_93 = arith.index_cast %parallel_loop3A_92 : i32 to index
      %parallel_loop3A_94 = arith.constant 0 : index
      %parallel_loop3A_95 = tpu.vector_load %arg8[%parallel_loop3A_93, %parallel_loop3A_94] {strides = array<i32>} : memref<80x16xf32, #tpu.memory_space<vmem>>, vector<1x16xf32>,
      %parallel_loop3A_96 = vector.shape_cast %parallel_loop3A_95 : vector<1x16xf32> to vector<16xf32>
      %parallel_loop3A_97 = arith.index_cast %parallel_loop3A_92 : i32 to index
      %parallel_loop3A_98 = arith.constant 0 : index
      %parallel_loop3A_99 = tpu.vector_load %arg9[%parallel_loop3A_97, %parallel_loop3A_98] {strides = array<i32>} : memref<80x16xf32, #tpu.memory_space<vmem>>, vector<1x16xf32>,
      %parallel_loop3A_100 = vector.shape_cast %parallel_loop3A_99 : vector<1x16xf32> to vector<16xf32>
      %parallel_loop3A_101 = arith.addf %parallel_loop3A_96, %parallel_loop3A_100 : vector<16xf32>
      %parallel_loop3A_102 = arith.constant 2.000000e-01 : f32
      %parallel_loop3A_103 = vector.broadcast %parallel_loop3A_102 : f32 to vector<16xf32>
      %parallel_loop3A_104 = arith.mulf %parallel_loop3A_101, %parallel_loop3A_103 : vector<16xf32>
      %parallel_loop3A_105 = arith.maximumf %parallel_loop3A_101, %parallel_loop3A_104 : vector<16xf32>
      %parallel_loop3A_106 = arith.mulf %parallel_loop3A_105, %get3A_4 : vector<16xf32>
      %parallel_loop3A_107 = tpu.iota {dimensions = array<i32: 0>} : vector<16xi32>
      %parallel_loop3A_108 = arith.constant 8 : i32
      %parallel_loop3A_109 = vector.broadcast %parallel_loop3A_108 : i32 to vector<16xi32>
      %parallel_loop3A_110 = arith.xori %parallel_loop3A_107, %parallel_loop3A_109 : vector<16xi32>
      %parallel_loop3A_111 = vector.shape_cast %parallel_loop3A_110 : vector<16xi32> to vector<16x1xi32>
      %parallel_loop3A_112 = vector.shape_cast %parallel_loop3A_111 : vector<16x1xi32> to vector<16xi32>
      %parallel_loop3A_113 = tpu.dynamic_gather %parallel_loop3A_106[%parallel_loop3A_112] in [0] : vector<16xf32>, vector<16xi32> -> vector<16xf32>
      %parallel_loop3A_114 = arith.addf %parallel_loop3A_106, %parallel_loop3A_113 : vector<16xf32>
      %parallel_loop3A_115 = arith.constant 4 : i32
      %parallel_loop3A_116 = vector.broadcast %parallel_loop3A_115 : i32 to vector<16xi32>
      %parallel_loop3A_117 = arith.xori %parallel_loop3A_107, %parallel_loop3A_116 : vector<16xi32>
      %parallel_loop3A_118 = vector.shape_cast %parallel_loop3A_117 : vector<16xi32> to vector<16x1xi32>
      %parallel_loop3A_119 = vector.shape_cast %parallel_loop3A_118 : vector<16x1xi32> to vector<16xi32>
      %parallel_loop3A_120 = tpu.dynamic_gather %parallel_loop3A_114[%parallel_loop3A_119] in [0] : vector<16xf32>, vector<16xi32> -> vector<16xf32>
      %parallel_loop3A_121 = arith.addf %parallel_loop3A_114, %parallel_loop3A_120 : vector<16xf32>
      %parallel_loop3A_122 = arith.constant 2 : i32
      %parallel_loop3A_123 = vector.broadcast %parallel_loop3A_122 : i32 to vector<16xi32>
      %parallel_loop3A_124 = arith.xori %parallel_loop3A_107, %parallel_loop3A_123 : vector<16xi32>
      %parallel_loop3A_125 = vector.shape_cast %parallel_loop3A_124 : vector<16xi32> to vector<16x1xi32>
      %parallel_loop3A_126 = vector.shape_cast %parallel_loop3A_125 : vector<16x1xi32> to vector<16xi32>
      %parallel_loop3A_127 = tpu.dynamic_gather %parallel_loop3A_121[%parallel_loop3A_126] in [0] : vector<16xf32>, vector<16xi32> -> vector<16xf32>
      %parallel_loop3A_128 = arith.addf %parallel_loop3A_121, %parallel_loop3A_127 : vector<16xf32>
      %parallel_loop3A_129 = arith.constant 1 : i32
      %parallel_loop3A_130 = vector.broadcast %parallel_loop3A_129 : i32 to vector<16xi32>
      %parallel_loop3A_131 = arith.xori %parallel_loop3A_107, %parallel_loop3A_130 : vector<16xi32>
      %parallel_loop3A_132 = vector.shape_cast %parallel_loop3A_131 : vector<16xi32> to vector<16x1xi32>
      %parallel_loop3A_133 = vector.shape_cast %parallel_loop3A_132 : vector<16x1xi32> to vector<16xi32>
      %parallel_loop3A_134 = tpu.dynamic_gather %parallel_loop3A_128[%parallel_loop3A_133] in [0] : vector<16xf32>, vector<16xi32> -> vector<16xf32>
      %parallel_loop3A_135 = arith.addf %parallel_loop3A_128, %parallel_loop3A_134 : vector<16xf32>
      %parallel_loop3A_136 = arith.subf %parallel_loop3A_135, %get3A_14 : vector<16xf32>
      %parallel_loop3A_137 = math.exp %parallel_loop3A_136 : vector<16xf32>
      %parallel_loop3A_138 = arith.mulf %parallel_loop3A_96, %parallel_loop3A_137 : vector<16xf32>
      %parallel_loop3A_139 = arith.index_cast %parallel_loop3A_92 : i32 to index
      %parallel_loop3A_140 = arith.constant 0 : index
      %parallel_loop3A_141 = tpu.vector_load %arg8[%parallel_loop3A_139, %parallel_loop3A_140] {strides = array<i32>} : memref<80x16xf32, #tpu.memory_space<vmem>>, vector<1x16xf32>,
      %parallel_loop3A_142 = vector.shape_cast %parallel_loop3A_141 : vector<1x16xf32> to vector<16xf32>
      %parallel_loop3A_143 = vector.shape_cast %parallel_loop3A_138 : vector<16xf32> to vector<1x16xf32>
      tpu.vector_store %arg8[%parallel_loop3A_139, %parallel_loop3A_140], %parallel_loop3A_143 {strides = array<i32>} : memref<80x16xf32, #tpu.memory_space<vmem>>, vector<1x16xf32>,
      %parallel_loop3A_144 = arith.index_cast %parallel_loop3A_92 : i32 to index
      %parallel_loop3A_145 = arith.constant 0 : index
      %parallel_loop3A_146 = tpu.vector_load %arg10[%parallel_loop3A_144, %parallel_loop3A_145] {strides = array<i32>} : memref<80x16xf32, #tpu.memory_space<vmem>>, vector<1x16xf32>,
      %parallel_loop3A_147 = vector.shape_cast %parallel_loop3A_146 : vector<1x16xf32> to vector<16xf32>
      %parallel_loop3A_148 = arith.index_cast %parallel_loop3A_92 : i32 to index
      %parallel_loop3A_149 = arith.constant 0 : index
      %parallel_loop3A_150 = tpu.vector_load %arg11[%parallel_loop3A_148, %parallel_loop3A_149] {strides = array<i32>} : memref<80x16xf32, #tpu.memory_space<vmem>>, vector<1x16xf32>,
      %parallel_loop3A_151 = vector.shape_cast %parallel_loop3A_150 : vector<1x16xf32> to vector<16xf32>
      %parallel_loop3A_152 = arith.addf %parallel_loop3A_147, %parallel_loop3A_151 : vector<16xf32>
      %parallel_loop3A_153 = arith.constant 2.000000e-01 : f32
      %parallel_loop3A_154 = vector.broadcast %parallel_loop3A_153 : f32 to vector<16xf32>
      %parallel_loop3A_155 = arith.mulf %parallel_loop3A_152, %parallel_loop3A_154 : vector<16xf32>
      %parallel_loop3A_156 = arith.maximumf %parallel_loop3A_152, %parallel_loop3A_155 : vector<16xf32>
      %parallel_loop3A_157 = arith.mulf %parallel_loop3A_156, %get3A_9 : vector<16xf32>
      %parallel_loop3A_158 = tpu.iota {dimensions = array<i32: 0>} : vector<16xi32>
      %parallel_loop3A_159 = arith.constant 8 : i32
      %parallel_loop3A_160 = vector.broadcast %parallel_loop3A_159 : i32 to vector<16xi32>
      %parallel_loop3A_161 = arith.xori %parallel_loop3A_158, %parallel_loop3A_160 : vector<16xi32>
      %parallel_loop3A_162 = vector.shape_cast %parallel_loop3A_161 : vector<16xi32> to vector<16x1xi32>
      %parallel_loop3A_163 = vector.shape_cast %parallel_loop3A_162 : vector<16x1xi32> to vector<16xi32>
      %parallel_loop3A_164 = tpu.dynamic_gather %parallel_loop3A_157[%parallel_loop3A_163] in [0] : vector<16xf32>, vector<16xi32> -> vector<16xf32>
      %parallel_loop3A_165 = arith.addf %parallel_loop3A_157, %parallel_loop3A_164 : vector<16xf32>
      %parallel_loop3A_166 = arith.constant 4 : i32
      %parallel_loop3A_167 = vector.broadcast %parallel_loop3A_166 : i32 to vector<16xi32>
      %parallel_loop3A_168 = arith.xori %parallel_loop3A_158, %parallel_loop3A_167 : vector<16xi32>
      %parallel_loop3A_169 = vector.shape_cast %parallel_loop3A_168 : vector<16xi32> to vector<16x1xi32>
      %parallel_loop3A_170 = vector.shape_cast %parallel_loop3A_169 : vector<16x1xi32> to vector<16xi32>
      %parallel_loop3A_171 = tpu.dynamic_gather %parallel_loop3A_165[%parallel_loop3A_170] in [0] : vector<16xf32>, vector<16xi32> -> vector<16xf32>
      %parallel_loop3A_172 = arith.addf %parallel_loop3A_165, %parallel_loop3A_171 : vector<16xf32>
      %parallel_loop3A_173 = arith.constant 2 : i32
      %parallel_loop3A_174 = vector.broadcast %parallel_loop3A_173 : i32 to vector<16xi32>
      %parallel_loop3A_175 = arith.xori %parallel_loop3A_158, %parallel_loop3A_174 : vector<16xi32>
      %parallel_loop3A_176 = vector.shape_cast %parallel_loop3A_175 : vector<16xi32> to vector<16x1xi32>
      %parallel_loop3A_177 = vector.shape_cast %parallel_loop3A_176 : vector<16x1xi32> to vector<16xi32>
      %parallel_loop3A_178 = tpu.dynamic_gather %parallel_loop3A_172[%parallel_loop3A_177] in [0] : vector<16xf32>, vector<16xi32> -> vector<16xf32>
      %parallel_loop3A_179 = arith.addf %parallel_loop3A_172, %parallel_loop3A_178 : vector<16xf32>
      %parallel_loop3A_180 = arith.constant 1 : i32
      %parallel_loop3A_181 = vector.broadcast %parallel_loop3A_180 : i32 to vector<16xi32>
      %parallel_loop3A_182 = arith.xori %parallel_loop3A_158, %parallel_loop3A_181 : vector<16xi32>
      %parallel_loop3A_183 = vector.shape_cast %parallel_loop3A_182 : vector<16xi32> to vector<16x1xi32>
      %parallel_loop3A_184 = vector.shape_cast %parallel_loop3A_183 : vector<16x1xi32> to vector<16xi32>
      %parallel_loop3A_185 = tpu.dynamic_gather %parallel_loop3A_179[%parallel_loop3A_184] in [0] : vector<16xf32>, vector<16xi32> -> vector<16xf32>
      %parallel_loop3A_186 = arith.addf %parallel_loop3A_179, %parallel_loop3A_185 : vector<16xf32>
      %parallel_loop3A_187 = arith.subf %parallel_loop3A_186, %get3A_19 : vector<16xf32>
      %parallel_loop3A_188 = math.exp %parallel_loop3A_187 : vector<16xf32>
      %parallel_loop3A_189 = arith.mulf %parallel_loop3A_147, %parallel_loop3A_188 : vector<16xf32>
      %parallel_loop3A_190 = arith.index_cast %parallel_loop3A_92 : i32 to index
      %parallel_loop3A_191 = arith.constant 0 : index
      %parallel_loop3A_192 = tpu.vector_load %arg10[%parallel_loop3A_190, %parallel_loop3A_191] {strides = array<i32>} : memref<80x16xf32, #tpu.memory_space<vmem>>, vector<1x16xf32>,
      %parallel_loop3A_193 = vector.shape_cast %parallel_loop3A_192 : vector<1x16xf32> to vector<16xf32>
      %parallel_loop3A_194 = vector.shape_cast %parallel_loop3A_189 : vector<16xf32> to vector<1x16xf32>
      tpu.vector_store %arg10[%parallel_loop3A_190, %parallel_loop3A_191], %parallel_loop3A_194 {strides = array<i32>} : memref<80x16xf32, #tpu.memory_space<vmem>>, vector<1x16xf32>,
    } {sc.loop_unroll_factor = 4 : i64, sc.parallel_access}
    %run_scoped3A_86 = arith.constant 124 : i32
    "tpu.region"() ({
      %run_scoped3A_92 = tpu.sem_alloc : memref<!tpu.dma_semaphore, #tpu.memory_space<semaphore_mem>>
      %dma_start3A_93 = arith.constant 0 : i32
      %dma_start3A_94 = tpu.memref_slice %arg7[%run_scoped3A_86, %dma_start3A_93] : memref<125x80xi32, #tpu.memory_space<vmem>> -> memref<1x80xi32, #tpu.memory_space<vmem>>
      %dma_start3A_95 = tpu.memref_squeeze %dma_start3A_94 : memref<1x80xi32, #tpu.memory_space<vmem>> -> memref<80xi32, #tpu.memory_space<vmem>>
      %dma_start3A_96 = arith.constant 0 : i32
      %dma_start3A_97 = arith.constant 0 : i32
      %dma_start3A_98 = tpu.memref_slice %arg22[%dma_start3A_96, %dma_start3A_97] : memref<10240x16xf32, #tpu.memory_space<vmem_shared>> -> memref<10240x16xf32, #tpu.memory_space<vmem_shared>>
      tpu.enqueue_indirect_dma source(%arg8 : memref<80x16xf32, #tpu.memory_space<vmem>>) target(%dma_start3A_98 : memref<10240x16xf32, #tpu.memory_space<vmem_shared>>) offsets(%dma_start3A_95 : memref<80xi32, #tpu.memory_space<vmem>>) semaphore(%run_scoped3A_92 : memref<!tpu.dma_semaphore, #tpu.memory_space<semaphore_mem>>) {add = true}
      %dma_wait3A_99 = arith.constant 0 : i32
      %dma_wait3A_100 = tpu.memref_slice %arg7[%run_scoped3A_86, %dma_wait3A_99] : memref<125x80xi32, #tpu.memory_space<vmem>> -> memref<1x80xi32, #tpu.memory_space<vmem>>
      %dma_wait3A_101 = tpu.memref_squeeze %dma_wait3A_100 : memref<1x80xi32, #tpu.memory_space<vmem>> -> memref<80xi32, #tpu.memory_space<vmem>>
      %dma_wait3A_102 = arith.constant 0 : i32
      %dma_wait3A_103 = arith.constant 0 : i32
      %dma_wait3A_104 = tpu.memref_slice %arg22[%dma_wait3A_102, %dma_wait3A_103] : memref<10240x16xf32, #tpu.memory_space<vmem_shared>> -> memref<10240x16xf32, #tpu.memory_space<vmem_shared>>
      tpu.wait_indirect_dma semaphore(%run_scoped3A_92 : memref<!tpu.dma_semaphore, #tpu.memory_space<semaphore_mem>>) src(%arg8 : memref<80x16xf32, #tpu.memory_space<vmem>>) dst(%dma_wait3A_104 : memref<10240x16xf32, #tpu.memory_space<vmem_shared>>)
      tpu.yield
    }) : () -> ()
    %run_scoped3A_87 = arith.constant 124 : i32
    "tpu.region"() ({
      %run_scoped3A_92 = tpu.sem_alloc : memref<!tpu.dma_semaphore, #tpu.memory_space<semaphore_mem>>
      %dma_start3A_93 = arith.constant 0 : i32
      %dma_start3A_94 = tpu.memref_slice %arg7[%run_scoped3A_87, %dma_start3A_93] : memref<125x80xi32, #tpu.memory_space<vmem>> -> memref<1x80xi32, #tpu.memory_space<vmem>>
      %dma_start3A_95 = tpu.memref_squeeze %dma_start3A_94 : memref<1x80xi32, #tpu.memory_space<vmem>> -> memref<80xi32, #tpu.memory_space<vmem>>
      %dma_start3A_96 = arith.constant 0 : i32
      %dma_start3A_97 = arith.constant 0 : i32
      %dma_start3A_98 = tpu.memref_slice %arg23[%dma_start3A_96, %dma_start3A_97] : memref<10240x16xf32, #tpu.memory_space<vmem_shared>> -> memref<10240x16xf32, #tpu.memory_space<vmem_shared>>
      tpu.enqueue_indirect_dma source(%arg10 : memref<80x16xf32, #tpu.memory_space<vmem>>) target(%dma_start3A_98 : memref<10240x16xf32, #tpu.memory_space<vmem_shared>>) offsets(%dma_start3A_95 : memref<80xi32, #tpu.memory_space<vmem>>) semaphore(%run_scoped3A_92 : memref<!tpu.dma_semaphore, #tpu.memory_space<semaphore_mem>>) {add = true}
      %dma_wait3A_99 = arith.constant 0 : i32
      %dma_wait3A_100 = tpu.memref_slice %arg7[%run_scoped3A_87, %dma_wait3A_99] : memref<125x80xi32, #tpu.memory_space<vmem>> -> memref<1x80xi32, #tpu.memory_space<vmem>>
      %dma_wait3A_101 = tpu.memref_squeeze %dma_wait3A_100 : memref<1x80xi32, #tpu.memory_space<vmem>> -> memref<80xi32, #tpu.memory_space<vmem>>
      %dma_wait3A_102 = arith.constant 0 : i32
      %dma_wait3A_103 = arith.constant 0 : i32
      %dma_wait3A_104 = tpu.memref_slice %arg23[%dma_wait3A_102, %dma_wait3A_103] : memref<10240x16xf32, #tpu.memory_space<vmem_shared>> -> memref<10240x16xf32, #tpu.memory_space<vmem_shared>>
      tpu.wait_indirect_dma semaphore(%run_scoped3A_92 : memref<!tpu.dma_semaphore, #tpu.memory_space<semaphore_mem>>) src(%arg10 : memref<80x16xf32, #tpu.memory_space<vmem>>) dst(%dma_wait3A_104 : memref<10240x16xf32, #tpu.memory_space<vmem_shared>>)
      tpu.yield
    }) : () -> ()
    %barrier3A_88 = arith.constant 0 : index
    tpu.barrier barrier_id(%barrier3A_88)
    %mul3A_89 = arith.constant 16000 : i32
    %mul3A_90 = arith.muli %arg0, %mul3A_89 : i32
    %add3A_91 = arith.addi %mul3A_90, %mul3A_21 : i32
    "tpu.region"() ({
      %run_scoped3A_92 = tpu.sem_alloc : memref<!tpu.dma_semaphore, #tpu.memory_space<semaphore_mem>>
      %dma_start3A_93 = arith.constant 0 : i32
      %dma_start3A_94 = tpu.memref_slice %arg5[%add3A_91, %dma_start3A_93] : memref<32000x128xf32, #tpu.memory_space<hbm>> -> memref<640x16xf32, #tpu.memory_space<hbm>>
      %dma_start3A_95 = arith.constant 0 : i32
      %dma_start3A_96 = tpu.memref_slice %arg22[%mul3A_21, %dma_start3A_95] : memref<10240x16xf32, #tpu.memory_space<vmem_shared>> -> memref<640x16xf32, #tpu.memory_space<vmem_shared>>
      tpu.enqueue_dma source(%dma_start3A_96 : memref<640x16xf32, #tpu.memory_space<vmem_shared>>) target(%dma_start3A_94 : memref<640x16xf32, #tpu.memory_space<hbm>>) target_semaphore(%run_scoped3A_92 : memref<!tpu.dma_semaphore, #tpu.memory_space<semaphore_mem>>)
      %dma_wait3A_97 = arith.constant 0 : i32
      %dma_wait3A_98 = tpu.memref_slice %arg5[%add3A_91, %dma_wait3A_97] : memref<32000x128xf32, #tpu.memory_space<hbm>> -> memref<640x16xf32, #tpu.memory_space<hbm>>
      %dma_wait3A_99 = arith.constant 0 : i32
      %dma_wait3A_100 = tpu.memref_slice %arg22[%mul3A_21, %dma_wait3A_99] : memref<10240x16xf32, #tpu.memory_space<vmem_shared>> -> memref<640x16xf32, #tpu.memory_space<vmem_shared>>
      tpu.wait_dma2 semaphore(%run_scoped3A_92 : memref<!tpu.dma_semaphore, #tpu.memory_space<semaphore_mem>>) src(%dma_wait3A_100 : memref<640x16xf32, #tpu.memory_space<vmem_shared>>) dst(%dma_wait3A_98 : memref<640x16xf32, #tpu.memory_space<hbm>>)
      tpu.yield
    }) : () -> ()
    "tpu.region"() ({
      %run_scoped3A_92 = tpu.sem_alloc : memref<!tpu.dma_semaphore, #tpu.memory_space<semaphore_mem>>
      %dma_start3A_93 = arith.constant 16 : i32
      %dma_start3A_94 = tpu.memref_slice %arg5[%add3A_91, %dma_start3A_93] : memref<32000x128xf32, #tpu.memory_space<hbm>> -> memref<640x16xf32, #tpu.memory_space<hbm>>
      %dma_start3A_95 = arith.constant 0 : i32
      %dma_start3A_96 = tpu.memref_slice %arg23[%mul3A_21, %dma_start3A_95] : memref<10240x16xf32, #tpu.memory_space<vmem_shared>> -> memref<640x16xf32, #tpu.memory_space<vmem_shared>>
      tpu.enqueue_dma source(%dma_start3A_96 : memref<640x16xf32, #tpu.memory_space<vmem_shared>>) target(%dma_start3A_94 : memref<640x16xf32, #tpu.memory_space<hbm>>) target_semaphore(%run_scoped3A_92 : memref<!tpu.dma_semaphore, #tpu.memory_space<semaphore_mem>>)
      %dma_wait3A_97 = arith.constant 16 : i32
      %dma_wait3A_98 = tpu.memref_slice %arg5[%add3A_91, %dma_wait3A_97] : memref<32000x128xf32, #tpu.memory_space<hbm>> -> memref<640x16xf32, #tpu.memory_space<hbm>>
      %dma_wait3A_99 = arith.constant 0 : i32
      %dma_wait3A_100 = tpu.memref_slice %arg23[%mul3A_21, %dma_wait3A_99] : memref<10240x16xf32, #tpu.memory_space<vmem_shared>> -> memref<640x16xf32, #tpu.memory_space<vmem_shared>>
      tpu.wait_dma2 semaphore(%run_scoped3A_92 : memref<!tpu.dma_semaphore, #tpu.memory_space<semaphore_mem>>) src(%dma_wait3A_100 : memref<640x16xf32, #tpu.memory_space<vmem_shared>>) dst(%dma_wait3A_98 : memref<640x16xf32, #tpu.memory_space<hbm>>)
      tpu.yield
    }) : () -> ()
    return
  }
}

module attributes {stable_mosaic.version = 14 : i64} {
  func.func @_enc_a_body(%arg0: i32, %arg1: memref<2000x128xf32, #tpu.memory_space<vmem>>, %arg2: memref<2000x1xi32, #tpu.memory_space<vmem>>, %arg3: memref<128x128xf32, #tpu.memory_space<vmem>>, %arg4: memref<2x128xf32, #tpu.memory_space<vmem>>, %arg5: memref<3x128xf32, #tpu.memory_space<vmem>>, %arg6: memref<2000x128xf32, #tpu.memory_space<vmem>>, %arg7: memref<2000x16xf32, #tpu.memory_space<vmem>>, %arg8: memref<8x128xf32, #tpu.memory_space<vmem>>, %arg9: memref<8x128xf32, #tpu.memory_space<vmem>>) attributes {dimension_semantics = [#tpu.dimension_semantics<arbitrary>], iteration_bounds = array<i64: 5>, scalar_prefetch = 0 : i64, scratch_operands = 1 : i64, tpu.core_type = #tpu.core_type<tc>, window_params = [{transform_indices = @transform_0, window_bounds = array<i64: 2000, 128>}, {transform_indices = @transform_1, window_bounds = array<i64: 2000, 1>}, {pipeline_mode = #tpu.pipeline_mode<synchronous>, transform_indices = @transform_2, window_bounds = array<i64: 128, 128>}, {pipeline_mode = #tpu.pipeline_mode<synchronous>, transform_indices = @transform_3, window_bounds = array<i64: 2, 128>}, {pipeline_mode = #tpu.pipeline_mode<synchronous>, transform_indices = @transform_4, window_bounds = array<i64: 3, 128>}, {transform_indices = @transform_5, window_bounds = array<i64: 2000, 128>}, {transform_indices = @transform_6, window_bounds = array<i64: 2000, 16>}, {pipeline_mode = #tpu.pipeline_mode<synchronous>, transform_indices = @transform_7, window_bounds = array<i64: 8, 128>}]} {
    %eq3A = arith.constant 0 : i32
    %eq3A_0 = arith.cmpi eq, %arg0, %eq3A : i32
    %convert_element_type3A = arith.extui %eq3A_0 : i1 to i32
    %cond3A = arith.constant 0 : i32
    %cond3A_1 = arith.cmpi ne, %convert_element_type3A, %cond3A : i32
    scf.if %cond3A_1 {
      %broadcast_in_dim3A_64 = arith.constant 0.000000e+00 : f32
      %broadcast_in_dim3A_65 = vector.broadcast %broadcast_in_dim3A_64 : f32 to vector<8x128xf32>
      %swap3A_66 = arith.constant 0 : index
      %swap3A_67 = arith.constant 0 : index
      %swap3A_68 = vector.load %arg9[%swap3A_66, %swap3A_67] : memref<8x128xf32, #tpu.memory_space<vmem>>, vector<8x128xf32>
      tpu.vector_store %arg9[%swap3A_66, %swap3A_67], %broadcast_in_dim3A_65 {strides = array<i32>} : memref<8x128xf32, #tpu.memory_space<vmem>>, vector<8x128xf32>,
    } else {
    }
    %get3A = arith.constant 0 : index
    %get3A_2 = arith.constant 0 : index
    %get3A_3 = vector.load %arg1[%get3A, %get3A_2] : memref<2000x128xf32, #tpu.memory_space<vmem>>, vector<2000x128xf32>
    %log1p3A = math.log1p %get3A_3 : vector<2000x128xf32>
    %get3A_4 = arith.constant 0 : index
    %get3A_5 = arith.constant 0 : index
    %get3A_6 = vector.load %arg2[%get3A_4, %get3A_5] : memref<2000x1xi32, #tpu.memory_space<vmem>>, vector<2000x1xi32>
    %eq3A_7 = arith.constant 0 : i32
    %eq3A_8 = vector.broadcast %eq3A_7 : i32 to vector<2000x1xi32>
    %eq3A_9 = arith.cmpi eq, %get3A_6, %eq3A_8 : vector<2000x1xi32>
    %get3A_10 = arith.constant 0 : index
    %get3A_11 = arith.constant 0 : index
    %get3A_12 = vector.load %arg4[%get3A_10, %get3A_11] : memref<2x128xf32, #tpu.memory_space<vmem>>, vector<1x128xf32>
    %get3A_13 = arith.constant 1 : index
    %get3A_14 = arith.constant 0 : index
    %get3A_15 = vector.load %arg4[%get3A_13, %get3A_14] : memref<2x128xf32, #tpu.memory_space<vmem>>, vector<1x128xf32>
    %broadcast_in_dim3A = vector.shape_cast %eq3A_9 : vector<2000x1xi1> to vector<2000x1xi1>
    %broadcast_in_dim3A_16 = vector.broadcast %broadcast_in_dim3A : vector<2000x1xi1> to vector<2000x128xi1>
    %broadcast_in_dim3A_17 = vector.shape_cast %get3A_12 : vector<1x128xf32> to vector<1x128xf32>
    %broadcast_in_dim3A_18 = vector.broadcast %broadcast_in_dim3A_17 : vector<1x128xf32> to vector<2000x128xf32>
    %broadcast_in_dim3A_19 = vector.shape_cast %get3A_15 : vector<1x128xf32> to vector<1x128xf32>
    %broadcast_in_dim3A_20 = vector.broadcast %broadcast_in_dim3A_19 : vector<1x128xf32> to vector<2000x128xf32>
    %select_n3A = arith.select %broadcast_in_dim3A_16, %broadcast_in_dim3A_18, %broadcast_in_dim3A_20 : vector<2000x128xi1>, vector<2000x128xf32>
    %get3A_21 = arith.constant 0 : index
    %get3A_22 = arith.constant 0 : index
    %get3A_23 = vector.load %arg3[%get3A_21, %get3A_22] : memref<128x128xf32, #tpu.memory_space<vmem>>, vector<128x128xf32>
    %dot_general3A = arith.constant dense<0.000000e+00> : vector<2000x128xf32>
    %dot_general3A_24 = tpu.matmul %log1p3A, %get3A_23, %dot_general3A {dimension_numbers = #tpu.dot_dimension_numbers<[1], [0], [0], [1], [0, 0, 1, 1], [], []>, precision = #tpu.contract_precision<fp32>, transpose_lhs_hint = false} : vector<2000x128xf32>, vector<128x128xf32>, vector<2000x128xf32> -> vector<2000x128xf32>
    %add3A = arith.addf %dot_general3A_24, %select_n3A : vector<2000x128xf32>
    %get3A_25 = arith.constant 0 : index
    %get3A_26 = arith.constant 0 : index
    %get3A_27 = vector.load %arg5[%get3A_25, %get3A_26] : memref<3x128xf32, #tpu.memory_space<vmem>>, vector<1x128xf32>
    %add3A_28 = vector.broadcast %get3A_27 : vector<1x128xf32> to vector<2000x128xf32>
    %add3A_29 = arith.addf %add3A, %add3A_28 : vector<2000x128xf32>
    %swap3A = arith.constant 0 : index
    %swap3A_30 = arith.constant 0 : index
    %swap3A_31 = vector.load %arg6[%swap3A, %swap3A_30] : memref<2000x128xf32, #tpu.memory_space<vmem>>, vector<2000x128xf32>
    tpu.vector_store %arg6[%swap3A, %swap3A_30], %add3A_29 {strides = array<i32>} : memref<2000x128xf32, #tpu.memory_space<vmem>>, vector<2000x128xf32>,
    %reduce_sum3A = arith.constant dense<0.000000e+00> : vector<2000xf32>
    %reduce_sum3A_32 = vector.multi_reduction <add>, %get3A_3, %reduce_sum3A [1] : vector<2000x128xf32> to vector<2000xf32>
    %broadcast_in_dim3A_33 = vector.shape_cast %reduce_sum3A_32 : vector<2000xf32> to vector<2000x1xf32>
    %broadcast_in_dim3A_34 = vector.shape_cast %broadcast_in_dim3A_33 : vector<2000x1xf32> to vector<2000x1xf32>
    %broadcast_in_dim3A_35 = vector.broadcast %broadcast_in_dim3A_34 : vector<2000x1xf32> to vector<2000x16xf32>
    %swap3A_36 = arith.constant 0 : index
    %swap3A_37 = arith.constant 0 : index
    %swap3A_38 = vector.load %arg7[%swap3A_36, %swap3A_37] : memref<2000x16xf32, #tpu.memory_space<vmem>>, vector<2000x16xf32>
    tpu.vector_store %arg7[%swap3A_36, %swap3A_37], %broadcast_in_dim3A_35 {strides = array<i32>} : memref<2000x16xf32, #tpu.memory_space<vmem>>, vector<2000x16xf32>,
    %get3A_39 = arith.constant 0 : index
    %get3A_40 = arith.constant 0 : index
    %get3A_41 = vector.load %arg9[%get3A_39, %get3A_40] : memref<8x128xf32, #tpu.memory_space<vmem>>, vector<1x128xf32>
    %reduce_sum3A_42 = arith.constant dense<0.000000e+00> : vector<128xf32>
    %reduce_sum3A_43 = vector.multi_reduction <add>, %add3A_29, %reduce_sum3A_42 [0] : vector<2000x128xf32> to vector<128xf32>
    %broadcast_in_dim3A_44 = vector.shape_cast %reduce_sum3A_43 : vector<128xf32> to vector<1x128xf32>
    %add3A_45 = arith.addf %get3A_41, %broadcast_in_dim3A_44 : vector<1x128xf32>
    %swap3A_46 = arith.constant 0 : index
    %swap3A_47 = arith.constant 0 : index
    %swap3A_48 = vector.load %arg9[%swap3A_46, %swap3A_47] : memref<8x128xf32, #tpu.memory_space<vmem>>, vector<1x128xf32>
    tpu.vector_store %arg9[%swap3A_46, %swap3A_47], %add3A_45 {strides = array<i32>} : memref<8x128xf32, #tpu.memory_space<vmem>>, vector<1x128xf32>,
    %get3A_49 = arith.constant 1 : index
    %get3A_50 = arith.constant 0 : index
    %get3A_51 = vector.load %arg9[%get3A_49, %get3A_50] : memref<8x128xf32, #tpu.memory_space<vmem>>, vector<1x128xf32>
    %mul3A = arith.mulf %add3A_29, %add3A_29 : vector<2000x128xf32>
    %reduce_sum3A_52 = arith.constant dense<0.000000e+00> : vector<128xf32>
    %reduce_sum3A_53 = vector.multi_reduction <add>, %mul3A, %reduce_sum3A_52 [0] : vector<2000x128xf32> to vector<128xf32>
    %broadcast_in_dim3A_54 = vector.shape_cast %reduce_sum3A_53 : vector<128xf32> to vector<1x128xf32>
    %add3A_55 = arith.addf %get3A_51, %broadcast_in_dim3A_54 : vector<1x128xf32>
    %swap3A_56 = arith.constant 1 : index
    %swap3A_57 = arith.constant 0 : index
    %swap3A_58 = vector.load %arg9[%swap3A_56, %swap3A_57] : memref<8x128xf32, #tpu.memory_space<vmem>>, vector<1x128xf32>
    tpu.vector_store %arg9[%swap3A_56, %swap3A_57], %add3A_55 {strides = array<i32>} : memref<8x128xf32, #tpu.memory_space<vmem>>, vector<1x128xf32>,
    %eq3A_59 = arith.constant 4 : i32
    %eq3A_60 = arith.cmpi eq, %arg0, %eq3A_59 : i32
    %convert_element_type3A_61 = arith.extui %eq3A_60 : i1 to i32
    %cond3A_62 = arith.constant 0 : i32
    %cond3A_63 = arith.cmpi ne, %convert_element_type3A_61, %cond3A_62 : i32
    scf.if %cond3A_63 {
      %get3A_64 = arith.constant 0 : index
      %get3A_65 = arith.constant 0 : index
      %get3A_66 = vector.load %arg9[%get3A_64, %get3A_65] : memref<8x128xf32, #tpu.memory_space<vmem>>, vector<8x128xf32>
      %swap3A_67 = arith.constant 0 : index
      %swap3A_68 = arith.constant 0 : index
      %swap3A_69 = vector.load %arg8[%swap3A_67, %swap3A_68] : memref<8x128xf32, #tpu.memory_space<vmem>>, vector<8x128xf32>
      tpu.vector_store %arg8[%swap3A_67, %swap3A_68], %get3A_66 {strides = array<i32>} : memref<8x128xf32, #tpu.memory_space<vmem>>, vector<8x128xf32>,
    } else {
    }
    return
  }
  func.func @transform_0(%arg0: i32) -> (i32, i32) {
    %c0_i32 = arith.constant 0 : i32
    %c0_i32_0 = arith.constant 0 : i32
    return %arg0, %c0_i32 : i32, i32
  }
  func.func @transform_1(%arg0: i32) -> (i32, i32) {
    %c0_i32 = arith.constant 0 : i32
    %c0_i32_0 = arith.constant 0 : i32
    return %arg0, %c0_i32 : i32, i32
  }
  func.func @transform_2(%arg0: i32) -> (i32, i32) {
    %c0_i32 = arith.constant 0 : i32
    %c0_i32_0 = arith.constant 0 : i32
    %c0_i32_1 = arith.constant 0 : i32
    return %c0_i32, %c0_i32_0 : i32, i32
  }
  func.func @transform_3(%arg0: i32) -> (i32, i32) {
    %c0_i32 = arith.constant 0 : i32
    %c0_i32_0 = arith.constant 0 : i32
    %c0_i32_1 = arith.constant 0 : i32
    return %c0_i32, %c0_i32_0 : i32, i32
  }
  func.func @transform_4(%arg0: i32) -> (i32, i32) {
    %c0_i32 = arith.constant 0 : i32
    %c0_i32_0 = arith.constant 0 : i32
    %c0_i32_1 = arith.constant 0 : i32
    return %c0_i32, %c0_i32_0 : i32, i32
  }
  func.func @transform_5(%arg0: i32) -> (i32, i32) {
    %c0_i32 = arith.constant 0 : i32
    %c0_i32_0 = arith.constant 0 : i32
    return %arg0, %c0_i32 : i32, i32
  }
  func.func @transform_6(%arg0: i32) -> (i32, i32) {
    %c0_i32 = arith.constant 0 : i32
    %c0_i32_0 = arith.constant 0 : i32
    return %arg0, %c0_i32 : i32, i32
  }
  func.func @transform_7(%arg0: i32) -> (i32, i32) {
    %c0_i32 = arith.constant 0 : i32
    %c0_i32_0 = arith.constant 0 : i32
    %c0_i32_1 = arith.constant 0 : i32
    return %c0_i32, %c0_i32_0 : i32, i32
  }
}

module attributes {stable_mosaic.version = 14 : i64} {
  func.func @_enc_b_body(%arg0: i32, %arg1: memref<2000x128xf32, #tpu.memory_space<vmem>>, %arg2: memref<2000x1xi32, #tpu.memory_space<vmem>>, %arg3: memref<8x128xf32, #tpu.memory_space<vmem>>, %arg4: memref<3x128xf32, #tpu.memory_space<vmem>>, %arg5: memref<128x128xf32, #tpu.memory_space<vmem>>, %arg6: memref<2x128xf32, #tpu.memory_space<vmem>>, %arg7: memref<3x128xf32, #tpu.memory_space<vmem>>, %arg8: memref<2000x128xf32, #tpu.memory_space<vmem>>, %arg9: memref<8x128xf32, #tpu.memory_space<vmem>>, %arg10: memref<8x128xf32, #tpu.memory_space<vmem>>) attributes {dimension_semantics = [#tpu.dimension_semantics<arbitrary>], iteration_bounds = array<i64: 5>, scalar_prefetch = 0 : i64, scratch_operands = 1 : i64, tpu.core_type = #tpu.core_type<tc>, window_params = [{transform_indices = @transform_0, window_bounds = array<i64: 2000, 128>}, {transform_indices = @transform_1, window_bounds = array<i64: 2000, 1>}, {pipeline_mode = #tpu.pipeline_mode<synchronous>, transform_indices = @transform_2, window_bounds = array<i64: 8, 128>}, {pipeline_mode = #tpu.pipeline_mode<synchronous>, transform_indices = @transform_3, window_bounds = array<i64: 3, 128>}, {pipeline_mode = #tpu.pipeline_mode<synchronous>, transform_indices = @transform_4, window_bounds = array<i64: 128, 128>}, {pipeline_mode = #tpu.pipeline_mode<synchronous>, transform_indices = @transform_5, window_bounds = array<i64: 2, 128>}, {pipeline_mode = #tpu.pipeline_mode<synchronous>, transform_indices = @transform_6, window_bounds = array<i64: 3, 128>}, {transform_indices = @transform_7, window_bounds = array<i64: 2000, 128>}, {pipeline_mode = #tpu.pipeline_mode<synchronous>, transform_indices = @transform_8, window_bounds = array<i64: 8, 128>}]} {
    %eq3A = arith.constant 0 : i32
    %eq3A_0 = arith.cmpi eq, %arg0, %eq3A : i32
    %convert_element_type3A = arith.extui %eq3A_0 : i1 to i32
    %cond3A = arith.constant 0 : i32
    %cond3A_1 = arith.cmpi ne, %convert_element_type3A, %cond3A : i32
    scf.if %cond3A_1 {
      %broadcast_in_dim3A_88 = arith.constant 0.000000e+00 : f32
      %broadcast_in_dim3A_89 = vector.broadcast %broadcast_in_dim3A_88 : f32 to vector<8x128xf32>
      %swap3A_90 = arith.constant 0 : index
      %swap3A_91 = arith.constant 0 : index
      %swap3A_92 = vector.load %arg10[%swap3A_90, %swap3A_91] : memref<8x128xf32, #tpu.memory_space<vmem>>, vector<8x128xf32>
      tpu.vector_store %arg10[%swap3A_90, %swap3A_91], %broadcast_in_dim3A_89 {strides = array<i32>} : memref<8x128xf32, #tpu.memory_space<vmem>>, vector<8x128xf32>,
    } else {
    }
    %get3A = arith.constant 0 : index
    %get3A_2 = arith.constant 0 : index
    %get3A_3 = vector.load %arg3[%get3A, %get3A_2] : memref<8x128xf32, #tpu.memory_space<vmem>>, vector<1x128xf32>
    %mul3A = arith.constant 9.99999974E-5 : f32
    %mul3A_4 = vector.broadcast %mul3A : f32 to vector<1x128xf32>
    %mul3A_5 = arith.mulf %get3A_3, %mul3A_4 : vector<1x128xf32>
    %get3A_6 = arith.constant 1 : index
    %get3A_7 = arith.constant 0 : index
    %get3A_8 = vector.load %arg3[%get3A_6, %get3A_7] : memref<8x128xf32, #tpu.memory_space<vmem>>, vector<1x128xf32>
    %mul3A_9 = arith.constant 9.99999974E-5 : f32
    %mul3A_10 = vector.broadcast %mul3A_9 : f32 to vector<1x128xf32>
    %mul3A_11 = arith.mulf %get3A_8, %mul3A_10 : vector<1x128xf32>
    %mul3A_12 = arith.mulf %mul3A_5, %mul3A_5 : vector<1x128xf32>
    %sub3A = arith.subf %mul3A_11, %mul3A_12 : vector<1x128xf32>
    %add3A = arith.constant 9.99999974E-6 : f32
    %add3A_13 = vector.broadcast %add3A : f32 to vector<1x128xf32>
    %add3A_14 = arith.addf %sub3A, %add3A_13 : vector<1x128xf32>
    %rsqrt3A = math.rsqrt %add3A_14 : vector<1x128xf32>
    %get3A_15 = arith.constant 0 : index
    %get3A_16 = arith.constant 0 : index
    %get3A_17 = vector.load %arg1[%get3A_15, %get3A_16] : memref<2000x128xf32, #tpu.memory_space<vmem>>, vector<2000x128xf32>
    %sub3A_18 = vector.broadcast %mul3A_5 : vector<1x128xf32> to vector<2000x128xf32>
    %sub3A_19 = arith.subf %get3A_17, %sub3A_18 : vector<2000x128xf32>
    %mul3A_20 = vector.broadcast %rsqrt3A : vector<1x128xf32> to vector<2000x128xf32>
    %mul3A_21 = arith.mulf %sub3A_19, %mul3A_20 : vector<2000x128xf32>
    %get3A_22 = arith.constant 1 : index
    %get3A_23 = arith.constant 0 : index
    %get3A_24 = vector.load %arg4[%get3A_22, %get3A_23] : memref<3x128xf32, #tpu.memory_space<vmem>>, vector<1x128xf32>
    %mul3A_25 = vector.broadcast %get3A_24 : vector<1x128xf32> to vector<2000x128xf32>
    %mul3A_26 = arith.mulf %mul3A_21, %mul3A_25 : vector<2000x128xf32>
    %get3A_27 = arith.constant 2 : index
    %get3A_28 = arith.constant 0 : index
    %get3A_29 = vector.load %arg4[%get3A_27, %get3A_28] : memref<3x128xf32, #tpu.memory_space<vmem>>, vector<1x128xf32>
    %add3A_30 = vector.broadcast %get3A_29 : vector<1x128xf32> to vector<2000x128xf32>
    %add3A_31 = arith.addf %mul3A_26, %add3A_30 : vector<2000x128xf32>
    %max3A = arith.constant 0.000000e+00 : f32
    %max3A_32 = vector.broadcast %max3A : f32 to vector<2000x128xf32>
    %max3A_33 = arith.maximumf %add3A_31, %max3A_32 : vector<2000x128xf32>
    %get3A_34 = arith.constant 0 : index
    %get3A_35 = arith.constant 0 : index
    %get3A_36 = vector.load %arg2[%get3A_34, %get3A_35] : memref<2000x1xi32, #tpu.memory_space<vmem>>, vector<2000x1xi32>
    %eq3A_37 = arith.constant 0 : i32
    %eq3A_38 = vector.broadcast %eq3A_37 : i32 to vector<2000x1xi32>
    %eq3A_39 = arith.cmpi eq, %get3A_36, %eq3A_38 : vector<2000x1xi32>
    %get3A_40 = arith.constant 0 : index
    %get3A_41 = arith.constant 0 : index
    %get3A_42 = vector.load %arg6[%get3A_40, %get3A_41] : memref<2x128xf32, #tpu.memory_space<vmem>>, vector<1x128xf32>
    %get3A_43 = arith.constant 1 : index
    %get3A_44 = arith.constant 0 : index
    %get3A_45 = vector.load %arg6[%get3A_43, %get3A_44] : memref<2x128xf32, #tpu.memory_space<vmem>>, vector<1x128xf32>
    %broadcast_in_dim3A = vector.shape_cast %eq3A_39 : vector<2000x1xi1> to vector<2000x1xi1>
    %broadcast_in_dim3A_46 = vector.broadcast %broadcast_in_dim3A : vector<2000x1xi1> to vector<2000x128xi1>
    %broadcast_in_dim3A_47 = vector.shape_cast %get3A_42 : vector<1x128xf32> to vector<1x128xf32>
    %broadcast_in_dim3A_48 = vector.broadcast %broadcast_in_dim3A_47 : vector<1x128xf32> to vector<2000x128xf32>
    %broadcast_in_dim3A_49 = vector.shape_cast %get3A_45 : vector<1x128xf32> to vector<1x128xf32>
    %broadcast_in_dim3A_50 = vector.broadcast %broadcast_in_dim3A_49 : vector<1x128xf32> to vector<2000x128xf32>
    %select_n3A = arith.select %broadcast_in_dim3A_46, %broadcast_in_dim3A_48, %broadcast_in_dim3A_50 : vector<2000x128xi1>, vector<2000x128xf32>
    %get3A_51 = arith.constant 0 : index
    %get3A_52 = arith.constant 0 : index
    %get3A_53 = vector.load %arg5[%get3A_51, %get3A_52] : memref<128x128xf32, #tpu.memory_space<vmem>>, vector<128x128xf32>
    %dot_general3A = arith.constant dense<0.000000e+00> : vector<2000x128xf32>
    %dot_general3A_54 = tpu.matmul %max3A_33, %get3A_53, %dot_general3A {dimension_numbers = #tpu.dot_dimension_numbers<[1], [0], [0], [1], [0, 0, 1, 1], [], []>, precision = #tpu.contract_precision<fp32>, transpose_lhs_hint = false} : vector<2000x128xf32>, vector<128x128xf32>, vector<2000x128xf32> -> vector<2000x128xf32>
    %add3A_55 = arith.addf %dot_general3A_54, %select_n3A : vector<2000x128xf32>
    %get3A_56 = arith.constant 0 : index
    %get3A_57 = arith.constant 0 : index
    %get3A_58 = vector.load %arg7[%get3A_56, %get3A_57] : memref<3x128xf32, #tpu.memory_space<vmem>>, vector<1x128xf32>
    %add3A_59 = vector.broadcast %get3A_58 : vector<1x128xf32> to vector<2000x128xf32>
    %add3A_60 = arith.addf %add3A_55, %add3A_59 : vector<2000x128xf32>
    %swap3A = arith.constant 0 : index
    %swap3A_61 = arith.constant 0 : index
    %swap3A_62 = vector.load %arg8[%swap3A, %swap3A_61] : memref<2000x128xf32, #tpu.memory_space<vmem>>, vector<2000x128xf32>
    tpu.vector_store %arg8[%swap3A, %swap3A_61], %add3A_60 {strides = array<i32>} : memref<2000x128xf32, #tpu.memory_space<vmem>>, vector<2000x128xf32>,
    %get3A_63 = arith.constant 0 : index
    %get3A_64 = arith.constant 0 : index
    %get3A_65 = vector.load %arg10[%get3A_63, %get3A_64] : memref<8x128xf32, #tpu.memory_space<vmem>>, vector<1x128xf32>
    %reduce_sum3A = arith.constant dense<0.000000e+00> : vector<128xf32>
    %reduce_sum3A_66 = vector.multi_reduction <add>, %add3A_60, %reduce_sum3A [0] : vector<2000x128xf32> to vector<128xf32>
    %broadcast_in_dim3A_67 = vector.shape_cast %reduce_sum3A_66 : vector<128xf32> to vector<1x128xf32>
    %add3A_68 = arith.addf %get3A_65, %broadcast_in_dim3A_67 : vector<1x128xf32>
    %swap3A_69 = arith.constant 0 : index
    %swap3A_70 = arith.constant 0 : index
    %swap3A_71 = vector.load %arg10[%swap3A_69, %swap3A_70] : memref<8x128xf32, #tpu.memory_space<vmem>>, vector<1x128xf32>
    tpu.vector_store %arg10[%swap3A_69, %swap3A_70], %add3A_68 {strides = array<i32>} : memref<8x128xf32, #tpu.memory_space<vmem>>, vector<1x128xf32>,
    %get3A_72 = arith.constant 1 : index
    %get3A_73 = arith.constant 0 : index
    %get3A_74 = vector.load %arg10[%get3A_72, %get3A_73] : memref<8x128xf32, #tpu.memory_space<vmem>>, vector<1x128xf32>
    %mul3A_75 = arith.mulf %add3A_60, %add3A_60 : vector<2000x128xf32>
    %reduce_sum3A_76 = arith.constant dense<0.000000e+00> : vector<128xf32>
    %reduce_sum3A_77 = vector.multi_reduction <add>, %mul3A_75, %reduce_sum3A_76 [0] : vector<2000x128xf32> to vector<128xf32>
    %broadcast_in_dim3A_78 = vector.shape_cast %reduce_sum3A_77 : vector<128xf32> to vector<1x128xf32>
    %add3A_79 = arith.addf %get3A_74, %broadcast_in_dim3A_78 : vector<1x128xf32>
    %swap3A_80 = arith.constant 1 : index
    %swap3A_81 = arith.constant 0 : index
    %swap3A_82 = vector.load %arg10[%swap3A_80, %swap3A_81] : memref<8x128xf32, #tpu.memory_space<vmem>>, vector<1x128xf32>
    tpu.vector_store %arg10[%swap3A_80, %swap3A_81], %add3A_79 {strides = array<i32>} : memref<8x128xf32, #tpu.memory_space<vmem>>, vector<1x128xf32>,
    %eq3A_83 = arith.constant 4 : i32
    %eq3A_84 = arith.cmpi eq, %arg0, %eq3A_83 : i32
    %convert_element_type3A_85 = arith.extui %eq3A_84 : i1 to i32
    %cond3A_86 = arith.constant 0 : i32
    %cond3A_87 = arith.cmpi ne, %convert_element_type3A_85, %cond3A_86 : i32
    scf.if %cond3A_87 {
      %get3A_88 = arith.constant 0 : index
      %get3A_89 = arith.constant 0 : index
      %get3A_90 = vector.load %arg10[%get3A_88, %get3A_89] : memref<8x128xf32, #tpu.memory_space<vmem>>, vector<8x128xf32>
      %swap3A_91 = arith.constant 0 : index
      %swap3A_92 = arith.constant 0 : index
      %swap3A_93 = vector.load %arg9[%swap3A_91, %swap3A_92] : memref<8x128xf32, #tpu.memory_space<vmem>>, vector<8x128xf32>
      tpu.vector_store %arg9[%swap3A_91, %swap3A_92], %get3A_90 {strides = array<i32>} : memref<8x128xf32, #tpu.memory_space<vmem>>, vector<8x128xf32>,
    } else {
    }
    return
  }
  func.func @transform_0(%arg0: i32) -> (i32, i32) {
    %c0_i32 = arith.constant 0 : i32
    %c0_i32_0 = arith.constant 0 : i32
    return %arg0, %c0_i32 : i32, i32
  }
  func.func @transform_1(%arg0: i32) -> (i32, i32) {
    %c0_i32 = arith.constant 0 : i32
    %c0_i32_0 = arith.constant 0 : i32
    return %arg0, %c0_i32 : i32, i32
  }
  func.func @transform_2(%arg0: i32) -> (i32, i32) {
    %c0_i32 = arith.constant 0 : i32
    %c0_i32_0 = arith.constant 0 : i32
    %c0_i32_1 = arith.constant 0 : i32
    return %c0_i32, %c0_i32_0 : i32, i32
  }
  func.func @transform_3(%arg0: i32) -> (i32, i32) {
    %c0_i32 = arith.constant 0 : i32
    %c0_i32_0 = arith.constant 0 : i32
    %c0_i32_1 = arith.constant 0 : i32
    return %c0_i32, %c0_i32_0 : i32, i32
  }
  func.func @transform_4(%arg0: i32) -> (i32, i32) {
    %c0_i32 = arith.constant 0 : i32
    %c0_i32_0 = arith.constant 0 : i32
    %c0_i32_1 = arith.constant 0 : i32
    return %c0_i32, %c0_i32_0 : i32, i32
  }
  func.func @transform_5(%arg0: i32) -> (i32, i32) {
    %c0_i32 = arith.constant 0 : i32
    %c0_i32_0 = arith.constant 0 : i32
    %c0_i32_1 = arith.constant 0 : i32
    return %c0_i32, %c0_i32_0 : i32, i32
  }
  func.func @transform_6(%arg0: i32) -> (i32, i32) {
    %c0_i32 = arith.constant 0 : i32
    %c0_i32_0 = arith.constant 0 : i32
    %c0_i32_1 = arith.constant 0 : i32
    return %c0_i32, %c0_i32_0 : i32, i32
  }
  func.func @transform_7(%arg0: i32) -> (i32, i32) {
    %c0_i32 = arith.constant 0 : i32
    %c0_i32_0 = arith.constant 0 : i32
    return %arg0, %c0_i32 : i32, i32
  }
  func.func @transform_8(%arg0: i32) -> (i32, i32) {
    %c0_i32 = arith.constant 0 : i32
    %c0_i32_0 = arith.constant 0 : i32
    %c0_i32_1 = arith.constant 0 : i32
    return %c0_i32, %c0_i32_0 : i32, i32
  }
}

module attributes {stable_mosaic.version = 14 : i64} {
  func.func @_enc_c_body(%arg0: i32, %arg1: memref<2000x128xf32, #tpu.memory_space<vmem>>, %arg2: memref<8x128xf32, #tpu.memory_space<vmem>>, %arg3: memref<3x128xf32, #tpu.memory_space<vmem>>, %arg4: memref<128x128xf32, #tpu.memory_space<vmem>>, %arg5: memref<2x16xf32, #tpu.memory_space<vmem>>, %arg6: memref<2x16xf32, #tpu.memory_space<vmem>>, %arg7: memref<2000x16xf32, #tpu.memory_space<vmem>>, %arg8: memref<2000x128xf32, #tpu.memory_space<vmem>>, %arg9: memref<2000x16xf32, #tpu.memory_space<vmem>>, %arg10: memref<8x128xf32, #tpu.memory_space<vmem>>, %arg11: memref<8x128xf32, #tpu.memory_space<vmem>>) attributes {dimension_semantics = [#tpu.dimension_semantics<arbitrary>], iteration_bounds = array<i64: 5>, scalar_prefetch = 0 : i64, scratch_operands = 1 : i64, tpu.core_type = #tpu.core_type<tc>, window_params = [{transform_indices = @transform_0, window_bounds = array<i64: 2000, 128>}, {pipeline_mode = #tpu.pipeline_mode<synchronous>, transform_indices = @transform_1, window_bounds = array<i64: 8, 128>}, {pipeline_mode = #tpu.pipeline_mode<synchronous>, transform_indices = @transform_2, window_bounds = array<i64: 3, 128>}, {pipeline_mode = #tpu.pipeline_mode<synchronous>, transform_indices = @transform_3, window_bounds = array<i64: 128, 128>}, {pipeline_mode = #tpu.pipeline_mode<synchronous>, transform_indices = @transform_4, window_bounds = array<i64: 2, 16>}, {pipeline_mode = #tpu.pipeline_mode<synchronous>, transform_indices = @transform_5, window_bounds = array<i64: 2, 16>}, {transform_indices = @transform_6, window_bounds = array<i64: 2000, 16>}, {transform_indices = @transform_7, window_bounds = array<i64: 2000, 128>}, {transform_indices = @transform_8, window_bounds = array<i64: 2000, 16>}, {pipeline_mode = #tpu.pipeline_mode<synchronous>, transform_indices = @transform_9, window_bounds = array<i64: 8, 128>}]} {
    %eq3A = arith.constant 0 : i32
    %eq3A_0 = arith.cmpi eq, %arg0, %eq3A : i32
    %convert_element_type3A = arith.extui %eq3A_0 : i1 to i32
    %cond3A = arith.constant 0 : i32
    %cond3A_1 = arith.cmpi ne, %convert_element_type3A, %cond3A : i32
    scf.if %cond3A_1 {
      %broadcast_in_dim3A_87 = arith.constant 0.000000e+00 : f32
      %broadcast_in_dim3A_88 = vector.broadcast %broadcast_in_dim3A_87 : f32 to vector<8x128xf32>
      %swap3A_89 = arith.constant 0 : index
      %swap3A_90 = arith.constant 0 : index
      %swap3A_91 = vector.load %arg11[%swap3A_89, %swap3A_90] : memref<8x128xf32, #tpu.memory_space<vmem>>, vector<8x128xf32>
      tpu.vector_store %arg11[%swap3A_89, %swap3A_90], %broadcast_in_dim3A_88 {strides = array<i32>} : memref<8x128xf32, #tpu.memory_space<vmem>>, vector<8x128xf32>,
    } else {
    }
    %get3A = arith.constant 0 : index
    %get3A_2 = arith.constant 0 : index
    %get3A_3 = vector.load %arg2[%get3A, %get3A_2] : memref<8x128xf32, #tpu.memory_space<vmem>>, vector<1x128xf32>
    %mul3A = arith.constant 9.99999974E-5 : f32
    %mul3A_4 = vector.broadcast %mul3A : f32 to vector<1x128xf32>
    %mul3A_5 = arith.mulf %get3A_3, %mul3A_4 : vector<1x128xf32>
    %get3A_6 = arith.constant 1 : index
    %get3A_7 = arith.constant 0 : index
    %get3A_8 = vector.load %arg2[%get3A_6, %get3A_7] : memref<8x128xf32, #tpu.memory_space<vmem>>, vector<1x128xf32>
    %mul3A_9 = arith.constant 9.99999974E-5 : f32
    %mul3A_10 = vector.broadcast %mul3A_9 : f32 to vector<1x128xf32>
    %mul3A_11 = arith.mulf %get3A_8, %mul3A_10 : vector<1x128xf32>
    %mul3A_12 = arith.mulf %mul3A_5, %mul3A_5 : vector<1x128xf32>
    %sub3A = arith.subf %mul3A_11, %mul3A_12 : vector<1x128xf32>
    %add3A = arith.constant 9.99999974E-6 : f32
    %add3A_13 = vector.broadcast %add3A : f32 to vector<1x128xf32>
    %add3A_14 = arith.addf %sub3A, %add3A_13 : vector<1x128xf32>
    %rsqrt3A = math.rsqrt %add3A_14 : vector<1x128xf32>
    %get3A_15 = arith.constant 0 : index
    %get3A_16 = arith.constant 0 : index
    %get3A_17 = vector.load %arg1[%get3A_15, %get3A_16] : memref<2000x128xf32, #tpu.memory_space<vmem>>, vector<2000x128xf32>
    %sub3A_18 = vector.broadcast %mul3A_5 : vector<1x128xf32> to vector<2000x128xf32>
    %sub3A_19 = arith.subf %get3A_17, %sub3A_18 : vector<2000x128xf32>
    %mul3A_20 = vector.broadcast %rsqrt3A : vector<1x128xf32> to vector<2000x128xf32>
    %mul3A_21 = arith.mulf %sub3A_19, %mul3A_20 : vector<2000x128xf32>
    %get3A_22 = arith.constant 1 : index
    %get3A_23 = arith.constant 0 : index
    %get3A_24 = vector.load %arg3[%get3A_22, %get3A_23] : memref<3x128xf32, #tpu.memory_space<vmem>>, vector<1x128xf32>
    %mul3A_25 = vector.broadcast %get3A_24 : vector<1x128xf32> to vector<2000x128xf32>
    %mul3A_26 = arith.mulf %mul3A_21, %mul3A_25 : vector<2000x128xf32>
    %get3A_27 = arith.constant 2 : index
    %get3A_28 = arith.constant 0 : index
    %get3A_29 = vector.load %arg3[%get3A_27, %get3A_28] : memref<3x128xf32, #tpu.memory_space<vmem>>, vector<1x128xf32>
    %add3A_30 = vector.broadcast %get3A_29 : vector<1x128xf32> to vector<2000x128xf32>
    %add3A_31 = arith.addf %mul3A_26, %add3A_30 : vector<2000x128xf32>
    %max3A = arith.constant 0.000000e+00 : f32
    %max3A_32 = vector.broadcast %max3A : f32 to vector<2000x128xf32>
    %max3A_33 = arith.maximumf %add3A_31, %max3A_32 : vector<2000x128xf32>
    %get3A_34 = arith.constant 0 : index
    %get3A_35 = arith.constant 0 : index
    %get3A_36 = vector.load %arg4[%get3A_34, %get3A_35] : memref<128x128xf32, #tpu.memory_space<vmem>>, vector<128x128xf32>
    %dot_general3A = arith.constant dense<0.000000e+00> : vector<2000x128xf32>
    %dot_general3A_37 = tpu.matmul %max3A_33, %get3A_36, %dot_general3A {dimension_numbers = #tpu.dot_dimension_numbers<[1], [0], [0], [1], [0, 0, 1, 1], [], []>, precision = #tpu.contract_precision<fp32>, transpose_lhs_hint = false} : vector<2000x128xf32>, vector<128x128xf32>, vector<2000x128xf32> -> vector<2000x128xf32>
    %iota3A = tpu.iota {dimensions = array<i32: 1>} : vector<1x128xi32>
    %slice3A = vector.extract_strided_slice %dot_general3A_37 {offsets = [0, 32], sizes = [2000, 64], strides = [1, 1]} : vector<2000x128xf32> to vector<2000x64xf32>
    %broadcast_in_dim3A = arith.constant 0.000000e+00 : f32
    %broadcast_in_dim3A_38 = vector.broadcast %broadcast_in_dim3A : f32 to vector<2000x64xf32>
    %concatenate3A = tpu.concatenate %slice3A, %broadcast_in_dim3A_38 in 1 : vector<2000x64xf32>, vector<2000x64xf32> -> vector<2000x128xf32>
    %eq3A_39 = arith.constant 10 : i32
    %eq3A_40 = vector.broadcast %eq3A_39 : i32 to vector<1x128xi32>
    %eq3A_41 = arith.cmpi eq, %iota3A, %eq3A_40 : vector<1x128xi32>
    %eq3A_42 = arith.constant 42 : i32
    %eq3A_43 = vector.broadcast %eq3A_42 : i32 to vector<1x128xi32>
    %eq3A_44 = arith.cmpi eq, %iota3A, %eq3A_43 : vector<1x128xi32>
    %or3A = arith.ori %eq3A_41, %eq3A_44 : vector<1x128xi1>
    %jit3A = arith.constant 1.000000e+00 : f32
    %broadcast_in_dim3A_45 = vector.shape_cast %or3A : vector<1x128xi1> to vector<1x128xi1>
    %broadcast_in_dim3A_46 = vector.broadcast %broadcast_in_dim3A_45 : vector<1x128xi1> to vector<2000x128xi1>
    %broadcast_in_dim3A_47 = vector.broadcast %jit3A : f32 to vector<2000x128xf32>
    %select_n3A = arith.select %broadcast_in_dim3A_46, %broadcast_in_dim3A_47, %concatenate3A : vector<2000x128xi1>, vector<2000x128xf32>
    %swap3A = arith.constant 0 : index
    %swap3A_48 = arith.constant 0 : index
    %swap3A_49 = vector.load %arg8[%swap3A, %swap3A_48] : memref<2000x128xf32, #tpu.memory_space<vmem>>, vector<2000x128xf32>
    tpu.vector_store %arg8[%swap3A, %swap3A_48], %select_n3A {strides = array<i32>} : memref<2000x128xf32, #tpu.memory_space<vmem>>, vector<2000x128xf32>,
    %slice3A_50 = vector.extract_strided_slice %dot_general3A_37 {offsets = [0, 0], sizes = [2000, 16], strides = [1, 1]} : vector<2000x128xf32> to vector<2000x16xf32>
    %get3A_51 = arith.constant 0 : index
    %get3A_52 = arith.constant 0 : index
    %get3A_53 = vector.load %arg5[%get3A_51, %get3A_52] : memref<2x16xf32, #tpu.memory_space<vmem>>, vector<1x16xf32>
    %add3A_54 = vector.broadcast %get3A_53 : vector<1x16xf32> to vector<2000x16xf32>
    %add3A_55 = arith.addf %slice3A_50, %add3A_54 : vector<2000x16xf32>
    %slice3A_56 = vector.extract_strided_slice %dot_general3A_37 {offsets = [0, 16], sizes = [2000, 16], strides = [1, 1]} : vector<2000x128xf32> to vector<2000x16xf32>
    %get3A_57 = arith.constant 1 : index
    %get3A_58 = arith.constant 0 : index
    %get3A_59 = vector.load %arg5[%get3A_57, %get3A_58] : memref<2x16xf32, #tpu.memory_space<vmem>>, vector<1x16xf32>
    %add3A_60 = vector.broadcast %get3A_59 : vector<1x16xf32> to vector<2000x16xf32>
    %add3A_61 = arith.addf %slice3A_56, %add3A_60 : vector<2000x16xf32>
    %exp3A = math.exp %add3A_61 : vector<2000x16xf32>
    %add3A_62 = arith.constant 9.99999974E-5 : f32
    %add3A_63 = vector.broadcast %add3A_62 : f32 to vector<2000x16xf32>
    %add3A_64 = arith.addf %exp3A, %add3A_63 : vector<2000x16xf32>
    %sqrt3A = math.sqrt %add3A_64 : vector<2000x16xf32>
    %get3A_65 = arith.constant 0 : index
    %get3A_66 = arith.constant 0 : index
    %get3A_67 = vector.load %arg7[%get3A_65, %get3A_66] : memref<2000x16xf32, #tpu.memory_space<vmem>>, vector<2000x16xf32>
    %mul3A_68 = arith.mulf %sqrt3A, %get3A_67 : vector<2000x16xf32>
    %add3A_69 = arith.addf %add3A_55, %mul3A_68 : vector<2000x16xf32>
    %swap3A_70 = arith.constant 0 : index
    %swap3A_71 = arith.constant 0 : index
    %swap3A_72 = vector.load %arg9[%swap3A_70, %swap3A_71] : memref<2000x16xf32, #tpu.memory_space<vmem>>, vector<2000x16xf32>
    tpu.vector_store %arg9[%swap3A_70, %swap3A_71], %add3A_69 {strides = array<i32>} : memref<2000x16xf32, #tpu.memory_space<vmem>>, vector<2000x16xf32>,
    %get3A_73 = arith.constant 0 : index
    %get3A_74 = arith.constant 0 : index
    %get3A_75 = vector.load %arg11[%get3A_73, %get3A_74] : memref<8x128xf32, #tpu.memory_space<vmem>>, vector<1x128xf32>
    %abs3A = math.absf %dot_general3A_37 : vector<2000x128xf32>
    %reduce_max3A = arith.constant dense<0xFF800000> : vector<128xf32>
    %reduce_max3A_76 = vector.multi_reduction <maximumf>, %abs3A, %reduce_max3A [0] : vector<2000x128xf32> to vector<128xf32>
    %broadcast_in_dim3A_77 = vector.shape_cast %reduce_max3A_76 : vector<128xf32> to vector<1x128xf32>
    %max3A_78 = arith.maximumf %get3A_75, %broadcast_in_dim3A_77 : vector<1x128xf32>
    %swap3A_79 = arith.constant 0 : index
    %swap3A_80 = arith.constant 0 : index
    %swap3A_81 = vector.load %arg11[%swap3A_79, %swap3A_80] : memref<8x128xf32, #tpu.memory_space<vmem>>, vector<1x128xf32>
    tpu.vector_store %arg11[%swap3A_79, %swap3A_80], %max3A_78 {strides = array<i32>} : memref<8x128xf32, #tpu.memory_space<vmem>>, vector<1x128xf32>,
    %eq3A_82 = arith.constant 4 : i32
    %eq3A_83 = arith.cmpi eq, %arg0, %eq3A_82 : i32
    %convert_element_type3A_84 = arith.extui %eq3A_83 : i1 to i32
    %cond3A_85 = arith.constant 0 : i32
    %cond3A_86 = arith.cmpi ne, %convert_element_type3A_84, %cond3A_85 : i32
    scf.if %cond3A_86 {
      %get3A_87 = arith.constant 0 : index
      %get3A_88 = arith.constant 0 : index
      %get3A_89 = vector.load %arg11[%get3A_87, %get3A_88] : memref<8x128xf32, #tpu.memory_space<vmem>>, vector<1x128xf32>
      %get3A_90 = arith.constant 0 : index
      %get3A_91 = arith.constant 0 : index
      %get3A_92 = vector.load %arg6[%get3A_90, %get3A_91] : memref<2x16xf32, #tpu.memory_space<vmem>>, vector<1x16xf32>
      %abs3A_93 = math.absf %get3A_92 : vector<1x16xf32>
      %get3A_94 = arith.constant 1 : index
      %get3A_95 = arith.constant 0 : index
      %get3A_96 = vector.load %arg6[%get3A_94, %get3A_95] : memref<2x16xf32, #tpu.memory_space<vmem>>, vector<1x16xf32>
      %abs3A_97 = math.absf %get3A_96 : vector<1x16xf32>
      %slice3A_98 = vector.extract_strided_slice %get3A_89 {offsets = [0, 32], sizes = [1, 16], strides = [1, 1]} : vector<1x128xf32> to vector<1x16xf32>
      %slice3A_99 = vector.extract_strided_slice %get3A_89 {offsets = [0, 48], sizes = [1, 16], strides = [1, 1]} : vector<1x128xf32> to vector<1x16xf32>
      %add3A_100 = arith.addf %slice3A_98, %slice3A_99 : vector<1x16xf32>
      %mul3A_101 = arith.mulf %add3A_100, %abs3A_93 : vector<1x16xf32>
      %reduce_sum3A = vector.shape_cast %mul3A_101 : vector<1x16xf32> to vector<1x1x16xf32>
      %reduce_sum3A_102 = arith.constant dense<0.000000e+00> : vector<1xf32>
      %reduce_sum3A_103 = vector.multi_reduction <add>, %reduce_sum3A, %reduce_sum3A_102 [1, 2] : vector<1x1x16xf32> to vector<1xf32>
      %reduce_sum3A_104 = vector.shape_cast %reduce_sum3A_103 : vector<1xf32> to vector<1x1x1xf32>
      %reduce_sum3A_105 = vector.extract %reduce_sum3A_104[0, 0, 0] : f32 from vector<1x1x1xf32>
      %slice3A_106 = vector.extract_strided_slice %get3A_89 {offsets = [0, 64], sizes = [1, 16], strides = [1, 1]} : vector<1x128xf32> to vector<1x16xf32>
      %slice3A_107 = vector.extract_strided_slice %get3A_89 {offsets = [0, 80], sizes = [1, 16], strides = [1, 1]} : vector<1x128xf32> to vector<1x16xf32>
      %add3A_108 = arith.addf %slice3A_106, %slice3A_107 : vector<1x16xf32>
      %mul3A_109 = arith.mulf %add3A_108, %abs3A_97 : vector<1x16xf32>
      %reduce_sum3A_110 = vector.shape_cast %mul3A_109 : vector<1x16xf32> to vector<1x1x16xf32>
      %reduce_sum3A_111 = arith.constant dense<0.000000e+00> : vector<1xf32>
      %reduce_sum3A_112 = vector.multi_reduction <add>, %reduce_sum3A_110, %reduce_sum3A_111 [1, 2] : vector<1x1x16xf32> to vector<1xf32>
      %reduce_sum3A_113 = vector.shape_cast %reduce_sum3A_112 : vector<1xf32> to vector<1x1x1xf32>
      %reduce_sum3A_114 = vector.extract %reduce_sum3A_113[0, 0, 0] : f32 from vector<1x1x1xf32>
      %get3A_115 = arith.constant 0 : index
      %get3A_116 = arith.constant 0 : index
      %get3A_117 = vector.load %arg6[%get3A_115, %get3A_116] : memref<2x16xf32, #tpu.memory_space<vmem>>, vector<2x16xf32>
      %broadcast_in_dim3A_118 = arith.constant 0.000000e+00 : f32
      %broadcast_in_dim3A_119 = vector.broadcast %broadcast_in_dim3A_118 : f32 to vector<2x112xf32>
      %concatenate3A_120 = tpu.concatenate %get3A_117, %broadcast_in_dim3A_119 in 1 : vector<2x16xf32>, vector<2x112xf32> -> vector<2x128xf32>
      %iota3A_121 = tpu.iota {dimensions = array<i32: 0>} : vector<8x128xi32>
      %lt3A = arith.constant 3 : i32
      %lt3A_122 = vector.broadcast %lt3A : i32 to vector<8x128xi32>
      %lt3A_123 = arith.cmpi slt, %iota3A_121, %lt3A_122 : vector<8x128xi32>
      %broadcast_in_dim3A_124 = vector.broadcast %reduce_sum3A_105 : f32 to vector<8x128xf32>
      %broadcast_in_dim3A_125 = vector.broadcast %reduce_sum3A_114 : f32 to vector<8x128xf32>
      %select_n3A_126 = arith.select %lt3A_123, %broadcast_in_dim3A_124, %broadcast_in_dim3A_125 : vector<8x128xi1>, vector<8x128xf32>
      %eq3A_127 = arith.constant 0 : i32
      %eq3A_128 = vector.broadcast %eq3A_127 : i32 to vector<8x128xi32>
      %eq3A_129 = arith.cmpi eq, %iota3A_121, %eq3A_128 : vector<8x128xi32>
      %slice3A_130 = vector.extract_strided_slice %concatenate3A_120 {offsets = [0, 0], sizes = [1, 128], strides = [1, 1]} : vector<2x128xf32> to vector<1x128xf32>
      %eq3A_131 = arith.constant 1 : i32
      %eq3A_132 = vector.broadcast %eq3A_131 : i32 to vector<8x128xi32>
      %eq3A_133 = arith.cmpi eq, %iota3A_121, %eq3A_132 : vector<8x128xi32>
      %slice3A_134 = vector.extract_strided_slice %concatenate3A_120 {offsets = [1, 0], sizes = [1, 128], strides = [1, 1]} : vector<2x128xf32> to vector<1x128xf32>
      %lt3A_135 = arith.constant 4 : i32
      %lt3A_136 = vector.broadcast %lt3A_135 : i32 to vector<8x128xi32>
      %lt3A_137 = arith.cmpi slt, %iota3A_121, %lt3A_136 : vector<8x128xi32>
      %jit3A_138 = arith.constant 0.000000e+00 : f32
      %broadcast_in_dim3A_139 = vector.broadcast %jit3A_138 : f32 to vector<8x128xf32>
      %select_n3A_140 = arith.select %lt3A_137, %select_n3A_126, %broadcast_in_dim3A_139 : vector<8x128xi1>, vector<8x128xf32>
      %broadcast_in_dim3A_141 = vector.shape_cast %slice3A_134 : vector<1x128xf32> to vector<1x128xf32>
      %broadcast_in_dim3A_142 = vector.broadcast %broadcast_in_dim3A_141 : vector<1x128xf32> to vector<8x128xf32>
      %select_n3A_143 = arith.select %eq3A_133, %broadcast_in_dim3A_142, %select_n3A_140 : vector<8x128xi1>, vector<8x128xf32>
      %broadcast_in_dim3A_144 = vector.shape_cast %slice3A_130 : vector<1x128xf32> to vector<1x128xf32>
      %broadcast_in_dim3A_145 = vector.broadcast %broadcast_in_dim3A_144 : vector<1x128xf32> to vector<8x128xf32>
      %select_n3A_146 = arith.select %eq3A_129, %broadcast_in_dim3A_145, %select_n3A_143 : vector<8x128xi1>, vector<8x128xf32>
      %swap3A_147 = arith.constant 0 : index
      %swap3A_148 = arith.constant 0 : index
      %swap3A_149 = vector.load %arg10[%swap3A_147, %swap3A_148] : memref<8x128xf32, #tpu.memory_space<vmem>>, vector<8x128xf32>
      tpu.vector_store %arg10[%swap3A_147, %swap3A_148], %select_n3A_146 {strides = array<i32>} : memref<8x128xf32, #tpu.memory_space<vmem>>, vector<8x128xf32>,
    } else {
    }
    return
  }
  func.func @transform_0(%arg0: i32) -> (i32, i32) {
    %c0_i32 = arith.constant 0 : i32
    %c0_i32_0 = arith.constant 0 : i32
    return %arg0, %c0_i32 : i32, i32
  }
  func.func @transform_1(%arg0: i32) -> (i32, i32) {
    %c0_i32 = arith.constant 0 : i32
    %c0_i32_0 = arith.constant 0 : i32
    %c0_i32_1 = arith.constant 0 : i32
    return %c0_i32, %c0_i32_0 : i32, i32
  }
  func.func @transform_2(%arg0: i32) -> (i32, i32) {
    %c0_i32 = arith.constant 0 : i32
    %c0_i32_0 = arith.constant 0 : i32
    %c0_i32_1 = arith.constant 0 : i32
    return %c0_i32, %c0_i32_0 : i32, i32
  }
  func.func @transform_3(%arg0: i32) -> (i32, i32) {
    %c0_i32 = arith.constant 0 : i32
    %c0_i32_0 = arith.constant 0 : i32
    %c0_i32_1 = arith.constant 0 : i32
    return %c0_i32, %c0_i32_0 : i32, i32
  }
  func.func @transform_4(%arg0: i32) -> (i32, i32) {
    %c0_i32 = arith.constant 0 : i32
    %c0_i32_0 = arith.constant 0 : i32
    %c0_i32_1 = arith.constant 0 : i32
    return %c0_i32, %c0_i32_0 : i32, i32
  }
  func.func @transform_5(%arg0: i32) -> (i32, i32) {
    %c0_i32 = arith.constant 0 : i32
    %c0_i32_0 = arith.constant 0 : i32
    %c0_i32_1 = arith.constant 0 : i32
    return %c0_i32, %c0_i32_0 : i32, i32
  }
  func.func @transform_6(%arg0: i32) -> (i32, i32) {
    %c0_i32 = arith.constant 0 : i32
    %c0_i32_0 = arith.constant 0 : i32
    return %arg0, %c0_i32 : i32, i32
  }
  func.func @transform_7(%arg0: i32) -> (i32, i32) {
    %c0_i32 = arith.constant 0 : i32
    %c0_i32_0 = arith.constant 0 : i32
    return %arg0, %c0_i32 : i32, i32
  }
  func.func @transform_8(%arg0: i32) -> (i32, i32) {
    %c0_i32 = arith.constant 0 : i32
    %c0_i32_0 = arith.constant 0 : i32
    return %arg0, %c0_i32 : i32, i32
  }
  func.func @transform_9(%arg0: i32) -> (i32, i32) {
    %c0_i32 = arith.constant 0 : i32
    %c0_i32_0 = arith.constant 0 : i32
    %c0_i32_1 = arith.constant 0 : i32
    return %c0_i32, %c0_i32_0 : i32, i32
  }
}

module attributes {stable_mosaic.version = 14 : i64} {
  func.func @_dec_a_body(%arg0: i32, %arg1: memref<2000x128xf32, #tpu.memory_space<vmem>>, %arg2: memref<2000x128xf32, #tpu.memory_space<vmem>>, %arg3: memref<2000x16xf32, #tpu.memory_space<vmem>>, %arg4: memref<2000x1xi32, #tpu.memory_space<vmem>>, %arg5: memref<2x16xf32, #tpu.memory_space<vmem>>, %arg6: memref<2000x16xf32, #tpu.memory_space<vmem>>, %arg7: memref<32x128xf32, #tpu.memory_space<vmem>>, %arg8: memref<2x128xf32, #tpu.memory_space<vmem>>, %arg9: memref<3x128xf32, #tpu.memory_space<vmem>>, %arg10: memref<2000x128xf32, #tpu.memory_space<vmem>>, %arg11: memref<8x128xf32, #tpu.memory_space<vmem>>, %arg12: memref<8x128xf32, #tpu.memory_space<vmem>>) attributes {dimension_semantics = [#tpu.dimension_semantics<arbitrary>], iteration_bounds = array<i64: 5>, scalar_prefetch = 0 : i64, scratch_operands = 1 : i64, tpu.core_type = #tpu.core_type<tc>, window_params = [{transform_indices = @transform_0, window_bounds = array<i64: 2000, 128>}, {transform_indices = @transform_1, window_bounds = array<i64: 2000, 128>}, {transform_indices = @transform_2, window_bounds = array<i64: 2000, 16>}, {transform_indices = @transform_3, window_bounds = array<i64: 2000, 1>}, {pipeline_mode = #tpu.pipeline_mode<synchronous>, transform_indices = @transform_4, window_bounds = array<i64: 2, 16>}, {transform_indices = @transform_5, window_bounds = array<i64: 2000, 16>}, {pipeline_mode = #tpu.pipeline_mode<synchronous>, transform_indices = @transform_6, window_bounds = array<i64: 32, 128>}, {pipeline_mode = #tpu.pipeline_mode<synchronous>, transform_indices = @transform_7, window_bounds = array<i64: 2, 128>}, {pipeline_mode = #tpu.pipeline_mode<synchronous>, transform_indices = @transform_8, window_bounds = array<i64: 3, 128>}, {transform_indices = @transform_9, window_bounds = array<i64: 2000, 128>}, {pipeline_mode = #tpu.pipeline_mode<synchronous>, transform_indices = @transform_10, window_bounds = array<i64: 8, 128>}]} {
    %eq3A = arith.constant 0 : i32
    %eq3A_0 = arith.cmpi eq, %arg0, %eq3A : i32
    %convert_element_type3A = arith.extui %eq3A_0 : i1 to i32
    %cond3A = arith.constant 0 : i32
    %cond3A_1 = arith.cmpi ne, %convert_element_type3A, %cond3A : i32
    scf.if %cond3A_1 {
      %broadcast_in_dim3A_96 = arith.constant 0.000000e+00 : f32
      %broadcast_in_dim3A_97 = vector.broadcast %broadcast_in_dim3A_96 : f32 to vector<8x128xf32>
      %swap3A_98 = arith.constant 0 : index
      %swap3A_99 = arith.constant 0 : index
      %swap3A_100 = vector.load %arg12[%swap3A_98, %swap3A_99] : memref<8x128xf32, #tpu.memory_space<vmem>>, vector<8x128xf32>
      tpu.vector_store %arg12[%swap3A_98, %swap3A_99], %broadcast_in_dim3A_97 {strides = array<i32>} : memref<8x128xf32, #tpu.memory_space<vmem>>, vector<8x128xf32>,
    } else {
    }
    %get3A = arith.constant 0 : index
    %get3A_2 = arith.constant 0 : index
    %get3A_3 = vector.load %arg1[%get3A, %get3A_2] : memref<2000x128xf32, #tpu.memory_space<vmem>>, vector<2000x128xf32>
    %get3A_4 = arith.constant 0 : index
    %get3A_5 = arith.constant 0 : index
    %get3A_6 = vector.load %arg2[%get3A_4, %get3A_5] : memref<2000x128xf32, #tpu.memory_space<vmem>>, vector<2000x128xf32>
    %slice3A = vector.extract_strided_slice %get3A_3 {offsets = [0, 0], sizes = [2000, 16], strides = [1, 1]} : vector<2000x128xf32> to vector<2000x16xf32>
    %slice3A_7 = vector.extract_strided_slice %get3A_6 {offsets = [0, 0], sizes = [2000, 16], strides = [1, 1]} : vector<2000x128xf32> to vector<2000x16xf32>
    %add3A = arith.addf %slice3A, %slice3A_7 : vector<2000x16xf32>
    %slice3A_8 = vector.extract_strided_slice %get3A_3 {offsets = [0, 16], sizes = [2000, 16], strides = [1, 1]} : vector<2000x128xf32> to vector<2000x16xf32>
    %slice3A_9 = vector.extract_strided_slice %get3A_6 {offsets = [0, 16], sizes = [2000, 16], strides = [1, 1]} : vector<2000x128xf32> to vector<2000x16xf32>
    %add3A_10 = arith.addf %slice3A_8, %slice3A_9 : vector<2000x16xf32>
    %slice3A_11 = vector.extract_strided_slice %add3A {offsets = [0, 10], sizes = [2000, 1], strides = [1, 1]} : vector<2000x16xf32> to vector<2000x1xf32>
    %add3A_12 = arith.constant 1.000000e-16 : f32
    %add3A_13 = vector.broadcast %add3A_12 : f32 to vector<2000x1xf32>
    %add3A_14 = arith.addf %slice3A_11, %add3A_13 : vector<2000x1xf32>
    %div3A = vector.broadcast %add3A_14 : vector<2000x1xf32> to vector<2000x16xf32>
    %div3A_15 = arith.divf %add3A, %div3A : vector<2000x16xf32>
    %get3A_16 = arith.constant 0 : index
    %get3A_17 = arith.constant 0 : index
    %get3A_18 = vector.load %arg5[%get3A_16, %get3A_17] : memref<2x16xf32, #tpu.memory_space<vmem>>, vector<1x16xf32>
    %add3A_19 = vector.broadcast %get3A_18 : vector<1x16xf32> to vector<2000x16xf32>
    %add3A_20 = arith.addf %div3A_15, %add3A_19 : vector<2000x16xf32>
    %slice3A_21 = vector.extract_strided_slice %add3A_10 {offsets = [0, 10], sizes = [2000, 1], strides = [1, 1]} : vector<2000x16xf32> to vector<2000x1xf32>
    %add3A_22 = arith.constant 1.000000e-16 : f32
    %add3A_23 = vector.broadcast %add3A_22 : f32 to vector<2000x1xf32>
    %add3A_24 = arith.addf %slice3A_21, %add3A_23 : vector<2000x1xf32>
    %div3A_25 = vector.broadcast %add3A_24 : vector<2000x1xf32> to vector<2000x16xf32>
    %div3A_26 = arith.divf %add3A_10, %div3A_25 : vector<2000x16xf32>
    %get3A_27 = arith.constant 1 : index
    %get3A_28 = arith.constant 0 : index
    %get3A_29 = vector.load %arg5[%get3A_27, %get3A_28] : memref<2x16xf32, #tpu.memory_space<vmem>>, vector<1x16xf32>
    %add3A_30 = vector.broadcast %get3A_29 : vector<1x16xf32> to vector<2000x16xf32>
    %add3A_31 = arith.addf %div3A_26, %add3A_30 : vector<2000x16xf32>
    %exp3A = math.exp %add3A_31 : vector<2000x16xf32>
    %add3A_32 = arith.constant 9.99999974E-5 : f32
    %add3A_33 = vector.broadcast %add3A_32 : f32 to vector<2000x16xf32>
    %add3A_34 = arith.addf %exp3A, %add3A_33 : vector<2000x16xf32>
    %sqrt3A = math.sqrt %add3A_34 : vector<2000x16xf32>
    %get3A_35 = arith.constant 0 : index
    %get3A_36 = arith.constant 0 : index
    %get3A_37 = vector.load %arg6[%get3A_35, %get3A_36] : memref<2000x16xf32, #tpu.memory_space<vmem>>, vector<2000x16xf32>
    %mul3A = arith.mulf %sqrt3A, %get3A_37 : vector<2000x16xf32>
    %add3A_38 = arith.addf %add3A_20, %mul3A : vector<2000x16xf32>
    %get3A_39 = arith.constant 0 : index
    %get3A_40 = arith.constant 0 : index
    %get3A_41 = vector.load %arg3[%get3A_39, %get3A_40] : memref<2000x16xf32, #tpu.memory_space<vmem>>, vector<2000x16xf32>
    %concatenate3A = tpu.concatenate %add3A_38, %get3A_41 in 1 : vector<2000x16xf32>, vector<2000x16xf32> -> vector<2000x32xf32>
    %get3A_42 = arith.constant 0 : index
    %get3A_43 = arith.constant 0 : index
    %get3A_44 = vector.load %arg4[%get3A_42, %get3A_43] : memref<2000x1xi32, #tpu.memory_space<vmem>>, vector<2000x1xi32>
    %eq3A_45 = arith.constant 0 : i32
    %eq3A_46 = vector.broadcast %eq3A_45 : i32 to vector<2000x1xi32>
    %eq3A_47 = arith.cmpi eq, %get3A_44, %eq3A_46 : vector<2000x1xi32>
    %get3A_48 = arith.constant 0 : index
    %get3A_49 = arith.constant 0 : index
    %get3A_50 = vector.load %arg8[%get3A_48, %get3A_49] : memref<2x128xf32, #tpu.memory_space<vmem>>, vector<1x128xf32>
    %get3A_51 = arith.constant 1 : index
    %get3A_52 = arith.constant 0 : index
    %get3A_53 = vector.load %arg8[%get3A_51, %get3A_52] : memref<2x128xf32, #tpu.memory_space<vmem>>, vector<1x128xf32>
    %broadcast_in_dim3A = vector.shape_cast %eq3A_47 : vector<2000x1xi1> to vector<2000x1xi1>
    %broadcast_in_dim3A_54 = vector.broadcast %broadcast_in_dim3A : vector<2000x1xi1> to vector<2000x128xi1>
    %broadcast_in_dim3A_55 = vector.shape_cast %get3A_50 : vector<1x128xf32> to vector<1x128xf32>
    %broadcast_in_dim3A_56 = vector.broadcast %broadcast_in_dim3A_55 : vector<1x128xf32> to vector<2000x128xf32>
    %broadcast_in_dim3A_57 = vector.shape_cast %get3A_53 : vector<1x128xf32> to vector<1x128xf32>
    %broadcast_in_dim3A_58 = vector.broadcast %broadcast_in_dim3A_57 : vector<1x128xf32> to vector<2000x128xf32>
    %select_n3A = arith.select %broadcast_in_dim3A_54, %broadcast_in_dim3A_56, %broadcast_in_dim3A_58 : vector<2000x128xi1>, vector<2000x128xf32>
    %get3A_59 = arith.constant 0 : index
    %get3A_60 = arith.constant 0 : index
    %get3A_61 = vector.load %arg7[%get3A_59, %get3A_60] : memref<32x128xf32, #tpu.memory_space<vmem>>, vector<32x128xf32>
    %dot_general3A = arith.constant dense<0.000000e+00> : vector<2000x128xf32>
    %dot_general3A_62 = tpu.matmul %concatenate3A, %get3A_61, %dot_general3A {dimension_numbers = #tpu.dot_dimension_numbers<[1], [0], [0], [1], [0, 0, 1, 1], [], []>, precision = #tpu.contract_precision<fp32>, transpose_lhs_hint = false} : vector<2000x32xf32>, vector<32x128xf32>, vector<2000x128xf32> -> vector<2000x128xf32>
    %add3A_63 = arith.addf %dot_general3A_62, %select_n3A : vector<2000x128xf32>
    %get3A_64 = arith.constant 0 : index
    %get3A_65 = arith.constant 0 : index
    %get3A_66 = vector.load %arg9[%get3A_64, %get3A_65] : memref<3x128xf32, #tpu.memory_space<vmem>>, vector<1x128xf32>
    %add3A_67 = vector.broadcast %get3A_66 : vector<1x128xf32> to vector<2000x128xf32>
    %add3A_68 = arith.addf %add3A_63, %add3A_67 : vector<2000x128xf32>
    %swap3A = arith.constant 0 : index
    %swap3A_69 = arith.constant 0 : index
    %swap3A_70 = vector.load %arg10[%swap3A, %swap3A_69] : memref<2000x128xf32, #tpu.memory_space<vmem>>, vector<2000x128xf32>
    tpu.vector_store %arg10[%swap3A, %swap3A_69], %add3A_68 {strides = array<i32>} : memref<2000x128xf32, #tpu.memory_space<vmem>>, vector<2000x128xf32>,
    %get3A_71 = arith.constant 0 : index
    %get3A_72 = arith.constant 0 : index
    %get3A_73 = vector.load %arg12[%get3A_71, %get3A_72] : memref<8x128xf32, #tpu.memory_space<vmem>>, vector<1x128xf32>
    %reduce_sum3A = arith.constant dense<0.000000e+00> : vector<128xf32>
    %reduce_sum3A_74 = vector.multi_reduction <add>, %add3A_68, %reduce_sum3A [0] : vector<2000x128xf32> to vector<128xf32>
    %broadcast_in_dim3A_75 = vector.shape_cast %reduce_sum3A_74 : vector<128xf32> to vector<1x128xf32>
    %add3A_76 = arith.addf %get3A_73, %broadcast_in_dim3A_75 : vector<1x128xf32>
    %swap3A_77 = arith.constant 0 : index
    %swap3A_78 = arith.constant 0 : index
    %swap3A_79 = vector.load %arg12[%swap3A_77, %swap3A_78] : memref<8x128xf32, #tpu.memory_space<vmem>>, vector<1x128xf32>
    tpu.vector_store %arg12[%swap3A_77, %swap3A_78], %add3A_76 {strides = array<i32>} : memref<8x128xf32, #tpu.memory_space<vmem>>, vector<1x128xf32>,
    %get3A_80 = arith.constant 1 : index
    %get3A_81 = arith.constant 0 : index
    %get3A_82 = vector.load %arg12[%get3A_80, %get3A_81] : memref<8x128xf32, #tpu.memory_space<vmem>>, vector<1x128xf32>
    %mul3A_83 = arith.mulf %add3A_68, %add3A_68 : vector<2000x128xf32>
    %reduce_sum3A_84 = arith.constant dense<0.000000e+00> : vector<128xf32>
    %reduce_sum3A_85 = vector.multi_reduction <add>, %mul3A_83, %reduce_sum3A_84 [0] : vector<2000x128xf32> to vector<128xf32>
    %broadcast_in_dim3A_86 = vector.shape_cast %reduce_sum3A_85 : vector<128xf32> to vector<1x128xf32>
    %add3A_87 = arith.addf %get3A_82, %broadcast_in_dim3A_86 : vector<1x128xf32>
    %swap3A_88 = arith.constant 1 : index
    %swap3A_89 = arith.constant 0 : index
    %swap3A_90 = vector.load %arg12[%swap3A_88, %swap3A_89] : memref<8x128xf32, #tpu.memory_space<vmem>>, vector<1x128xf32>
    tpu.vector_store %arg12[%swap3A_88, %swap3A_89], %add3A_87 {strides = array<i32>} : memref<8x128xf32, #tpu.memory_space<vmem>>, vector<1x128xf32>,
    %eq3A_91 = arith.constant 4 : i32
    %eq3A_92 = arith.cmpi eq, %arg0, %eq3A_91 : i32
    %convert_element_type3A_93 = arith.extui %eq3A_92 : i1 to i32
    %cond3A_94 = arith.constant 0 : i32
    %cond3A_95 = arith.cmpi ne, %convert_element_type3A_93, %cond3A_94 : i32
    scf.if %cond3A_95 {
      %get3A_96 = arith.constant 0 : index
      %get3A_97 = arith.constant 0 : index
      %get3A_98 = vector.load %arg12[%get3A_96, %get3A_97] : memref<8x128xf32, #tpu.memory_space<vmem>>, vector<8x128xf32>
      %swap3A_99 = arith.constant 0 : index
      %swap3A_100 = arith.constant 0 : index
      %swap3A_101 = vector.load %arg11[%swap3A_99, %swap3A_100] : memref<8x128xf32, #tpu.memory_space<vmem>>, vector<8x128xf32>
      tpu.vector_store %arg11[%swap3A_99, %swap3A_100], %get3A_98 {strides = array<i32>} : memref<8x128xf32, #tpu.memory_space<vmem>>, vector<8x128xf32>,
    } else {
    }
    return
  }
  func.func @transform_0(%arg0: i32) -> (i32, i32) {
    %c0_i32 = arith.constant 0 : i32
    %c0_i32_0 = arith.constant 0 : i32
    return %arg0, %c0_i32 : i32, i32
  }
  func.func @transform_1(%arg0: i32) -> (i32, i32) {
    %add3A = arith.constant 8 : i32
    %add3A_0 = arith.addi %arg0, %add3A : i32
    %c0_i32 = arith.constant 0 : i32
    %c0_i32_1 = arith.constant 0 : i32
    return %add3A_0, %c0_i32 : i32, i32
  }
  func.func @transform_2(%arg0: i32) -> (i32, i32) {
    %c0_i32 = arith.constant 0 : i32
    %c0_i32_0 = arith.constant 0 : i32
    return %arg0, %c0_i32 : i32, i32
  }
  func.func @transform_3(%arg0: i32) -> (i32, i32) {
    %c0_i32 = arith.constant 0 : i32
    %c0_i32_0 = arith.constant 0 : i32
    return %arg0, %c0_i32 : i32, i32
  }
  func.func @transform_4(%arg0: i32) -> (i32, i32) {
    %c0_i32 = arith.constant 0 : i32
    %c0_i32_0 = arith.constant 0 : i32
    %c0_i32_1 = arith.constant 0 : i32
    return %c0_i32, %c0_i32_0 : i32, i32
  }
  func.func @transform_5(%arg0: i32) -> (i32, i32) {
    %c0_i32 = arith.constant 0 : i32
    %c0_i32_0 = arith.constant 0 : i32
    return %arg0, %c0_i32 : i32, i32
  }
  func.func @transform_6(%arg0: i32) -> (i32, i32) {
    %c0_i32 = arith.constant 0 : i32
    %c0_i32_0 = arith.constant 0 : i32
    %c0_i32_1 = arith.constant 0 : i32
    return %c0_i32, %c0_i32_0 : i32, i32
  }
  func.func @transform_7(%arg0: i32) -> (i32, i32) {
    %c0_i32 = arith.constant 0 : i32
    %c0_i32_0 = arith.constant 0 : i32
    %c0_i32_1 = arith.constant 0 : i32
    return %c0_i32, %c0_i32_0 : i32, i32
  }
  func.func @transform_8(%arg0: i32) -> (i32, i32) {
    %c0_i32 = arith.constant 0 : i32
    %c0_i32_0 = arith.constant 0 : i32
    %c0_i32_1 = arith.constant 0 : i32
    return %c0_i32, %c0_i32_0 : i32, i32
  }
  func.func @transform_9(%arg0: i32) -> (i32, i32) {
    %c0_i32 = arith.constant 0 : i32
    %c0_i32_0 = arith.constant 0 : i32
    return %arg0, %c0_i32 : i32, i32
  }
  func.func @transform_10(%arg0: i32) -> (i32, i32) {
    %c0_i32 = arith.constant 0 : i32
    %c0_i32_0 = arith.constant 0 : i32
    %c0_i32_1 = arith.constant 0 : i32
    return %c0_i32, %c0_i32_0 : i32, i32
  }
}

module attributes {stable_mosaic.version = 14 : i64} {
  func.func @_dec_b_body(%arg0: i32, %arg1: memref<2000x128xf32, #tpu.memory_space<vmem>>, %arg2: memref<8x128xf32, #tpu.memory_space<vmem>>, %arg3: memref<3x128xf32, #tpu.memory_space<vmem>>, %arg4: memref<128x128xf32, #tpu.memory_space<vmem>>, %arg5: memref<1x128xf32, #tpu.memory_space<vmem>>, %arg6: memref<128x128xf32, #tpu.memory_space<vmem>>, %arg7: memref<1x128xf32, #tpu.memory_space<vmem>>, %arg8: memref<2000x16xf32, #tpu.memory_space<vmem>>, %arg9: memref<2000x128xf32, #tpu.memory_space<vmem>>, %arg10: memref<2000x128xf32, #tpu.memory_space<vmem>>, %arg11: memref<2000x128xf32, #tpu.memory_space<vmem>>) attributes {dimension_semantics = [#tpu.dimension_semantics<arbitrary>], iteration_bounds = array<i64: 5>, scalar_prefetch = 0 : i64, scratch_operands = 0 : i64, tpu.core_type = #tpu.core_type<tc>, window_params = [{transform_indices = @transform_0, window_bounds = array<i64: 2000, 128>}, {pipeline_mode = #tpu.pipeline_mode<synchronous>, transform_indices = @transform_1, window_bounds = array<i64: 8, 128>}, {pipeline_mode = #tpu.pipeline_mode<synchronous>, transform_indices = @transform_2, window_bounds = array<i64: 3, 128>}, {pipeline_mode = #tpu.pipeline_mode<synchronous>, transform_indices = @transform_3, window_bounds = array<i64: 128, 128>}, {pipeline_mode = #tpu.pipeline_mode<synchronous>, transform_indices = @transform_4, window_bounds = array<i64: 1, 128>}, {pipeline_mode = #tpu.pipeline_mode<synchronous>, transform_indices = @transform_5, window_bounds = array<i64: 128, 128>}, {pipeline_mode = #tpu.pipeline_mode<synchronous>, transform_indices = @transform_6, window_bounds = array<i64: 1, 128>}, {transform_indices = @transform_7, window_bounds = array<i64: 2000, 16>}, {transform_indices = @transform_8, window_bounds = array<i64: 2000, 128>}, {transform_indices = @transform_9, window_bounds = array<i64: 2000, 128>}, {transform_indices = @transform_10, window_bounds = array<i64: 2000, 128>}]} {
    %get3A = arith.constant 0 : index
    %get3A_0 = arith.constant 0 : index
    %get3A_1 = vector.load %arg2[%get3A, %get3A_0] : memref<8x128xf32, #tpu.memory_space<vmem>>, vector<1x128xf32>
    %mul3A = arith.constant 9.99999974E-5 : f32
    %mul3A_2 = vector.broadcast %mul3A : f32 to vector<1x128xf32>
    %mul3A_3 = arith.mulf %get3A_1, %mul3A_2 : vector<1x128xf32>
    %get3A_4 = arith.constant 1 : index
    %get3A_5 = arith.constant 0 : index
    %get3A_6 = vector.load %arg2[%get3A_4, %get3A_5] : memref<8x128xf32, #tpu.memory_space<vmem>>, vector<1x128xf32>
    %mul3A_7 = arith.constant 9.99999974E-5 : f32
    %mul3A_8 = vector.broadcast %mul3A_7 : f32 to vector<1x128xf32>
    %mul3A_9 = arith.mulf %get3A_6, %mul3A_8 : vector<1x128xf32>
    %mul3A_10 = arith.mulf %mul3A_3, %mul3A_3 : vector<1x128xf32>
    %sub3A = arith.subf %mul3A_9, %mul3A_10 : vector<1x128xf32>
    %add3A = arith.constant 9.99999974E-6 : f32
    %add3A_11 = vector.broadcast %add3A : f32 to vector<1x128xf32>
    %add3A_12 = arith.addf %sub3A, %add3A_11 : vector<1x128xf32>
    %rsqrt3A = math.rsqrt %add3A_12 : vector<1x128xf32>
    %get3A_13 = arith.constant 0 : index
    %get3A_14 = arith.constant 0 : index
    %get3A_15 = vector.load %arg1[%get3A_13, %get3A_14] : memref<2000x128xf32, #tpu.memory_space<vmem>>, vector<2000x128xf32>
    %sub3A_16 = vector.broadcast %mul3A_3 : vector<1x128xf32> to vector<2000x128xf32>
    %sub3A_17 = arith.subf %get3A_15, %sub3A_16 : vector<2000x128xf32>
    %mul3A_18 = vector.broadcast %rsqrt3A : vector<1x128xf32> to vector<2000x128xf32>
    %mul3A_19 = arith.mulf %sub3A_17, %mul3A_18 : vector<2000x128xf32>
    %get3A_20 = arith.constant 1 : index
    %get3A_21 = arith.constant 0 : index
    %get3A_22 = vector.load %arg3[%get3A_20, %get3A_21] : memref<3x128xf32, #tpu.memory_space<vmem>>, vector<1x128xf32>
    %mul3A_23 = vector.broadcast %get3A_22 : vector<1x128xf32> to vector<2000x128xf32>
    %mul3A_24 = arith.mulf %mul3A_19, %mul3A_23 : vector<2000x128xf32>
    %get3A_25 = arith.constant 2 : index
    %get3A_26 = arith.constant 0 : index
    %get3A_27 = vector.load %arg3[%get3A_25, %get3A_26] : memref<3x128xf32, #tpu.memory_space<vmem>>, vector<1x128xf32>
    %add3A_28 = vector.broadcast %get3A_27 : vector<1x128xf32> to vector<2000x128xf32>
    %add3A_29 = arith.addf %mul3A_24, %add3A_28 : vector<2000x128xf32>
    %max3A = arith.constant 0.000000e+00 : f32
    %max3A_30 = vector.broadcast %max3A : f32 to vector<2000x128xf32>
    %max3A_31 = arith.maximumf %add3A_29, %max3A_30 : vector<2000x128xf32>
    %get3A_32 = arith.constant 0 : index
    %get3A_33 = arith.constant 0 : index
    %get3A_34 = vector.load %arg4[%get3A_32, %get3A_33] : memref<128x128xf32, #tpu.memory_space<vmem>>, vector<128x128xf32>
    %dot_general3A = arith.constant dense<0.000000e+00> : vector<2000x128xf32>
    %dot_general3A_35 = tpu.matmul %max3A_31, %get3A_34, %dot_general3A {dimension_numbers = #tpu.dot_dimension_numbers<[1], [0], [0], [1], [0, 0, 1, 1], [], []>, precision = #tpu.contract_precision<fp32>, transpose_lhs_hint = false} : vector<2000x128xf32>, vector<128x128xf32>, vector<2000x128xf32> -> vector<2000x128xf32>
    %get3A_36 = arith.constant 0 : index
    %get3A_37 = arith.constant 0 : index
    %get3A_38 = vector.load %arg5[%get3A_36, %get3A_37] : memref<1x128xf32, #tpu.memory_space<vmem>>, vector<1x128xf32>
    %add3A_39 = vector.broadcast %get3A_38 : vector<1x128xf32> to vector<2000x128xf32>
    %add3A_40 = arith.addf %dot_general3A_35, %add3A_39 : vector<2000x128xf32>
    %reduce_max3A = arith.constant dense<0xFF800000> : vector<2000xf32>
    %reduce_max3A_41 = vector.multi_reduction <maximumf>, %add3A_40, %reduce_max3A [1] : vector<2000x128xf32> to vector<2000xf32>
    %broadcast_in_dim3A = vector.shape_cast %reduce_max3A_41 : vector<2000xf32> to vector<2000x1xf32>
    %sub3A_42 = vector.broadcast %broadcast_in_dim3A : vector<2000x1xf32> to vector<2000x128xf32>
    %sub3A_43 = arith.subf %add3A_40, %sub3A_42 : vector<2000x128xf32>
    %exp3A = math.exp %sub3A_43 : vector<2000x128xf32>
    %reduce_sum3A = arith.constant dense<0.000000e+00> : vector<2000xf32>
    %reduce_sum3A_44 = vector.multi_reduction <add>, %exp3A, %reduce_sum3A [1] : vector<2000x128xf32> to vector<2000xf32>
    %broadcast_in_dim3A_45 = vector.shape_cast %reduce_sum3A_44 : vector<2000xf32> to vector<2000x1xf32>
    %div3A = vector.broadcast %broadcast_in_dim3A_45 : vector<2000x1xf32> to vector<2000x128xf32>
    %div3A_46 = arith.divf %exp3A, %div3A : vector<2000x128xf32>
    %swap3A = arith.constant 0 : index
    %swap3A_47 = arith.constant 0 : index
    %swap3A_48 = vector.load %arg9[%swap3A, %swap3A_47] : memref<2000x128xf32, #tpu.memory_space<vmem>>, vector<2000x128xf32>
    tpu.vector_store %arg9[%swap3A, %swap3A_47], %div3A_46 {strides = array<i32>} : memref<2000x128xf32, #tpu.memory_space<vmem>>, vector<2000x128xf32>,
    %get3A_49 = arith.constant 0 : index
    %get3A_50 = arith.constant 0 : index
    %get3A_51 = vector.load %arg8[%get3A_49, %get3A_50] : memref<2000x16xf32, #tpu.memory_space<vmem>>, vector<2000x1xf32>
    %mul3A_52 = vector.broadcast %get3A_51 : vector<2000x1xf32> to vector<2000x128xf32>
    %mul3A_53 = arith.mulf %mul3A_52, %div3A_46 : vector<2000x128xf32>
    %swap3A_54 = arith.constant 0 : index
    %swap3A_55 = arith.constant 0 : index
    %swap3A_56 = vector.load %arg10[%swap3A_54, %swap3A_55] : memref<2000x128xf32, #tpu.memory_space<vmem>>, vector<2000x128xf32>
    tpu.vector_store %arg10[%swap3A_54, %swap3A_55], %mul3A_53 {strides = array<i32>} : memref<2000x128xf32, #tpu.memory_space<vmem>>, vector<2000x128xf32>,
    %get3A_57 = arith.constant 0 : index
    %get3A_58 = arith.constant 0 : index
    %get3A_59 = vector.load %arg6[%get3A_57, %get3A_58] : memref<128x128xf32, #tpu.memory_space<vmem>>, vector<128x128xf32>
    %dot_general3A_60 = arith.constant dense<0.000000e+00> : vector<2000x128xf32>
    %dot_general3A_61 = tpu.matmul %max3A_31, %get3A_59, %dot_general3A_60 {dimension_numbers = #tpu.dot_dimension_numbers<[1], [0], [0], [1], [0, 0, 1, 1], [], []>, precision = #tpu.contract_precision<fp32>, transpose_lhs_hint = false} : vector<2000x128xf32>, vector<128x128xf32>, vector<2000x128xf32> -> vector<2000x128xf32>
    %get3A_62 = arith.constant 0 : index
    %get3A_63 = arith.constant 0 : index
    %get3A_64 = vector.load %arg7[%get3A_62, %get3A_63] : memref<1x128xf32, #tpu.memory_space<vmem>>, vector<1x128xf32>
    %add3A_65 = vector.broadcast %get3A_64 : vector<1x128xf32> to vector<2000x128xf32>
    %add3A_66 = arith.addf %dot_general3A_61, %add3A_65 : vector<2000x128xf32>
    %swap3A_67 = arith.constant 0 : index
    %swap3A_68 = arith.constant 0 : index
    %swap3A_69 = vector.load %arg11[%swap3A_67, %swap3A_68] : memref<2000x128xf32, #tpu.memory_space<vmem>>, vector<2000x128xf32>
    tpu.vector_store %arg11[%swap3A_67, %swap3A_68], %add3A_66 {strides = array<i32>} : memref<2000x128xf32, #tpu.memory_space<vmem>>, vector<2000x128xf32>,
    return
  }
  func.func @transform_0(%arg0: i32) -> (i32, i32) {
    %c0_i32 = arith.constant 0 : i32
    %c0_i32_0 = arith.constant 0 : i32
    return %arg0, %c0_i32 : i32, i32
  }
  func.func @transform_1(%arg0: i32) -> (i32, i32) {
    %c0_i32 = arith.constant 0 : i32
    %c0_i32_0 = arith.constant 0 : i32
    %c0_i32_1 = arith.constant 0 : i32
    return %c0_i32, %c0_i32_0 : i32, i32
  }
  func.func @transform_2(%arg0: i32) -> (i32, i32) {
    %c0_i32 = arith.constant 0 : i32
    %c0_i32_0 = arith.constant 0 : i32
    %c0_i32_1 = arith.constant 0 : i32
    return %c0_i32, %c0_i32_0 : i32, i32
  }
  func.func @transform_3(%arg0: i32) -> (i32, i32) {
    %c0_i32 = arith.constant 0 : i32
    %c0_i32_0 = arith.constant 0 : i32
    %c0_i32_1 = arith.constant 0 : i32
    return %c0_i32, %c0_i32_0 : i32, i32
  }
  func.func @transform_4(%arg0: i32) -> (i32, i32) {
    %c0_i32 = arith.constant 0 : i32
    %c0_i32_0 = arith.constant 0 : i32
    %c0_i32_1 = arith.constant 0 : i32
    return %c0_i32, %c0_i32_0 : i32, i32
  }
  func.func @transform_5(%arg0: i32) -> (i32, i32) {
    %c0_i32 = arith.constant 0 : i32
    %c0_i32_0 = arith.constant 0 : i32
    %c0_i32_1 = arith.constant 0 : i32
    return %c0_i32, %c0_i32_0 : i32, i32
  }
  func.func @transform_6(%arg0: i32) -> (i32, i32) {
    %c0_i32 = arith.constant 0 : i32
    %c0_i32_0 = arith.constant 0 : i32
    %c0_i32_1 = arith.constant 0 : i32
    return %c0_i32, %c0_i32_0 : i32, i32
  }
  func.func @transform_7(%arg0: i32) -> (i32, i32) {
    %c0_i32 = arith.constant 0 : i32
    %c0_i32_0 = arith.constant 0 : i32
    return %arg0, %c0_i32 : i32, i32
  }
  func.func @transform_8(%arg0: i32) -> (i32, i32) {
    %c0_i32 = arith.constant 0 : i32
    %c0_i32_0 = arith.constant 0 : i32
    return %arg0, %c0_i32 : i32, i32
  }
  func.func @transform_9(%arg0: i32) -> (i32, i32) {
    %c0_i32 = arith.constant 0 : i32
    %c0_i32_0 = arith.constant 0 : i32
    return %arg0, %c0_i32 : i32, i32
  }
  func.func @transform_10(%arg0: i32) -> (i32, i32) {
    %c0_i32 = arith.constant 0 : i32
    %c0_i32_0 = arith.constant 0 : i32
    return %arg0, %c0_i32 : i32, i32
  }
}

</mosaic_0001>

<sc_bundles>
// kernel: kernel.8.cloned.1.call-start
scs
__scs_entry_jumppad:
0x0: {  	(pc) =	sbr.rel $0x88, $3  }
0x1: {  	(tag) =	ssettag $0x0;
	lr =	simm.s32 $0x1  }
0x2: {  	[smem:$0x3F81] =	sst lr;
	_ =	strace $0xD0000000  }
0x3: {  	_ = 	snop  }
0x4: {  	_ = 	snop  }
0x5: {  	_ = 	snop  }
0x6: {  	_ = 	snop  }
0x7: {  	_ = 	snop  }
__scs_overlays_trampoline_lowered:
0x8: {  	[smem:$0x3F90] =	sst s0  }
0x9: {  	[smem:$0x3F91] =	sst s1  }
0xa: {  	[smem:$0x3F92] =	sst s2  }
0xb: {  	[smem:$0x3F93] =	sst s3  }
0xc: {  	[smem:$0x3F94] =	sst s4  }
0xd: {  	[smem:$0x3F95] =	sst s5  }
0xe: {  	[smem:$0x3F96] =	sst s6  }
0xf: {  	[smem:$0x3F97] =	sst s7  }
0x10: {  	[smem:$0x3F98] =	sst s8  }
0x11: {  	[smem:$0x3F99] =	sst s9;
	s0 =	simm.s32 @!p0 $0x0  }
0x12: {  	s1 =	sld [smem:$0x3F7F];
	s0 =	simm.s32 @p0 $0x1  }
0x13: {  	[smem:$0x3F9A] =	sst s0;
	s0 =	simm.s32 @!p1 $0x0  }
0x14: {  	s2 =	sld [smem:$0x3F7E];
	s0 =	simm.s32 @p1 $0x1  }
0x15: {  	[smem:$0x3F9B] =	sst s0;
	s0 =	simm.s32 @!p2 $0x0  }
0x16: {  	s3 =	sld [smem:$0x3FDB];
	s0 =	simm.s32 @p2 $0x1  }
0x17: {  	s4 =	simm.s32 $0x1BF5;
	[smem:$0x3F9D] =	sst s0  }
0x18: {  	s0 =	sld [smem:$0x3F80];
	_ =	swait.ge [sflag:s4], $0x0  }
0x19: {  	s7 =	sld [smem:$0x3F81]  }
0x1a: {  	s8 =	sadd.s32 $0xFFFFE003, lr  }
0x1b: {  	s9 =	sadd.s32 $0xFFFFFEF7, lr;
	s5 =	simm.s32 $0xFFFFFFFF;
	p2 =	slt.u32 s8, $0xFFFFF086  }
0x1c: {  	p1 =	slt.u32 s9, $0xF7A;
	s5 =	simm.s32 @!p2 $0x0  }
0x1d: {  	s5 =	simm.s32 @p1 $0x1;
	p0 =	seq.s32 s7, s2  }
0x1e: {  	s7 =	smul.u32 @!p0 $0xF7A, s2;
	p2 =	seq.s32 @!p0 s5, $0x0  }
0x1f: {  	s9 =	smul.u32 $0xF7A, s1;
	s8 =	simm.s32 @!p0 $0x1BF5;
	p2 =	por !p2, p0  }
0x20: {  	[sflag:s8] =	ssyncset.s32 @!p0 $0xFFFFF086;
	s6 =	sadd.s32 @!p0 s3, s7;
	s7 =	simm.s32 @!p0 $0x108  }
0x21: {  	s3 =	sadd.s32 s3, s9;
	s6 =	sadd.s32 @!p0 $0x88, s6;
	s7 =	simm.s32 @p2 $0x1082  }
0x22: {  	[simem:s7], [sflag:s8] =	dma.local @!p0 [hbm:s6], $0xF7A  }
0x23: {  	s9 =	sor.u32 $0xD0000000, s2;
	s6 =	simm.s32 $0x108;
	_ =	swait.ge @!p0 [sflag:s8], $0x0  }
0x24: {  	s3 =	sadd.s32 $0x88, s3;
	s6 =	simm.s32 @!p1 $0x1082;
	[sflag:s4] =	ssyncset.s32 $0xFFFFF086  }
0x25: {  	[simem:s6], [sflag:s4] =	dma.local [hbm:s3], $0xF7A  }
0x26: {  	[smem:$0x3F81] =	sst s1;
	(tag) =	ssettag s2;
	_ =	strace s9  }
0x27: {  	s1 =	sld [smem:$0x3F91]  }
0x28: {  	s2 =	sld [smem:$0x3F92]  }
0x29: {  	s4 =	sld [smem:$0x3F94]  }
0x2a: {  	p0 =	seq.s32 s5, $0x0;
	s5 =	sld [smem:$0x3F95]  }
0x2b: {  	s6 =	sld [smem:$0x3F96]  }
0x2c: {  	s7 =	sld [smem:$0x3F97]  }
0x2d: {  	s3 =	simm.s32 $0x108;
	s8 =	sld [smem:$0x3F98]  }
0x2e: {  	s3 =	simm.s32 @!p0 $0x1082;
	s9 =	sld [smem:$0x3F99]  }
0x2f: {  	lr =	sadd.s32 s0, s3;
	s0 =	sld [smem:$0x3F90]  }
0x30: {  	s3 =	sld [smem:$0x3F93]  }
0x31: {  	[smem:$0x3F9C] =	sst s10  }
0x32: {  	s10 =	sld [smem:$0x3F9A];
	_ =	sdelay $0x3  }
0x33: {  	p0 =	seq.s32 s10, $0x1;
	s10 =	sld [smem:$0x3F9C];
	_ =	sdelay $0x3  }
0x34: {  	[smem:$0x3F9C] =	sst s10  }
0x35: {  	s10 =	sld [smem:$0x3F9B];
	_ =	sdelay $0x3  }
0x36: {  	p1 =	seq.s32 s10, $0x1;
	s10 =	sld [smem:$0x3F9C];
	_ =	sdelay $0x3  }
0x37: {  	[smem:$0x3F9C] =	sst s10  }
0x38: {  	s10 =	sld [smem:$0x3F9D]  }
0x39: {  	_ = 	snop;
	(pc) =	sbr.ind lr, $3  }
0x3a: {  	_ = 	snop  }
0x3b: {  	_ = 	snop  }
0x3c: {  	p2 =	seq.s32 s10, $0x1;
	s10 =	sld [smem:$0x3F9C]  }
0x3d: {  	_ =	shalt  }
0x3e: {  	_ =	shalt  }
0x3f: {  	_ =	shalt  }
0x40: {  	_ =	shalt  }
0x41: {  	_ =	shalt  }
0x42: {  	_ =	shalt  }
0x43: {  	_ =	shalt  }
0x44: {  	_ =	shalt  }
0x45: {  	_ =	shalt  }
0x46: {  	_ =	shalt  }
0x47: {  	_ =	shalt  }
0x48: {  	_ =	shalt  }
0x49: {  	_ =	shalt  }
0x4a: {  	_ =	shalt  }
0x4b: {  	_ =	shalt  }
0x4c: {  	_ =	shalt  }
0x4d: {  	_ =	shalt  }
0x4e: {  	_ =	shalt  }
0x4f: {  	_ =	shalt  }
0x50: {  	_ =	shalt  }
0x51: {  	_ =	shalt  }
0x52: {  	_ =	shalt  }
0x53: {  	_ =	shalt  }
0x54: {  	_ =	shalt  }
0x55: {  	_ =	shalt  }
0x56: {  	_ =	shalt  }
0x57: {  	_ =	shalt  }
0x58: {  	_ =	shalt  }
0x59: {  	_ =	shalt  }
0x5a: {  	_ =	shalt  }
0x5b: {  	_ =	shalt  }
0x5c: {  	_ =	shalt  }
0x5d: {  	_ =	shalt  }
0x5e: {  	_ =	shalt  }
0x5f: {  	_ =	shalt  }
0x60: {  	_ =	shalt  }
0x61: {  	_ =	shalt  }
0x62: {  	_ =	shalt  }
0x63: {  	_ =	shalt  }
0x64: {  	_ =	shalt  }
0x65: {  	_ =	shalt  }
0x66: {  	_ =	shalt  }
0x67: {  	_ =	shalt  }
0x68: {  	_ =	shalt  }
0x69: {  	_ =	shalt  }
0x6a: {  	_ =	shalt  }
0x6b: {  	_ =	shalt  }
0x6c: {  	_ =	shalt  }
0x6d: {  	_ =	shalt  }
0x6e: {  	_ =	shalt  }
0x6f: {  	_ =	shalt  }
0x70: {  	_ =	shalt  }
0x71: {  	_ =	shalt  }
0x72: {  	_ =	shalt  }
0x73: {  	_ =	shalt  }
0x74: {  	_ =	shalt  }
0x75: {  	_ =	shalt  }
0x76: {  	_ =	shalt  }
0x77: {  	_ =	shalt  }
0x78: {  	_ =	shalt  }
0x79: {  	_ =	shalt  }
0x7a: {  	_ =	shalt  }
0x7b: {  	_ =	shalt  }
0x7c: {  	_ =	shalt  }
0x7d: {  	_ =	shalt  }
0x7e: {  	_ =	shalt  }
0x7f: {  	_ =	shalt  }
0x80: {  	_ =	shalt  }
0x81: {  	_ =	shalt  }
0x82: {  	_ =	shalt  }
0x83: {  	_ =	shalt  }
0x84: {  	_ =	shalt  }
0x85: {  	_ =	shalt  }
0x86: {  	_ =	shalt  }
0x87: {  	_ =	shalt  }
.Lfunc_end0:
.L_simem_size_0:
called_computation_lowered:
.L_overlay_start_0:
0x88: {  	s2 =	sld [smem:$0x3FD9]  }
0x89: {  	s3 =	sld [smem:$0x3FFE];
	_ =	sdelay $0x1  }
0x8a: {  	s1 =	srdreg.scid  }
0x8b: {  	s0 =	sand.u32 $0x1, s1  }
0x8c: {  	s14 =	sshll.u32 s0, $0xA;
	s2 =	sadd.s32 s3, s2  }
0x8d: {  	s2 =	sadd.s32 s2, s14  }
0x8e: {  	[smem:$0x3FA8] =	sst s2  }
0x8f: {  	_ = 	snop  }
0x90: {  	s2 =	sld [smem:$0x3FD0];
	_ =	sdelay $0x2  }
0x91: {  	s15 =	simm.s32 $0xA;
	s4 =	simm.s32 $0x10  }
0x92: {  	[smem:s4], [sflag:s15] =	dma.local [hbm:s2], $0x1  }
0x93: {  	_ =	swait.eq [sflag:s15], $0x1  }
0x94: {  	[sflag:s15] =	ssyncset.done $0x0  }
0x95: {  	[sflag:s15] =	ssyncadd.s32 $0xFFFFFFFF  }
0x96: {  	s16 =	sld [smem:$0x10];
	(tm) =	ssettm $0x1  }
0x97: {  	s17 =	sld [smem:$0x3FFB];
	_ =	sdelay $0x3  }
0x98: {  	_ =	strace s17  }
0x99: {  	s3 =	sld [smem:$0x3FFC];
	_ =	sdelay $0x3  }
0x9a: {  	_ =	strace s3  }
0x9b: {  	s3 =	sld [smem:$0x3FFD];
	_ =	sdelay $0x3  }
0x9c: {  	_ =	strace s3  }
0x9d: {  	_ =	strace $0x8FFFFFFF  }
0x9e: {  	s18 =	sld [smem:$0x3FDB];
	_ =	sdelay $0x1  }
0x9f: {  	s19 =	simm.s32 $_scs_section_size  }
0xa0: {  	s5 =	simm.s32 $_size__tile_overlayer_lowered;
	s6 =	simm.s32 $_tile_overlayer_lowered  }
0xa1: {  	s22 =	simm.s32 $0x1BFF;
	s21 =	sshll.u32 s6, $0x1;
	s3 =	sadd.s32 s19, s18  }
0xa2: {  	s7 =	simm.s32 $0x0;
	s20 =	sshll.u32 s5, $0x1;
	s5 =	sadd.s32 s21, s3  }
0xa3: {  	[timem:s7], [sflag:s22] =	dma.local [hbm:s5], s20  }
0xa4: {  	_ =	swait.ge [sflag:s22], s20  }
0xa5: {  	s4 =	ssub.s32 $0x0, s20;
	[sflag:s22] =	ssyncset.done $0x0  }
0xa6: {  	[sflag:s22] =	ssyncadd.s32 s4;
	_ =	sdelay $0x1  }
0xa7: {  	s23 =	simm.s32 $0x1B8B  }
0xa8: {  	_ =	swait.ge [sflag:s23], $0x1  }
0xa9: {  	[sflag:s23] =	ssyncset.done $0x0  }
0xaa: {  	s25 =	simm.s32 $0x1B8E;
	s24 =	sld [smem:$0x3FFE];
	[sflag:s23] =	ssyncadd.s32 $0xFFFFFFFF  }
0xab: {  	s26 =	simm.s32 $execute0_lowered;
	[smem:$0x3FD2] =	sst s25  }
0xac: {  	s5 =	sshll.u32 s26, $0x1;
	_ =	strace $0x80000046;
	[dreg:$0x1] =	wrdreg $0xFFFFFFFF  }
0xad: {  	s28 =	simm.s32 $_size_execute0_lowered;
	s3 =	sadd.s32 s3, s5;
	[dreg:$0x0] =	wrdreg $0x0  }
0xae: {  	s5 =	sshll.u32 s28, $0x1;
	[dreg:$0x2] =	wrdreg s3  }
0xaf: {  	[dreg:$0x3] =	wrdreg s5  }
0xb0: {  	[dreg:$0x4] =	wrdreg $0xC0  }
0xb1: {  	_ =	task [dreg:s7], $0x5FFFF  }
0xb2: {  	[dreg:$0x1] =	wrdreg $0xFFFFFFFF  }
0xb3: {  	[dreg:$0x0] =	wrdreg $0x60  }
0xb4: {  	[dreg:$0x2] =	wrdreg s16  }
0xb5: {  	[dreg:$0x3] =	wrdreg s24  }
0xb6: {  	[dreg:$0x4] =	wrdreg $0xA2200  }
0xb7: {  	[dreg:$0x5] =	wrdreg $0xCA200  }
0xb8: {  	[dreg:$0x6] =	wrdreg $0xF2200  }
0xb9: {  	[dreg:$0x7] =	wrdreg $0x11A200  }
0xba: {  	[dreg:$0x8] =	wrdreg $0x142200  }
0xbb: {  	[dreg:$0x9] =	wrdreg $0x16A200  }
0xbc: {  	[dreg:$0xa] =	wrdreg $0x9  }
0xbd: {  	_ =	task.clear_ibuf [dreg:s7], $0xBFFFF;
	_ =	strace $0x90000046  }
0xbe: {  	s29 =	simm.s32 $0x9;
	_ =	strace $0x80000048  }
0xbf: {  	_ =	swait.ge [sflag:s29], $0x1  }
0xc0: {  	[sflag:s29] =	ssyncadd.s32 $0xFFFFFFFF  }
0xc1: {  	_ =	strace $0x90000048  }
0xc2: {  	_ =	sfence  }
0xc3: {  	s30 =	sld [smem:$0x0];
	_ =	sdelay $0x2  }
0xc4: {  	s31 =	sshll.u32 s1, $0xD;
	s1 =	sshrl.u32 s1, $0x2  }
0xc5: {  	s3 =	sand.u32 $0x4000, s31;
	s1 =	sadd.s32 s1, s30  }
0xc6: {  	s0 =	sor.u32 s3, s0;
	s1 =	sshll.u32 s1, $0x11  }
0xc7: {  	s0 =	sor.u32 s1, s0  }
0xc8: {  	s0 =	sadd.s32 $0x8F2B, s0  }
0xc9: {  	[sflag:s0] =	ssyncadd.remote.s32 $0x1  }
0xca: {  	_ =	sfence.sel $0xFFFF  }
0xcb: {  	[dreg:$0x0] =	wrdreg $0xFFFFFFFF;
	(pc) =	sbr.abs _section_cstart, $3  }
0xcc: {  	[dreg:$0x1] =	wrdreg $0xFFFFFFFF  }
0xcd: {  	_ =	task.clear_ibuf [dreg:s7], $0x2FFFF;
	_ =	strace $0x9FFFFFFF  }
0xce: {  	(tm) =	ssettm $0x7FFFFFFF  }
0xcf: {  	_ =	shalt  }
tec
execute0_lowered:
.L_overlay_start_1:
0x0: {  	(tag) =	ssettag $0x1  }
0x1: {  	s0 =	rddreg [dreg:$0x0]  }
0x2: {  	s4 =	rddreg [dreg:$0x1]  }
0x3: {  	s1 =	rddreg [dreg:$0x2]  }
0x4: {  	s2 =	rddreg [dreg:$0x3]  }
0x5: {  	s3 =	rddreg [dreg:$0x4]  }
0x6: {  	s5 =	rddreg [dreg:$0x5]  }
0x7: {  	s6 =	rddreg [dreg:$0x6]  }
0x8: {  	s7 =	rddreg [dreg:$0x7]  }
0x9: {  	s13 =	stileid.u32;
	s9 =	srdreg.scid;
	s11 =	simm.s32 $0x0  }
0xa: {  	s28 =	simm.s32 $0x1;
	s29 =	simm.s32 $0x10;
	s8 =	smul.u32 $0x2800, s13  }
0xb: {  	s9 =	sand.u32 $0x1, s9;
	s10 =	smul.u32 $0x280, s13;
	[smem:$0x7FF] =	sst s11  }
0xc: {  	s14 =	sadd.s32 $0x2EC00, s4;
	s11 =	simm.s32 $0x6720;
	s30 =	smul.u32 $0x3E80, s9  }
0xd: {  	_ =	strace $0x80000047;
	[dreg:$0x9] =	wrdreg s14;
	s31 =	ssub.s32 $0x2, s9  }
0xe: {  	s9 =	sshll.u32 s9, $0x4;
	s12 =	sadd.s32 s8, s4;
	s14 =	sshrl.u32 s31, $0x1  }
0xf: {  	s9 =	sor.u32 s13, s9;
	s15 =	sadd.s32 s8, s1;
	s17 =	sadd.s32 s8, s2  }
0x10: {  	s20 =	sadd.s32 s8, s3;
	s21 =	sadd.s32 s8, s5;
	s16 =	sadd.s32 $0x6C00, s12  }
0x11: {  	s13 =	simm.s32 $0x7120;
	s18 =	sadd.s32 $0x6C02, s12;
	[dreg:$0xa] =	wrdreg s16  }
0x12: {  	s10 =	sadd.s32 s10, s30;
	s19 =	sadd.s32 $0x6C04, s12;
	[dreg:$0xb] =	wrdreg s18  }
0x13: {  	s9 =	smul.u32 $0x2710, s9;
	s12 =	sadd.s32 $0x6C06, s12;
	[dreg:$0xc] =	wrdreg s19  }
0x14: {  	v0 =	vimm.s32 $0xFEDCBA98;
	v1 =	vimm.s32 $0x76543210;
	s25 =	sshrl.u32 s15, $0x3;
	s26 =	sshrl.u32 s17, $0x3;
	[dreg:$0xd] =	wrdreg s12  }
0x15: {  	v2 =	vimm.s32 $0xBA98FEDC;
	v3 =	vimm.s32 $0x32107654;
	v4 =	vimm.s32 $0xDCFE98BA;
	s30 =	sshrl.u32 s20, $0x3;
	s15 =	simm.s32 $0x0;
	[dreg:$0x15] =	wrdreg s25  }
0x16: {  	v5 =	vimm.s32 $0x54761032;
	v6 =	vimm.s32 $0xEFCDAB89;
	v7 =	vimm.s32 $0x67452301;
	s10 =	sshll.u32 s10, $0x4;
	s18 =	sadd.s32 s8, s6;
	[dreg:$0x16] =	wrdreg s26  }
0x17: {  	v0 =	vunpack.c.l.s4.s8 v0;
	v1 =	vunpack.c.l.s4.s8 v1;
	v2 =	vunpack.c.l.s4.s8 v2;
	s19 =	sadd.s32 s8, s7;
	[dreg:$0x17] =	wrdreg s30;
	s26 =	simm.s32 $0x2  }
0x18: {  	v3 =	vunpack.c.l.s4.s8 v3;
	v4 =	vunpack.c.l.s4.s8 v4;
	v5 =	vunpack.c.l.s4.s8 v5;
	s4 =	sadd.s32 s10, s4;
	s10 =	ssub.s32 s31, s14;
	[dreg:$0x12] =	wrdreg s18  }
0x19: {  	v6 =	vunpack.c.l.s4.s8 v6;
	v7 =	vunpack.c.l.s4.s8 v7;
	v0 =	vunpack.c.0.s8.s32 v0;
	s9 =	sshrl.u32 s9, $0x3;
	s31 =	sshrl.u32 s21, $0x3;
	[dreg:$0x13] =	wrdreg s19  }
0x1a: {  	v2 =	vunpack.c.0.s8.s32 v2;
	v3 =	vunpack.c.0.s8.s32 v3;
	v4 =	vunpack.c.0.s8.s32 v4;
	s8 =	simm.s32 $0x5320;
	s0 =	sadd.s32 s0, s9;
	[dreg:$0x18] =	wrdreg s31  }
0x1b: {  	v5 =	vunpack.c.0.s8.s32 v5;
	v6 =	vunpack.c.0.s8.s32 v6;
	v7 =	vunpack.c.0.s8.s32 v7;
	s12 =	simm.s32 $0x6C20;
	s22 =	sadd.s32 $0x2EE00, s4;
	[dreg:$0xe] =	wrdreg s0  }
0x1c: {  	v1 =	vunpack.c.0.s8.s32 v1;
	v2 =	vcombine.low v3, v2;
	s21 =	simm.s32 $0x4E20;
	s23 =	sadd.s32 $0x2EE02, s4;
	[dreg:$0x10] =	wrdreg s22  }
0x1d: {  	v3 =	vcombine.low v5, v4;
	v4 =	vand.u32 $0xF, v0;
	v5 =	vcombine.low v7, v6;
	s24 =	smax.u32 s10, $0x1;
	s4 =	simm.s32 $0x5820;
	[dreg:$0x11] =	wrdreg s23  }
0x1e: {  	v0 =	vimm.f32 $0.0e+00;
	v1 =	vcombine.low v4, v1;
	s9 =	simm.s32 $0x5D20;
	s0 =	sadd.s32 $0x9C40, s0;
	[dreg:$0x14] =	wrdreg s24  }
0x1f: {  	s10 =	simm.s32 $0x6220;
	v2 =	vand.u32 $0xF, v2;
	v3 =	vand.u32 $0xF, v3;
	v4 =	vand.u32 $0xF, v5;
	[dreg:$0xf] =	wrdreg s0;
	s0 =	simm.s32 $0x50  }
.LBB2_1:
0x20: {  	s14 =	simm.s32 $0x0;
	s16 =	rddreg [dreg:$0x9];
	s17 =	simm.s32 $0x9E20  }
0x21: {  	[tilespmem:s17], [sflag:$0x2] =	stream.linear.gather [hbm4b:s16+s14], $0x400, $0x38;
	[tilespmem:$0x19220] =	vst v63  }
0x22: {  	_ =	swait.ge [sflag:s26], $0x400  }
0x23: {  	[sflag:s26] =	ssyncset.done $0x0  }
0x24: {  	[sflag:s26] =	ssyncadd.s32 $0xFFFFFC00  }
0x25: {  	s16 =	stileid.u32;
	v7 =	vld [tilespmem:$0x9E20]  }
0x26: {  	s14 =	sshll.u32 s16, $0x6;
	s17 =	rddreg [dreg:$0xa];
	v6 =	vld [tilespmem:$0x9EA0]  }
0x27: {  	s16 =	sor.u32 $0x1C02, s14;
	s20 =	rddreg [dreg:$0x15];
	v8 =	vld [tilespmem:$0x9F20]  }
0x28: {  	v5 =	vld [tilespmem:$0x9FA0];
	[spmem:s20@s26], [sflag:s16] =	dma.strided [hbm:s17@s29], $0x500, s28, $0x2   }
0x29: {  	_ =	swait.ge [sflag:s26], $0x500  }
0x2a: {  	[sflag:s26] =	ssyncset.done $0x0;
	s22 =	rddreg [dreg:$0xb]  }
0x2b: {  	s23 =	rddreg [dreg:$0x16];
	[sflag:s26] =	ssyncadd.s32 $0xFFFFFB00  }
0x2c: {  	[spmem:s23@s26], [sflag:s16] =	dma.strided [hbm:s22@s29], $0x500, s28, $0x2   }
0x2d: {  	_ =	swait.ge [sflag:s26], $0x500  }
0x2e: {  	[sflag:s26] =	ssyncset.done $0x0;
	s24 =	rddreg [dreg:$0xc]  }
0x2f: {  	s25 =	rddreg [dreg:$0x17];
	[sflag:s26] =	ssyncadd.s32 $0xFFFFFB00  }
0x30: {  	[spmem:s25@s26], [sflag:s16] =	dma.strided [hbm:s24@s29], $0x500, s28, $0x2   }
0x31: {  	_ =	swait.ge [sflag:s26], $0x500  }
0x32: {  	[sflag:s26] =	ssyncset.done $0x0;
	s30 =	rddreg [dreg:$0xd]  }
0x33: {  	s31 =	rddreg [dreg:$0x18];
	[sflag:s26] =	ssyncadd.s32 $0xFFFFFB00  }
0x34: {  	[spmem:s31@s26], [sflag:s16] =	dma.strided [hbm:s30@s29], $0x500, s28, $0x2   }
0x35: {  	_ =	swait.ge [sflag:s26], $0x500  }
0x36: {  	[sflag:s26] =	ssyncset.done $0x0  }
0x37: {  	s14 =	simm.s32 $0x40;
	s17 =	simm.s32 $0x0;
	[sflag:s26] =	ssyncadd.s32 $0xFFFFFB00  }
.LBB2_2:
0x38: {  	p0 =	sne.s32 s14, $0x9FC0;
	[tilespmem:s17+$0x7620] =	vst v0;
	s17 =	smov.u32 s14;
	s14 =	sadd.s32 $0x40, s14  }
.Ltmp0:
0x39: {  	(pc) =	sbr.rel @p0 .LBB2_2-.Ltmp0, $2  }
0x3a: {  	_ =	sdelay $0x2  }
0x3b: {  	s17 =	sshra.s32 s17, $0x2  }
0x3c: {  	[tilespmem:s17+$0x7620] =	vst v0;
	s14 =	simm.s32 $0x7620  }
0x3d: {  	[spmem:s18] =	stream.linear.scatter [tilespmem:s14], [sflag:$0x2], $0x2800, $0x38;
	[tilespmem:$0x19220] =	vst v63  }
0x3e: {  	_ =	swait.ge [sflag:s26], $0x2800  }
0x3f: {  	[sflag:s26] =	ssyncset.done $0x0  }
0x40: {  	[sflag:s26] =	ssyncadd.s32 $0xFFFFD800  }
0x41: {  	[spmem:s19] =	stream.linear.scatter [tilespmem:s14], [sflag:$0x2], $0x2800, $0x38;
	[tilespmem:$0x19220] =	vst v63  }
0x42: {  	_ =	swait.ge [sflag:s26], $0x2800  }
0x43: {  	[sflag:s26] =	ssyncset.done $0x0  }
0x44: {  	s17 =	simm.s32 $0x0;
	s25 =	rddreg [dreg:$0xe];
	[sflag:s26] =	ssyncadd.s32 $0xFFFFD800  }
0x45: {  	[tilespmem:s17], [sflag:$0x2] =	stream.linear.gather [hbm4b:s25+s17], $0x2710, $0x38;
	[tilespmem:$0x19220] =	vst v63  }
0x46: {  	_ =	swait.ge [sflag:s26], $0x2710  }
0x47: {  	[sflag:s26] =	ssyncset.done $0x0  }
0x48: {  	s31 =	simm.s32 $0x2710;
	s30 =	rddreg [dreg:$0xf];
	[sflag:s26] =	ssyncadd.s32 $0xFFFFD8F0  }
0x49: {  	[tilespmem:s31], [sflag:$0x2] =	stream.linear.gather [hbm4b:s30+s17], $0x2710, $0x38;
	[tilespmem:$0x19220] =	vst v63  }
0x4a: {  	_ =	swait.ge [sflag:s26], $0x2710  }
0x4b: {  	[sflag:s26] =	ssyncset.done $0x0  }
0x4c: {  	[sflag:s26] =	ssyncadd.s32 $0xFFFFD8F0  }
0x4d: {  	[bflag:$0x0] =	sbarrier.arrive $0xFFFF  }
0x4e: {  	[tilespmem:s21], [sflag:$0x1] =	stream.indirect.gather [spmem:s1], $0x10, s17, s0, $0xb8;
	[tilespmem:$0x19220] =	vst v63  }
0x4f: {  	_ = 	snop  }
0x50: {  	[tilespmem:s8], [sflag:$0x1] =	stream.indirect.gather [spmem:s2], $0x10, s31, s0, $0xb8;
	[tilespmem:$0x19220] =	vst v63  }
0x51: {  	_ = 	snop  }
0x52: {  	[tilespmem:s4], [sflag:$0x1] =	stream.indirect.gather [spmem:s3], $0x10, s17, s0, $0xb8;
	[tilespmem:$0x19220] =	vst v63  }
0x53: {  	_ = 	snop  }
0x54: {  	[tilespmem:s9], [sflag:$0x1] =	stream.indirect.gather [spmem:s5], $0x10, s31, s0, $0xb8;
	[tilespmem:$0x19220] =	vst v63  }
.LBB2_4:
0x55: {  	s22 =	smul.u32 $0xA0, s17;
	_ =	sdelay $0x1  }
0x56: {  	s14 =	sadd.s32 $0x50, s22  }
0x57: {  	[tilespmem:s10], [sflag:$0x1] =	stream.indirect.gather [spmem:s1], $0x10, s14, s0, $0xb8;
	[tilespmem:$0x19220] =	vst v63  }
0x58: {  	s20 =	sadd.s32 $0x2760, s22  }
0x59: {  	[tilespmem:s11], [sflag:$0x1] =	stream.indirect.gather [spmem:s2], $0x10, s20, s0, $0xb8;
	[tilespmem:$0x19220] =	vst v63  }
0x5a: {  	_ = 	snop  }
0x5b: {  	[tilespmem:s12], [sflag:$0x1] =	stream.indirect.gather [spmem:s3], $0x10, s14, s0, $0xb8;
	[tilespmem:$0x19220] =	vst v63  }
0x5c: {  	_ = 	snop  }
0x5d: {  	[tilespmem:s13], [sflag:$0x1] =	stream.indirect.gather [spmem:s5], $0x10, s20, s0, $0xb8;
	[tilespmem:$0x19220] =	vst v63  }
0x5e: {  	_ =	swait.ge [sflag:s28], $0x500  }
0x5f: {  	[sflag:s28] =	ssyncset.done $0x0  }
0x60: {  	[sflag:s28] =	ssyncadd.s32 $0xFFFFFB00  }
0x61: {  	_ =	swait.ge [sflag:s28], $0x500  }
0x62: {  	[sflag:s28] =	ssyncset.done $0x0  }
0x63: {  	[sflag:s28] =	ssyncadd.s32 $0xFFFFFB00  }
0x64: {  	_ =	swait.ge [sflag:s28], $0x500  }
0x65: {  	[sflag:s28] =	ssyncset.done $0x0  }
0x66: {  	[sflag:s28] =	ssyncadd.s32 $0xFFFFFB00  }
0x67: {  	_ =	swait.ge [sflag:s28], $0x500  }
0x68: {  	[sflag:s28] =	ssyncset.done $0x0  }
0x69: {  	s18 =	simm.s32 $0x5340;
	[sflag:s28] =	ssyncadd.s32 $0xFFFFFB00  }
0x6a: {  	s19 =	simm.s32 $0x4E40;
	v9 =	vld [tilespmem:s18+$0x0]  }
0x6b: {  	v10 =	vld [tilespmem:s19+$0x0]  }
0x6c: {  	v11 =	vld [tilespmem:s18+$0xFFFFFFF0]  }
0x6d: {  	v12 =	vld [tilespmem:s19+$0xFFFFFFE0]  }
0x6e: {  	v15 =	vld [tilespmem:s19+$0xFFFFFFF0]  }
0x6f: {  	v13 =	vld [tilespmem:s18+$0xFFFFFFE0]  }
0x70: {  	v14 =	vld [tilespmem:s18+$0x10]  }
0x71: {  	v16 =	vld [tilespmem:s19+$0x10]  }
0x72: {  	v9 =	vadd.f32 v9, v10;
	_ =	sdelay $0x1  }
0x73: {  	v11 =	vadd.f32 v11, v15;
	v17 =	vmul.f32 $2.000000030e-01, v9  }
0x74: {  	v13 =	vadd.f32 v13, v12  }
0x75: {  	v14 =	vadd.f32 v14, v16;
	v9 =	vmax.f32 v9, v17;
	v17 =	vmul.f32 $2.000000030e-01, v11  }
0x76: {  	v9 =	vmul.f32 v9, v7  }
0x77: {  	v18 =	vmul.f32 $2.000000030e-01, v13;
	v19 =	vmul.f32 $2.000000030e-01, v14;
	v11 =	vmax.f32 v11, v17  }
0x78: {  	v17 =	vperm.xlane v9, v1;
	v11 =	vmul.f32 v11, v7  }
0x79: {  	v13 =	vmax.f32 v13, v18;
	v14 =	vmax.f32 v14, v19  }
0x7a: {  	v13 =	vmul.f32 v13, v7;
	v9 =	vadd.f32 v9, v17;
	v17 =	vperm.xlane v11, v1  }
0x7b: {  	v14 =	vmul.f32 v14, v7  }
0x7c: {  	v18 =	vperm.xlane v9, v2;
	v11 =	vadd.f32 v11, v17;
	v17 =	vperm.xlane v13, v1;
	_ =	sdelay $0x1  }
0x7d: {  	v9 =	vadd.f32 v9, v18;
	v18 =	vperm.xlane v14, v1;
	v13 =	vadd.f32 v13, v17  }
0x7e: {  	v19 =	vperm.xlane v11, v2  }
0x7f: {  	s24 =	simm.s32 $0x4E80;
	v17 =	vperm.xlane v9, v3;
	v14 =	vadd.f32 v14, v18;
	v18 =	vperm.xlane v13, v2  }
0x80: {  	s23 =	simm.s32 $0x5380;
	v11 =	vadd.f32 v11, v19;
	v19 =	vld [tilespmem:s24+$0x0]  }
0x81: {  	v9 =	vadd.f32 v9, v17;
	v17 =	vperm.xlane v14, v2;
	v13 =	vadd.f32 v13, v18;
	v18 =	vld [tilespmem:s23+$0x0]  }
0x82: {  	v20 =	vperm.xlane v11, v3  }
0x83: {  	v21 =	vperm.xlane v9, v4;
	v14 =	vadd.f32 v14, v17  }
0x84: {  	v17 =	vperm.xlane v13, v3;
	v11 =	vadd.f32 v11, v20  }
0x85: {  	v9 =	vadd.f32 v9, v21;
	v20 =	vperm.xlane v14, v3  }
0x86: {  	v13 =	vadd.f32 v13, v17;
	v17 =	vperm.xlane v11, v4;
	v18 =	vadd.f32 v18, v19  }
0x87: {  	v9 =	vsub.f32 v9, v8;
	v14 =	vadd.f32 v14, v20  }
0x88: {  	v20 =	vperm.xlane v13, v4;
	v11 =	vadd.f32 v11, v17;
	v21 =	vmul.f32 $2.000000030e-01, v18  }
0x89: {  	v9 =	vmul.f32 $1.442695020e+00, v9;
	v17 =	vperm.xlane v14, v4  }
0x8a: {  	v13 =	vadd.f32 v13, v20;
	v11 =	vsub.f32 v11, v8;
	v20 =	vld [tilespmem:s23+$0xFFFFFFF0]  }
0x8b: {  	v18 =	vmax.f32 v18, v21;
	v21 =	vld [tilespmem:s23+$0xFFFFFFE0];
	(erf) = vpow2.f32 v9;
	v9 =	vadd.f32 v14, v17  }
0x8c: {  	v13 =	vsub.f32 v13, v8;
	v11 =	vmul.f32 $1.442695020e+00, v11;
	v14 =	vld [tilespmem:s24+$0xFFFFFFF0]  }
0x8d: {  	v17 =	vld [tilespmem:s24+$0xFFFFFFE0];
	v18 =	vmul.f32 v18, v7;
	v9 =	vsub.f32 v9, v8  }
0x8e: {  	v13 =	vmul.f32 $1.442695020e+00, v13;
	(erf) = vpow2.f32 v11  }
0x8f: {  	v11 =	vld [tilespmem:s23+$0x10];
	v22 =	vperm.xlane v18, v1;
	v9 =	vmul.f32 $1.442695020e+00, v9  }
0x90: {  	(erf) = vpow2.f32 v13;
	v13 =	vld [tilespmem:s24+$0x10]  }
0x91: {  	v18 =	vadd.f32 v18, v22;
	(erf) = vpow2.f32 v9;
	v9 =	vadd.f32 v20, v14  }
0x92: {  	v20 =	vadd.f32 v21, v17  }
0x93: {  	v22 =	vperm.xlane v18, v2;
	v21 =	vmul.f32 $2.000000030e-01, v9  }
0x94: {  	v23 =	vmul.f32 $2.000000030e-01, v20  }
0x95: {  	v18 =	vadd.f32 v18, v22;
	v24 =	vpop (erf);
	v11 =	vadd.f32 v11, v13;
	v9 =	vmax.f32 v9, v21  }
0x96: {  	v10 =	vmul.f32 v24, v10;
	v9 =	vmul.f32 v9, v7  }
0x97: {  	v20 =	vmax.f32 v20, v23;
	v22 =	vperm.xlane v18, v3;
	v21 =	vmul.f32 $2.000000030e-01, v11  }
0x98: {  	v20 =	vmul.f32 v20, v7;
	v23 =	vpop (erf);
	v24 =	vperm.xlane v9, v1  }
0x99: {  	v18 =	vadd.f32 v18, v22;
	v25 =	vpop (erf);
	v15 =	vmul.f32 v23, v15;
	v11 =	vmax.f32 v11, v21  }
0x9a: {  	s25 =	simm.s32 $0x5D40;
	[tilespmem:s19+$0x0] =	vst v10;
	v22 =	vperm.xlane v20, v1;
	v11 =	vmul.f32 v11, v7;
	v10 =	vpop (erf);
	v21 =	vadd.f32 v9, v24  }
0x9b: {  	s30 =	simm.s32 $0x5840;
	v23 =	vld [tilespmem:s25+$0x0];
	v16 =	vmul.f32 v10, v16;
	v10 =	vperm.xlane v18, v4  }
0x9c: {  	v9 =	vld [tilespmem:s30+$0x0];
	[tilespmem:s19+$0xFFFFFFF0] =	vst v15;
	v20 =	vadd.f32 v20, v22;
	v22 =	vperm.xlane v11, v1;
	v15 =	vperm.xlane v21, v2  }
0x9d: {  	v24 =	vld [tilespmem:s25+$0xFFFFFFF0];
	v18 =	vadd.f32 v18, v10  }
0x9e: {  	v10 =	vld [tilespmem:s30+$0xFFFFFFF0];
	[tilespmem:s19+$0x10] =	vst v16;
	v16 =	vperm.xlane v20, v2;
	v15 =	vadd.f32 v21, v15;
	v21 =	vadd.f32 v11, v22  }
0x9f: {  	v11 =	vld [tilespmem:s30+$0x10]  }
0xa0: {  	v22 =	vld [tilespmem:s25+$0x10];
	v18 =	vsub.f32 v18, v8;
	v16 =	vadd.f32 v20, v16;
	v20 =	vperm.xlane v21, v2  }
0xa1: {  	v26 =	vperm.xlane v15, v3  }
0xa2: {  	v12 =	vmul.f32 v25, v12;
	v18 =	vmul.f32 $1.442695020e+00, v18;
	v20 =	vadd.f32 v21, v20  }
0xa3: {  	v27 =	vperm.xlane v16, v3;
	v15 =	vadd.f32 v15, v26;
	v21 =	vadd.f32 v23, v9  }
0xa4: {  	(erf) = vpow2.f32 v18;
	v18 =	vadd.f32 v24, v10;
	v23 =	vperm.xlane v20, v3  }
0xa5: {  	v22 =	vadd.f32 v22, v11;
	v24 =	vperm.xlane v15, v4;
	v25 =	vmul.f32 $2.000000030e-01, v21  }
0xa6: {  	[tilespmem:s19+$0xFFFFFFE0] =	vst v12;
	v16 =	vadd.f32 v16, v27;
	v12 =	vadd.f32 v20, v23  }
0xa7: {  	s19 =	simm.s32 $0x53C0;
	v15 =	vadd.f32 v15, v24;
	v20 =	vmax.f32 v21, v25;
	v21 =	vmul.f32 $2.000000030e-01, v18  }
0xa8: {  	v27 =	vld [tilespmem:s19+$0xFFFFFFF0];
	v24 =	vperm.xlane v16, v4;
	v25 =	vmul.f32 $2.000000030e-01, v22  }
0xa9: {  	s23 =	simm.s32 $0x4EC0;
	v23 =	vld [tilespmem:s25+$0xFFFFFFE0];
	v28 =	vmul.f32 v20, v6;
	v26 =	vperm.xlane v12, v4;
	v15 =	vsub.f32 v15, v8  }
0xaa: {  	v20 =	vld [tilespmem:s23+$0x0];
	v21 =	vmax.f32 v18, v21;
	v16 =	vadd.f32 v16, v24;
	v18 =	vmax.f32 v22, v25  }
0xab: {  	v24 =	vld [tilespmem:s19+$0x0];
	v25 =	vperm.xlane v28, v1;
	v12 =	vadd.f32 v12, v26;
	v22 =	vmul.f32 $1.442695020e+00, v15  }
0xac: {  	v21 =	vmul.f32 v21, v6;
	v26 =	vmul.f32 v18, v6;
	v29 =	vsub.f32 v16, v8;
	v18 =	vld [tilespmem:s23+$0xFFFFFFF0]  }
0xad: {  	v15 =	vld [tilespmem:s30+$0xFFFFFFE0];
	v25 =	vadd.f32 v28, v25;
	v12 =	vsub.f32 v12, v8;
	(erf) = vpow2.f32 v22  }
0xae: {  	v16 =	vld [tilespmem:s23+$0xFFFFFFE0];
	v31 =	vperm.xlane v21, v1;
	v28 =	vmul.f32 $1.442695020e+00, v29  }
0xaf: {  	v29 =	vld [tilespmem:s19+$0xFFFFFFE0];
	v30 =	vperm.xlane v25, v2;
	v22 =	vpop (erf);
	v12 =	vmul.f32 $1.442695020e+00, v12  }
0xb0: {  	v24 =	vadd.f32 v24, v20;
	(erf) = vpow2.f32 v28;
	v19 =	vmul.f32 v22, v19  }
0xb1: {  	v22 =	vperm.xlane v26, v1;
	v27 =	vadd.f32 v27, v18;
	v25 =	vadd.f32 v25, v30  }
0xb2: {  	v28 =	vld [tilespmem:s19+$0x10];
	v30 =	vmul.f32 $2.000000030e-01, v24;
	v23 =	vadd.f32 v23, v15;
	(erf) = vpow2.f32 v12  }
0xb3: {  	s25 =	simm.s32 $0x5D80;
	[tilespmem:s24+$0x0] =	vst v19;
	v22 =	vadd.f32 v26, v22;
	v19 =	vld [tilespmem:s23+$0x10];
	v33 =	vmul.f32 $2.000000030e-01, v27;
	v34 =	vperm.xlane v25, v3  }
0xb4: {  	s14 =	simm.s32 $0x5880;
	v29 =	vadd.f32 v29, v16;
	v24 =	vmax.f32 v24, v30;
	v30 =	vmul.f32 $2.000000030e-01, v23;
	v26 =	vld [tilespmem:s25+$0x0]  }
0xb5: {  	v12 =	vld [tilespmem:s14+$0x0];
	v24 =	vmul.f32 v24, v7;
	v32 =	vperm.xlane v22, v2;
	v27 =	vmax.f32 v27, v33  }
0xb6: {  	v61 =	vmul.f32 $2.000000030e-01, v29;
	v25 =	vadd.f32 v25, v34;
	v27 =	vmul.f32 v27, v7;
	v60 =	vpop (erf)  }
0xb7: {  	v23 =	vmax.f32 v23, v30;
	v35 =	vperm.xlane v24, v1;
	v14 =	vmul.f32 v60, v14  }
0xb8: {  	v46 =	vmul.f32 v23, v6;
	v29 =	vmax.f32 v29, v61;
	v47 =	vperm.xlane v25, v4  }
0xb9: {  	v28 =	vadd.f32 v28, v19;
	v62 =	vperm.xlane v27, v1;
	v24 =	vadd.f32 v24, v35  }
0xba: {  	v29 =	vmul.f32 v29, v7;
	v40 =	vperm.xlane v46, v1;
	v26 =	vadd.f32 v26, v12;
	v63 =	vpop (erf)  }
0xbb: {  	[tilespmem:s24+$0xFFFFFFF0] =	vst v14;
	v27 =	vadd.f32 v27, v62;
	v45 =	vmul.f32 $2.000000030e-01, v28;
	v30 =	vperm.xlane v24, v2;
	v14 =	vpop (erf)  }
0xbc: {  	v22 =	vadd.f32 v22, v32;
	v44 =	vmul.f32 $2.000000030e-01, v26;
	v14 =	vmul.f32 v14, v13  }
0xbd: {  	v51 =	vadd.f32 v46, v40;
	v37 =	vld [tilespmem:s25+$0xFFFFFFF0];
	v38 =	vperm.xlane v27, v2;
	v24 =	vadd.f32 v24, v30  }
0xbe: {  	v13 =	vld [tilespmem:s14+$0xFFFFFFF0];
	v26 =	vmax.f32 v26, v44;
	[tilespmem:s24+$0x10] =	vst v14;
	v14 =	vmax.f32 v28, v45;
	v28 =	vperm.xlane v29, v1  }
0xbf: {  	v23 =	vmul.f32 v26, v6;
	v27 =	vadd.f32 v27, v38;
	v26 =	vmul.f32 v14, v7;
	v14 =	vld [tilespmem:s14+$0x10]  }
0xc0: {  	v55 =	vperm.xlane v51, v2;
	v30 =	vld [tilespmem:s25+$0x10];
	v28 =	vadd.f32 v29, v28;
	v29 =	vperm.xlane v24, v3  }
0xc1: {  	v31 =	vadd.f32 v21, v31;
	v36 =	vperm.xlane v22, v3;
	v39 =	vperm.xlane v27, v3  }
0xc2: {  	v57 =	vadd.f32 v51, v55;
	v48 =	vperm.xlane v26, v1;
	v24 =	vadd.f32 v24, v29  }
0xc3: {  	v17 =	vmul.f32 v63, v17;
	v37 =	vadd.f32 v37, v13;
	v27 =	vadd.f32 v27, v39  }
0xc4: {  	v49 =	vperm.xlane v28, v2;
	v26 =	vadd.f32 v26, v48;
	v50 =	vperm.xlane v24, v4  }
0xc5: {  	v29 =	vmul.f32 $2.000000030e-01, v37;
	v61 =	vperm.xlane v27, v4;
	v30 =	vadd.f32 v30, v14  }
0xc6: {  	v28 =	vadd.f32 v28, v49;
	v53 =	vperm.xlane v26, v2;
	v24 =	vadd.f32 v24, v50  }
0xc7: {  	v29 =	vmax.f32 v37, v29;
	v27 =	vadd.f32 v27, v61;
	v54 =	vmul.f32 $2.000000030e-01, v30  }
0xc8: {  	v52 =	vperm.xlane v28, v3;
	v26 =	vadd.f32 v26, v53;
	v56 =	vsub.f32 v24, v8  }
0xc9: {  	v21 =	vmul.f32 v29, v6;
	v29 =	vperm.xlane v31, v2;
	v30 =	vmax.f32 v30, v54  }
0xca: {  	v58 =	vadd.f32 v28, v52;
	v59 =	vperm.xlane v26, v3;
	v28 =	vmul.f32 $1.442695020e+00, v56  }
0xcb: {  	v25 =	vadd.f32 v25, v47;
	v60 =	vmul.f32 v30, v6;
	v30 =	vperm.xlane v57, v3  }
0xcc: {  	v37 =	vsub.f32 v27, v8;
	v26 =	vadd.f32 v26, v59;
	(erf) = vpow2.f32 v28  }
0xcd: {  	v30 =	vadd.f32 v57, v30;
	v28 =	vadd.f32 v22, v36;
	v22 =	vperm.xlane v58, v4  }
0xce: {  	v24 =	vperm.xlane v23, v1;
	v29 =	vadd.f32 v31, v29;
	v62 =	vperm.xlane v26, v4  }
0xcf: {  	[tilespmem:s24+$0xFFFFFFE0] =	vst v17;
	v63 =	vperm.xlane v60, v1;
	v31 =	vperm.xlane v30, v4;
	v33 =	vadd.f32 v58, v22  }
0xd0: {  	s31 =	simm.s32 $0x8;
	v17 =	vld [tilespmem:s14+$0xFFFFFFE0];
	v22 =	vperm.xlane v21, v1;
	v32 =	vadd.f32 v26, v62;
	v26 =	vsub.f32 v25, v5  }
0xd1: {  	s18 =	simm.s32 $0x5400;
	s19 =	simm.s32 $0x4F00;
	s24 =	simm.s32 $0x5880;
	v27 =	vld [tilespmem:s25+$0xFFFFFFE0];
	v25 =	vadd.f32 v60, v63;
	v34 =	vsub.f32 v33, v8;
	v33 =	vmul.f32 $1.442695020e+00, v37  }
.LBB2_5:
0xd2: {  	v35 =	vld [tilespmem:s18+$0xFFFFFFF0];
	s31 =	sadd.s32 $0x4, s31;
	v23 =	vadd.f32 v23, v24;
	v30 =	vadd.f32 v30, v31;
	v31 =	vperm.xlane v29, v3  }
0xd3: {  	v32 =	vsub.f32 v32, v8;
	v36 =	vperm.xlane v28, v4;
	v24 =	vld [tilespmem:s19+$0xFFFFFFE0];
	p0 =	slt.u32 s31, $0x4C;
	v34 =	vmul.f32 $1.442695020e+00, v34  }
0xd4: {  	s25 =	sadd.s32 $0x40, s25;
	s14 =	sadd.s32 $0x40, s14;
	v37 =	vld [tilespmem:s18+$0x0];
	(erf) = vpow2.f32 v33;
	v33 =	vperm.xlane v25, v2;
	v29 =	vadd.f32 v29, v31  }
0xd5: {  	v32 =	vmul.f32 $1.442695020e+00, v32;
	v39 =	vperm.xlane v23, v2;
	v28 =	vadd.f32 v28, v36;
	v31 =	vld [tilespmem:s19+$0x0];
	v38 =	vpop (erf)  }
0xd6: {  	v30 =	vsub.f32 v30, v5;
	v36 =	vld [tilespmem:s19+$0xFFFFFFF0];
	v20 =	vmul.f32 v38, v20;
	(erf) = vpow2.f32 v34  }
0xd7: {  	v38 =	vadd.f32 v23, v39;
	v23 =	vperm.xlane v29, v4;
	v28 =	vsub.f32 v28, v5;
	v34 =	vld [tilespmem:s18+$0xFFFFFFE0]  }
0xd8: {  	v27 =	vadd.f32 v27, v17;
	v25 =	vadd.f32 v25, v33;
	v40 =	vmul.f32 $1.442695020e+00, v30;
	v39 =	vld [tilespmem:s18+$0x10];
	[tilespmem:s23+$0x0] =	vst v20  }
0xd9: {  	v23 =	vadd.f32 v29, v23;
	v30 =	vld [tilespmem:s25+$0x0];
	(erf) = vpow2.f32 v32;
	v32 =	vperm.xlane v38, v3  }
0xda: {  	v29 =	vadd.f32 v37, v31;
	v33 =	vld [tilespmem:s14+$0x0];
	v37 =	vmul.f32 $2.000000030e-01, v27;
	(erf) = vpow2.f32 v40;
	v20 =	vmovc v31  }
0xdb: {  	v26 =	vmul.f32 $1.442695020e+00, v26;
	v23 =	vsub.f32 v23, v5;
	v31 =	vadd.f32 v35, v36;
	v35 =	vld [tilespmem:s19+$0x10]  }
0xdc: {  	v28 =	vmul.f32 $1.442695020e+00, v28;
	v34 =	vadd.f32 v34, v24;
	v40 =	vmul.f32 $2.000000030e-01, v29  }
0xdd: {  	v27 =	vmax.f32 v27, v37;
	v23 =	vmul.f32 $1.442695020e+00, v23;
	v41 =	vmul.f32 $2.000000030e-01, v31;
	v42 =	vpop (erf)  }
0xde: {  	v37 =	vmul.f32 $2.000000030e-01, v34;
	v29 =	vmax.f32 v29, v40;
	(erf) = vpow2.f32 v26  }
0xdf: {  	v26 =	vmax.f32 v31, v41;
	v29 =	vmul.f32 v29, v7;
	v31 =	vpop (erf);
	(erf) = vpow2.f32 v28  }
0xe0: {  	v26 =	vmul.f32 v26, v7;
	v28 =	vadd.f32 v39, v35;
	(erf) = vpow2.f32 v23  }
0xe1: {  	v30 =	vadd.f32 v30, v33;
	v39 =	vperm.xlane v25, v3;
	v23 =	vperm.xlane v29, v1  }
0xe2: {  	v42 =	vmul.f32 v42, v18;
	v34 =	vmax.f32 v34, v37;
	v37 =	vperm.xlane v26, v1;
	v40 =	vpop (erf)  }
0xe3: {  	v34 =	vmul.f32 v34, v7;
	v29 =	vadd.f32 v29, v23;
	v23 =	vmul.f32 $2.000000030e-01, v30;
	v41 =	vpop (erf)  }
0xe4: {  	v18 =	vmovc v36;
	v40 =	vmul.f32 v40, v19;
	v26 =	vadd.f32 v26, v37;
	v37 =	vmul.f32 $2.000000030e-01, v28;
	[tilespmem:s23+$0xFFFFFFF0] =	vst v42  }
0xe5: {  	v27 =	vmul.f32 v27, v6;
	v19 =	vmovc v35;
	v43 =	vperm.xlane v29, v2;
	v42 =	vld [tilespmem:s25+$0xFFFFFFF0];
	v23 =	vmax.f32 v30, v23  }
0xe6: {  	v32 =	vadd.f32 v38, v32;
	v30 =	vperm.xlane v26, v2;
	v35 =	vld [tilespmem:s14+$0xFFFFFFF0];
	v23 =	vmul.f32 v23, v6;
	[tilespmem:s23+$0x10] =	vst v40  }
0xe7: {  	v15 =	vmul.f32 v41, v15;
	v28 =	vmax.f32 v28, v37;
	v29 =	vadd.f32 v29, v43;
	v36 =	vpop (erf)  }
0xe8: {  	v37 =	vperm.xlane v34, v1;
	v26 =	vadd.f32 v26, v30;
	v30 =	vperm.xlane v32, v4;
	v38 =	vpop (erf)  }
0xe9: {  	v28 =	vmul.f32 v28, v7;
	v40 =	vld [tilespmem:s14+$0x10];
	[tilespmem:s30+$0xFFFFFFE0] =	vst v15;
	v15 =	vmul.f32 v36, v9;
	v36 =	vpop (erf);
	v9 =	vmov v12  }
0xea: {  	v34 =	vadd.f32 v34, v37;
	v37 =	vperm.xlane v29, v3;
	v12 =	vmovc v33;
	v41 =	vld [tilespmem:s25+$0x10];
	v44 =	vmul.f32 v36, v10  }
0xeb: {  	v33 =	vperm.xlane v28, v1;
	v11 =	vmul.f32 v38, v11;
	v36 =	vadd.f32 v42, v35;
	[tilespmem:s30+$0x0] =	vst v15  }
0xec: {  	v38 =	vperm.xlane v26, v3;
	v15 =	vperm.xlane v34, v2;
	v29 =	vadd.f32 v29, v37;
	[tilespmem:s30+$0xFFFFFFF0] =	vst v44  }
0xed: {  	v43 =	vadd.f32 v32, v30;
	v10 =	vmovc v13;
	v42 =	vperm.xlane v27, v1;
	v37 =	vmul.f32 $2.000000030e-01, v36;
	[tilespmem:s30+$0x10] =	vst v11;
	s30 =	smov.u32 s24;
	s24 =	smov.u32 s14  }
0xee: {  	v28 =	vadd.f32 v28, v33;
	v13 =	vmovc v35;
	v30 =	vadd.f32 v34, v15;
	v44 =	vperm.xlane v29, v4  }
0xef: {  	v27 =	vadd.f32 v27, v42;
	v11 =	vmovc v14;
	v32 =	vmax.f32 v36, v37;
	v33 =	vadd.f32 v41, v40  }
0xf0: {  	v35 =	vperm.xlane v28, v2;
	v14 =	vmovc v40;
	v34 =	vperm.xlane v30, v3;
	v29 =	vadd.f32 v29, v44  }
0xf1: {  	v26 =	vadd.f32 v26, v38;
	v37 =	vperm.xlane v27, v2;
	v15 =	vmovc v17;
	v36 =	vmul.f32 $2.000000030e-01, v33  }
0xf2: {  	v28 =	vadd.f32 v28, v35;
	v17 =	vsub.f32 v29, v8;
	v29 =	vmul.f32 v31, v16;
	v16 =	vmovc v24  }
0xf3: {  	v24 =	vperm.xlane v23, v1;
	v31 =	vmax.f32 v33, v36;
	v33 =	vadd.f32 v27, v37  }
0xf4: {  	v34 =	vadd.f32 v30, v34;
	v30 =	vmul.f32 $1.442695020e+00, v17;
	v17 =	vperm.xlane v28, v3;
	[tilespmem:s23+$0xFFFFFFE0] =	vst v29;
	s23 =	smov.u32 s19  }
0xf5: {  	v22 =	vadd.f32 v21, v22;
	v35 =	vmul.f32 v31, v6;
	v27 =	vld [tilespmem:s25+$0xFFFFFFE0];
	v29 =	vperm.xlane v33, v3  }
0xf6: {  	v21 =	vmul.f32 v32, v6;
	v31 =	vperm.xlane v26, v4;
	v36 =	vadd.f32 v28, v17;
	v17 =	vld [tilespmem:s14+$0xFFFFFFE0]  }
0xf7: {  	v32 =	vperm.xlane v22, v2;
	v28 =	vadd.f32 v25, v39;
	(erf) = vpow2.f32 v30  }
.Ltmp1:
0xf8: {  	v25 =	vperm.xlane v34, v4;
	v26 =	vadd.f32 v26, v31;
	v30 =	vadd.f32 v33, v29;
	(pc) =	sbr.rel @p0 .LBB2_5-.Ltmp1, $4  }
0xf9: {  	v37 =	vperm.xlane v35, v1;
	v33 =	vperm.xlane v36, v4;
	v29 =	vadd.f32 v22, v32  }
0xfa: {  	v25 =	vadd.f32 v34, v25;
	v38 =	vsub.f32 v26, v8;
	v31 =	vperm.xlane v30, v4  }
0xfb: {  	v22 =	vperm.xlane v21, v1;
	v26 =	vsub.f32 v43, v5;
	v32 =	vadd.f32 v36, v33  }
0xfc: {  	s18 =	sadd.s32 $0x40, s18;
	s19 =	sadd.s32 $0x40, s19;
	v34 =	vsub.f32 v25, v8;
	v25 =	vadd.f32 v35, v37;
	v33 =	vmul.f32 $1.442695020e+00, v38  }
0xfd: {  	_ = 	snop  }
0xfe: {  	v32 =	vsub.f32 v32, v8;
	v34 =	vmul.f32 $1.442695020e+00, v34;
	(erf) = vpow2.f32 v33;
	_ =	sdelay $0x1  }
0xff: {  	v32 =	vmul.f32 $1.442695020e+00, v32;
	(erf) = vpow2.f32 v34;
	_ =	sdelay $0x1  }
0x100: {  	(erf) = vpow2.f32 v32;
	_ =	sdelay $0x1  }
0x101: {  	v42 =	vperm.xlane v29, v3;
	v43 =	vpop (erf)  }
0x102: {  	v30 =	vadd.f32 v30, v31;
	v44 =	vperm.xlane v28, v4;
	v20 =	vmul.f32 v43, v20  }
0x103: {  	v23 =	vadd.f32 v23, v24;
	v29 =	vadd.f32 v29, v42  }
0x104: {  	v30 =	vsub.f32 v30, v5;
	v28 =	vadd.f32 v28, v44;
	v31 =	vpop (erf)  }
0x105: {  	s18 =	sadd.s32 $0x40, s25;
	v27 =	vadd.f32 v27, v17;
	v24 =	vperm.xlane v29, v4;
	[tilespmem:s23+$0x0] =	vst v20;
	v31 =	vmul.f32 v31, v18  }
0x106: {  	s14 =	sadd.s32 $0x40, s14;
	v48 =	vperm.xlane v23, v2;
	v30 =	vmul.f32 $1.442695020e+00, v30;
	v28 =	vsub.f32 v28, v5;
	v45 =	vld [tilespmem:s18+$0x0];
	v20 =	vpop (erf)  }
0x107: {  	v24 =	vadd.f32 v29, v24;
	v29 =	vmul.f32 $2.000000030e-01, v27;
	v18 =	vld [tilespmem:s14+$0x0];
	[tilespmem:s23+$0xFFFFFFF0] =	vst v31;
	v20 =	vmul.f32 v20, v16  }
0x108: {  	v23 =	vadd.f32 v23, v48;
	(erf) = vpow2.f32 v30;
	v28 =	vmul.f32 $1.442695020e+00, v28;
	v46 =	vpop (erf);
	v31 =	vld [tilespmem:s18+$0xFFFFFFF0]  }
0x109: {  	v24 =	vsub.f32 v24, v5;
	v27 =	vmax.f32 v27, v29;
	v19 =	vmul.f32 v46, v19;
	v16 =	vld [tilespmem:s14+$0xFFFFFFF0];
	[tilespmem:s23+$0xFFFFFFE0] =	vst v20  }
0x10a: {  	v20 =	vmul.f32 $1.442695020e+00, v26;
	v26 =	vmul.f32 v27, v6;
	v27 =	vld [tilespmem:s18+$0xFFFFFFE0]  }
0x10b: {  	v50 =	vperm.xlane v23, v3;
	v24 =	vmul.f32 $1.442695020e+00, v24;
	[tilespmem:s23+$0x10] =	vst v19;
	v29 =	vld [tilespmem:s14+$0xFFFFFFE0]  }
0x10c: {  	v19 =	vld [tilespmem:s14+$0x10];
	(erf) = vpow2.f32 v20;
	v20 =	vadd.f32 v45, v18;
	v49 =	vperm.xlane v26, v1  }
0x10d: {  	v47 =	vperm.xlane v25, v2;
	v23 =	vadd.f32 v23, v50;
	v30 =	vld [tilespmem:s18+$0x10];
	(erf) = vpow2.f32 v28  }
0x10e: {  	(erf) = vpow2.f32 v24;
	v24 =	vmul.f32 $2.000000030e-01, v20;
	v26 =	vadd.f32 v26, v49  }
0x10f: {  	v21 =	vadd.f32 v21, v22;
	v25 =	vadd.f32 v25, v47;
	v32 =	vperm.xlane v23, v4  }
0x110: {  	v20 =	vmax.f32 v20, v24;
	v24 =	vperm.xlane v26, v2;
	v27 =	vadd.f32 v27, v29  }
0x111: {  	v23 =	vadd.f32 v23, v32;
	v28 =	vperm.xlane v25, v3;
	v31 =	vadd.f32 v31, v16  }
0x112: {  	v30 =	vadd.f32 v30, v19;
	v24 =	vadd.f32 v26, v24;
	v26 =	vmul.f32 $2.000000030e-01, v27  }
0x113: {  	v23 =	vsub.f32 v23, v5;
	v25 =	vadd.f32 v25, v28;
	v51 =	vmul.f32 $2.000000030e-01, v31  }
0x114: {  	v20 =	vmul.f32 v20, v6;
	v52 =	vmul.f32 $2.000000030e-01, v30;
	v22 =	vmax.f32 v27, v26  }
0x115: {  	v31 =	vmax.f32 v31, v51;
	v53 =	vperm.xlane v24, v3;
	v22 =	vmul.f32 v22, v6  }
0x116: {  	v31 =	vmul.f32 v31, v6;
	v27 =	vmax.f32 v30, v52;
	v30 =	vperm.xlane v21, v2  }
0x117: {  	v27 =	vmul.f32 v27, v6;
	v24 =	vadd.f32 v24, v53;
	v28 =	vperm.xlane v22, v1  }
0x118: {  	v26 =	vperm.xlane v20, v1;
	v55 =	vperm.xlane v31, v1;
	v21 =	vadd.f32 v21, v30  }
0x119: {  	v54 =	vperm.xlane v27, v1;
	v30 =	vperm.xlane v24, v4;
	v22 =	vadd.f32 v22, v28  }
0x11a: {  	v20 =	vadd.f32 v20, v26;
	v26 =	vperm.xlane v21, v3;
	v28 =	vperm.xlane v25, v4  }
0x11b: {  	v27 =	vadd.f32 v27, v54;
	v24 =	vadd.f32 v24, v30;
	v30 =	vperm.xlane v22, v2  }
0x11c: {  	v31 =	vadd.f32 v31, v55;
	v21 =	vadd.f32 v21, v26;
	v26 =	vperm.xlane v20, v2  }
0x11d: {  	v25 =	vadd.f32 v25, v28;
	v32 =	vperm.xlane v27, v2;
	v22 =	vadd.f32 v22, v30  }
0x11e: {  	v24 =	vsub.f32 v24, v5;
	v20 =	vadd.f32 v20, v26;
	v26 =	vperm.xlane v31, v2  }
0x11f: {  	v28 =	vperm.xlane v21, v4;
	v27 =	vadd.f32 v27, v32;
	v30 =	vperm.xlane v22, v3  }
0x120: {  	v25 =	vsub.f32 v25, v5;
	v56 =	vperm.xlane v20, v3;
	v26 =	vadd.f32 v31, v26  }
0x121: {  	v24 =	vmul.f32 $1.442695020e+00, v24;
	v31 =	vperm.xlane v27, v3;
	v22 =	vadd.f32 v22, v30  }
0x122: {  	v21 =	vadd.f32 v21, v28;
	v20 =	vadd.f32 v20, v56;
	v28 =	vperm.xlane v26, v3  }
0x123: {  	(erf) = vpow2.f32 v24;
	v24 =	vadd.f32 v27, v31;
	v27 =	vperm.xlane v22, v4  }
0x124: {  	v23 =	vmul.f32 $1.442695020e+00, v23;
	v30 =	vperm.xlane v20, v4;
	v26 =	vadd.f32 v26, v28  }
0x125: {  	v25 =	vmul.f32 $1.442695020e+00, v25;
	v22 =	vadd.f32 v22, v27;
	v27 =	vperm.xlane v24, v4  }
0x126: {  	v21 =	vsub.f32 v21, v5;
	v20 =	vadd.f32 v20, v30;
	v28 =	vperm.xlane v26, v4  }
0x127: {  	(erf) = vpow2.f32 v23;
	v24 =	vadd.f32 v24, v27;
	v22 =	vsub.f32 v22, v5  }
0x128: {  	v21 =	vmul.f32 $1.442695020e+00, v21;
	v20 =	vsub.f32 v20, v5;
	v23 =	vadd.f32 v26, v28  }
0x129: {  	(erf) = vpow2.f32 v25;
	v24 =	vsub.f32 v24, v5;
	v22 =	vmul.f32 $1.442695020e+00, v22  }
0x12a: {  	(erf) = vpow2.f32 v21;
	v21 =	vsub.f32 v23, v5;
	v20 =	vmul.f32 $1.442695020e+00, v20  }
0x12b: {  	(erf) = vpow2.f32 v22;
	v22 =	vmul.f32 $1.442695020e+00, v24  }
0x12c: {  	v21 =	vmul.f32 $1.442695020e+00, v21  }
0x12d: {  	v23 =	vpop (erf);
	(erf) = vpow2.f32 v20  }
0x12e: {  	v15 =	vmul.f32 v23, v15;
	v20 =	vpop (erf);
	(erf) = vpow2.f32 v22  }
0x12f: {  	v22 =	vpop (erf);
	(erf) = vpow2.f32 v21  }
0x130: {  	v9 =	vmul.f32 v20, v9;
	v21 =	vpop (erf)  }
0x131: {  	[tilespmem:s30+$0xFFFFFFE0] =	vst v15;
	v20 =	vpop (erf);
	v10 =	vmul.f32 v21, v10  }
0x132: {  	[tilespmem:s30+$0x0] =	vst v9;
	v9 =	vmul.f32 v22, v11;
	v15 =	vpop (erf)  }
0x133: {  	v11 =	vpop (erf);
	[tilespmem:s30+$0xFFFFFFF0] =	vst v10;
	v10 =	vmul.f32 v20, v17  }
0x134: {  	[tilespmem:s30+$0x10] =	vst v9;
	v9 =	vmul.f32 v15, v12;
	v12 =	vpop (erf)  }
0x135: {  	[tilespmem:s24+$0xFFFFFFE0] =	vst v10;
	v10 =	vmul.f32 v12, v13;
	v12 =	vpop (erf)  }
0x136: {  	[tilespmem:s24+$0x0] =	vst v9;
	v9 =	vmul.f32 v11, v14;
	v11 =	vpop (erf)  }
0x137: {  	[tilespmem:s24+$0xFFFFFFF0] =	vst v10;
	v10 =	vmul.f32 v12, v29;
	v12 =	vpop (erf)  }
0x138: {  	[tilespmem:s24+$0x10] =	vst v9;
	v9 =	vmul.f32 v11, v18;
	v11 =	vpop (erf)  }
0x139: {  	s31 =	smul.u32 $0x280, s17;
	[tilespmem:s14+$0xFFFFFFE0] =	vst v10;
	v10 =	vmul.f32 v11, v16  }
0x13a: {  	[tilespmem:s14+$0x0] =	vst v9;
	v9 =	vmul.f32 v12, v19  }
0x13b: {  	s18 =	sshra.s32 s31, $0x2;
	[tilespmem:s14+$0xFFFFFFF0] =	vst v10  }
0x13c: {  	s18 =	sadd.s32 $0x2710, s18;
	[tilespmem:s14+$0x10] =	vst v9  }
0x13d: {  	[spmem:s6] =	stream.indirect.scatter.add.f32 [tilespmem:s21], [sflag:$0x2], $0x10, s18, s0, $0xb8;
	[tilespmem:$0x19220] =	vst v63  }
0x13e: {  	_ =	swait.ge [sflag:s26], $0x500  }
0x13f: {  	[sflag:s26] =	ssyncset.done $0x0  }
0x140: {  	[sflag:s26] =	ssyncadd.s32 $0xFFFFFB00  }
0x141: {  	[spmem:s7] =	stream.indirect.scatter.add.f32 [tilespmem:s4], [sflag:$0x2], $0x10, s18, s0, $0xb8;
	[tilespmem:$0x19220] =	vst v63  }
0x142: {  	_ =	swait.ge [sflag:s26], $0x500  }
0x143: {  	[sflag:s26] =	ssyncset.done $0x0  }
0x144: {  	s19 =	sadd.s32 $0xA0, s22;
	[sflag:s26] =	ssyncadd.s32 $0xFFFFFB00  }
0x145: {  	[tilespmem:s21], [sflag:$0x1] =	stream.indirect.gather [spmem:s1], $0x10, s19, s0, $0xb8;
	[tilespmem:$0x19220] =	vst v63  }
0x146: {  	s22 =	sadd.s32 $0x27B0, s22  }
0x147: {  	[tilespmem:s8], [sflag:$0x1] =	stream.indirect.gather [spmem:s2], $0x10, s22, s0, $0xb8;
	[tilespmem:$0x19220] =	vst v63  }
0x148: {  	_ = 	snop  }
0x149: {  	[tilespmem:s4], [sflag:$0x1] =	stream.indirect.gather [spmem:s3], $0x10, s19, s0, $0xb8;
	[tilespmem:$0x19220] =	vst v63  }
0x14a: {  	_ = 	snop  }
0x14b: {  	[tilespmem:s9], [sflag:$0x1] =	stream.indirect.gather [spmem:s5], $0x10, s22, s0, $0xb8;
	[tilespmem:$0x19220] =	vst v63  }
0x14c: {  	_ =	swait.ge [sflag:s28], $0x500  }
0x14d: {  	[sflag:s28] =	ssyncset.done $0x0  }
0x14e: {  	[sflag:s28] =	ssyncadd.s32 $0xFFFFFB00  }
0x14f: {  	_ =	swait.ge [sflag:s28], $0x500  }
0x150: {  	[sflag:s28] =	ssyncset.done $0x0  }
0x151: {  	[sflag:s28] =	ssyncadd.s32 $0xFFFFFB00  }
0x152: {  	_ =	swait.ge [sflag:s28], $0x500  }
0x153: {  	[sflag:s28] =	ssyncset.done $0x0  }
0x154: {  	[sflag:s28] =	ssyncadd.s32 $0xFFFFFB00  }
0x155: {  	_ =	swait.ge [sflag:s28], $0x500  }
0x156: {  	[sflag:s28] =	ssyncset.done $0x0  }
0x157: {  	s23 =	simm.s32 $0x6740;
	[sflag:s28] =	ssyncadd.s32 $0xFFFFFB00  }
0x158: {  	s24 =	simm.s32 $0x6240;
	v9 =	vld [tilespmem:s23+$0x0]  }
0x159: {  	v10 =	vld [tilespmem:s24+$0x0]  }
0x15a: {  	v11 =	vld [tilespmem:s23+$0xFFFFFFF0]  }
0x15b: {  	v12 =	vld [tilespmem:s24+$0xFFFFFFE0]  }
0x15c: {  	v15 =	vld [tilespmem:s24+$0xFFFFFFF0]  }
0x15d: {  	v13 =	vld [tilespmem:s23+$0xFFFFFFE0]  }
0x15e: {  	v14 =	vld [tilespmem:s23+$0x10]  }
0x15f: {  	v16 =	vld [tilespmem:s24+$0x10]  }
0x160: {  	v9 =	vadd.f32 v9, v10;
	_ =	sdelay $0x1  }
0x161: {  	v11 =	vadd.f32 v11, v15;
	v17 =	vmul.f32 $2.000000030e-01, v9  }
0x162: {  	v13 =	vadd.f32 v13, v12  }
0x163: {  	v14 =	vadd.f32 v14, v16;
	v9 =	vmax.f32 v9, v17;
	v17 =	vmul.f32 $2.000000030e-01, v11  }
0x164: {  	v9 =	vmul.f32 v9, v7  }
0x165: {  	v18 =	vmul.f32 $2.000000030e-01, v13;
	v19 =	vmul.f32 $2.000000030e-01, v14;
	v11 =	vmax.f32 v11, v17  }
0x166: {  	v17 =	vperm.xlane v9, v1;
	v11 =	vmul.f32 v11, v7  }
0x167: {  	v13 =	vmax.f32 v13, v18;
	v14 =	vmax.f32 v14, v19  }
0x168: {  	v13 =	vmul.f32 v13, v7;
	v9 =	vadd.f32 v9, v17;
	v17 =	vperm.xlane v11, v1  }
0x169: {  	v14 =	vmul.f32 v14, v7  }
0x16a: {  	v18 =	vperm.xlane v9, v2;
	v11 =	vadd.f32 v11, v17;
	v17 =	vperm.xlane v13, v1;
	_ =	sdelay $0x1  }
0x16b: {  	v9 =	vadd.f32 v9, v18;
	v18 =	vperm.xlane v14, v1;
	v13 =	vadd.f32 v13, v17  }
0x16c: {  	v19 =	vperm.xlane v11, v2  }
0x16d: {  	s19 =	simm.s32 $0x6280;
	v17 =	vperm.xlane v9, v3;
	v14 =	vadd.f32 v14, v18;
	v18 =	vperm.xlane v13, v2  }
0x16e: {  	s31 =	simm.s32 $0x6780;
	v11 =	vadd.f32 v11, v19;
	v19 =	vld [tilespmem:s19+$0x0]  }
0x16f: {  	v9 =	vadd.f32 v9, v17;
	v17 =	vperm.xlane v14, v2;
	v13 =	vadd.f32 v13, v18;
	v18 =	vld [tilespmem:s31+$0x0]  }
0x170: {  	v20 =	vperm.xlane v11, v3  }
0x171: {  	v21 =	vperm.xlane v9, v4;
	v14 =	vadd.f32 v14, v17  }
0x172: {  	v17 =	vperm.xlane v13, v3;
	v11 =	vadd.f32 v11, v20  }
0x173: {  	v9 =	vadd.f32 v9, v21;
	v20 =	vperm.xlane v14, v3  }
0x174: {  	v13 =	vadd.f32 v13, v17;
	v17 =	vperm.xlane v11, v4;
	v18 =	vadd.f32 v18, v19  }
0x175: {  	v9 =	vsub.f32 v9, v8;
	v14 =	vadd.f32 v14, v20  }
0x176: {  	v20 =	vperm.xlane v13, v4;
	v11 =	vadd.f32 v11, v17;
	v21 =	vmul.f32 $2.000000030e-01, v18  }
0x177: {  	v9 =	vmul.f32 $1.442695020e+00, v9;
	v17 =	vperm.xlane v14, v4  }
0x178: {  	v13 =	vadd.f32 v13, v20;
	v11 =	vsub.f32 v11, v8;
	v20 =	vld [tilespmem:s31+$0xFFFFFFF0]  }
0x179: {  	v18 =	vmax.f32 v18, v21;
	v21 =	vld [tilespmem:s31+$0xFFFFFFE0];
	(erf) = vpow2.f32 v9;
	v9 =	vadd.f32 v14, v17  }
0x17a: {  	v13 =	vsub.f32 v13, v8;
	v11 =	vmul.f32 $1.442695020e+00, v11;
	v14 =	vld [tilespmem:s19+$0xFFFFFFF0]  }
0x17b: {  	v17 =	vld [tilespmem:s19+$0xFFFFFFE0];
	v18 =	vmul.f32 v18, v7;
	v9 =	vsub.f32 v9, v8  }
0x17c: {  	v13 =	vmul.f32 $1.442695020e+00, v13;
	(erf) = vpow2.f32 v11  }
0x17d: {  	v11 =	vld [tilespmem:s31+$0x10];
	v22 =	vperm.xlane v18, v1;
	v9 =	vmul.f32 $1.442695020e+00, v9  }
0x17e: {  	(erf) = vpow2.f32 v13;
	v13 =	vld [tilespmem:s19+$0x10]  }
0x17f: {  	v18 =	vadd.f32 v18, v22;
	(erf) = vpow2.f32 v9;
	v9 =	vadd.f32 v20, v14  }
0x180: {  	v20 =	vadd.f32 v21, v17  }
0x181: {  	v22 =	vperm.xlane v18, v2;
	v21 =	vmul.f32 $2.000000030e-01, v9  }
0x182: {  	v23 =	vmul.f32 $2.000000030e-01, v20  }
0x183: {  	v18 =	vadd.f32 v18, v22;
	v24 =	vpop (erf);
	v11 =	vadd.f32 v11, v13;
	v9 =	vmax.f32 v9, v21  }
0x184: {  	v10 =	vmul.f32 v24, v10;
	v9 =	vmul.f32 v9, v7  }
0x185: {  	v20 =	vmax.f32 v20, v23;
	v22 =	vperm.xlane v18, v3;
	v21 =	vmul.f32 $2.000000030e-01, v11  }
0x186: {  	v20 =	vmul.f32 v20, v7;
	v23 =	vpop (erf);
	v24 =	vperm.xlane v9, v1  }
0x187: {  	v18 =	vadd.f32 v18, v22;
	v25 =	vpop (erf);
	v15 =	vmul.f32 v23, v15;
	v11 =	vmax.f32 v11, v21  }
0x188: {  	s25 =	simm.s32 $0x7140;
	[tilespmem:s24+$0x0] =	vst v10;
	v22 =	vperm.xlane v20, v1;
	v11 =	vmul.f32 v11, v7;
	v10 =	vpop (erf);
	v21 =	vadd.f32 v9, v24  }
0x189: {  	s22 =	simm.s32 $0x6C40;
	v23 =	vld [tilespmem:s25+$0x0];
	v16 =	vmul.f32 v10, v16;
	v10 =	vperm.xlane v18, v4  }
0x18a: {  	v9 =	vld [tilespmem:s22+$0x0];
	[tilespmem:s24+$0xFFFFFFF0] =	vst v15;
	v20 =	vadd.f32 v20, v22;
	v22 =	vperm.xlane v11, v1;
	v15 =	vperm.xlane v21, v2  }
0x18b: {  	v24 =	vld [tilespmem:s25+$0xFFFFFFF0];
	v18 =	vadd.f32 v18, v10  }
0x18c: {  	v10 =	vld [tilespmem:s22+$0xFFFFFFF0];
	[tilespmem:s24+$0x10] =	vst v16;
	v16 =	vperm.xlane v20, v2;
	v15 =	vadd.f32 v21, v15;
	v21 =	vadd.f32 v11, v22  }
0x18d: {  	v11 =	vld [tilespmem:s22+$0x10]  }
0x18e: {  	v22 =	vld [tilespmem:s25+$0x10];
	v18 =	vsub.f32 v18, v8;
	v16 =	vadd.f32 v20, v16;
	v20 =	vperm.xlane v21, v2  }
0x18f: {  	v26 =	vperm.xlane v15, v3  }
0x190: {  	v12 =	vmul.f32 v25, v12;
	v18 =	vmul.f32 $1.442695020e+00, v18;
	v20 =	vadd.f32 v21, v20  }
0x191: {  	v27 =	vperm.xlane v16, v3;
	v15 =	vadd.f32 v15, v26;
	v21 =	vadd.f32 v23, v9  }
0x192: {  	(erf) = vpow2.f32 v18;
	v18 =	vadd.f32 v24, v10;
	v23 =	vperm.xlane v20, v3  }
0x193: {  	v22 =	vadd.f32 v22, v11;
	v24 =	vperm.xlane v15, v4;
	v25 =	vmul.f32 $2.000000030e-01, v21  }
0x194: {  	[tilespmem:s24+$0xFFFFFFE0] =	vst v12;
	v16 =	vadd.f32 v16, v27;
	v12 =	vadd.f32 v20, v23  }
0x195: {  	s31 =	simm.s32 $0x67C0;
	v15 =	vadd.f32 v15, v24;
	v20 =	vmax.f32 v21, v25;
	v21 =	vmul.f32 $2.000000030e-01, v18  }
0x196: {  	v27 =	vld [tilespmem:s31+$0xFFFFFFF0];
	v24 =	vperm.xlane v16, v4;
	v25 =	vmul.f32 $2.000000030e-01, v22  }
0x197: {  	s23 =	simm.s32 $0x62C0;
	v23 =	vld [tilespmem:s25+$0xFFFFFFE0];
	v28 =	vmul.f32 v20, v6;
	v26 =	vperm.xlane v12, v4;
	v15 =	vsub.f32 v15, v8  }
0x198: {  	v20 =	vld [tilespmem:s23+$0x0];
	v21 =	vmax.f32 v18, v21;
	v16 =	vadd.f32 v16, v24;
	v18 =	vmax.f32 v22, v25  }
0x199: {  	v24 =	vld [tilespmem:s31+$0x0];
	v25 =	vperm.xlane v28, v1;
	v12 =	vadd.f32 v12, v26;
	v22 =	vmul.f32 $1.442695020e+00, v15  }
0x19a: {  	v21 =	vmul.f32 v21, v6;
	v26 =	vmul.f32 v18, v6;
	v29 =	vsub.f32 v16, v8;
	v18 =	vld [tilespmem:s23+$0xFFFFFFF0]  }
0x19b: {  	v15 =	vld [tilespmem:s22+$0xFFFFFFE0];
	v25 =	vadd.f32 v28, v25;
	v12 =	vsub.f32 v12, v8;
	(erf) = vpow2.f32 v22  }
0x19c: {  	v16 =	vld [tilespmem:s23+$0xFFFFFFE0];
	v31 =	vperm.xlane v21, v1;
	v28 =	vmul.f32 $1.442695020e+00, v29  }
0x19d: {  	v29 =	vld [tilespmem:s31+$0xFFFFFFE0];
	v30 =	vperm.xlane v25, v2;
	v22 =	vpop (erf);
	v12 =	vmul.f32 $1.442695020e+00, v12  }
0x19e: {  	v24 =	vadd.f32 v24, v20;
	(erf) = vpow2.f32 v28;
	v19 =	vmul.f32 v22, v19  }
0x19f: {  	v22 =	vperm.xlane v26, v1;
	v27 =	vadd.f32 v27, v18;
	v25 =	vadd.f32 v25, v30  }
0x1a0: {  	v28 =	vld [tilespmem:s31+$0x10];
	v30 =	vmul.f32 $2.000000030e-01, v24;
	v23 =	vadd.f32 v23, v15;
	(erf) = vpow2.f32 v12  }
0x1a1: {  	s25 =	simm.s32 $0x7180;
	[tilespmem:s19+$0x0] =	vst v19;
	v22 =	vadd.f32 v26, v22;
	v19 =	vld [tilespmem:s23+$0x10];
	v58 =	vmul.f32 $2.000000030e-01, v27;
	v59 =	vperm.xlane v25, v3  }
0x1a2: {  	s14 =	simm.s32 $0x6C80;
	v29 =	vadd.f32 v29, v16;
	v24 =	vmax.f32 v24, v30;
	v30 =	vmul.f32 $2.000000030e-01, v23;
	v26 =	vld [tilespmem:s25+$0x0]  }
0x1a3: {  	v12 =	vld [tilespmem:s14+$0x0];
	v24 =	vmul.f32 v24, v7;
	v57 =	vperm.xlane v22, v2;
	v27 =	vmax.f32 v27, v58  }
0x1a4: {  	v61 =	vmul.f32 $2.000000030e-01, v29;
	v25 =	vadd.f32 v25, v59;
	v27 =	vmul.f32 v27, v7;
	v60 =	vpop (erf)  }
0x1a5: {  	v23 =	vmax.f32 v23, v30;
	v35 =	vperm.xlane v24, v1;
	v14 =	vmul.f32 v60, v14  }
0x1a6: {  	v46 =	vmul.f32 v23, v6;
	v29 =	vmax.f32 v29, v61;
	v47 =	vperm.xlane v25, v4  }
0x1a7: {  	v28 =	vadd.f32 v28, v19;
	v62 =	vperm.xlane v27, v1;
	v24 =	vadd.f32 v24, v35  }
0x1a8: {  	v29 =	vmul.f32 v29, v7;
	v40 =	vperm.xlane v46, v1;
	v26 =	vadd.f32 v26, v12;
	v63 =	vpop (erf)  }
0x1a9: {  	[tilespmem:s19+$0xFFFFFFF0] =	vst v14;
	v27 =	vadd.f32 v27, v62;
	v45 =	vmul.f32 $2.000000030e-01, v28;
	v30 =	vperm.xlane v24, v2;
	v14 =	vpop (erf)  }
0x1aa: {  	v22 =	vadd.f32 v22, v57;
	v44 =	vmul.f32 $2.000000030e-01, v26;
	v14 =	vmul.f32 v14, v13  }
0x1ab: {  	v51 =	vadd.f32 v46, v40;
	v37 =	vld [tilespmem:s25+$0xFFFFFFF0];
	v38 =	vperm.xlane v27, v2;
	v24 =	vadd.f32 v24, v30  }
0x1ac: {  	v13 =	vld [tilespmem:s14+$0xFFFFFFF0];
	v26 =	vmax.f32 v26, v44;
	[tilespmem:s19+$0x10] =	vst v14;
	v14 =	vmax.f32 v28, v45;
	v28 =	vperm.xlane v29, v1  }
0x1ad: {  	v23 =	vmul.f32 v26, v6;
	v27 =	vadd.f32 v27, v38;
	v26 =	vmul.f32 v14, v7;
	v14 =	vld [tilespmem:s14+$0x10]  }
0x1ae: {  	v55 =	vperm.xlane v51, v2;
	v30 =	vld [tilespmem:s25+$0x10];
	v28 =	vadd.f32 v29, v28;
	v29 =	vperm.xlane v24, v3  }
0x1af: {  	v31 =	vadd.f32 v21, v31;
	v36 =	vperm.xlane v22, v3;
	v39 =	vperm.xlane v27, v3  }
0x1b0: {  	v57 =	vadd.f32 v51, v55;
	v48 =	vperm.xlane v26, v1;
	v24 =	vadd.f32 v24, v29  }
0x1b1: {  	v17 =	vmul.f32 v63, v17;
	v37 =	vadd.f32 v37, v13;
	v27 =	vadd.f32 v27, v39  }
0x1b2: {  	v49 =	vperm.xlane v28, v2;
	v26 =	vadd.f32 v26, v48;
	v50 =	vperm.xlane v24, v4  }
0x1b3: {  	v29 =	vmul.f32 $2.000000030e-01, v37;
	v61 =	vperm.xlane v27, v4;
	v30 =	vadd.f32 v30, v14  }
0x1b4: {  	v28 =	vadd.f32 v28, v49;
	v53 =	vperm.xlane v26, v2;
	v24 =	vadd.f32 v24, v50  }
0x1b5: {  	v29 =	vmax.f32 v37, v29;
	v27 =	vadd.f32 v27, v61;
	v54 =	vmul.f32 $2.000000030e-01, v30  }
0x1b6: {  	v52 =	vperm.xlane v28, v3;
	v26 =	vadd.f32 v26, v53;
	v56 =	vsub.f32 v24, v8  }
0x1b7: {  	v21 =	vmul.f32 v29, v6;
	v29 =	vperm.xlane v31, v2;
	v30 =	vmax.f32 v30, v54  }
0x1b8: {  	v58 =	vadd.f32 v28, v52;
	v59 =	vperm.xlane v26, v3;
	v28 =	vmul.f32 $1.442695020e+00, v56  }
0x1b9: {  	v25 =	vadd.f32 v25, v47;
	v60 =	vmul.f32 v30, v6;
	v30 =	vperm.xlane v57, v3  }
0x1ba: {  	v37 =	vsub.f32 v27, v8;
	v26 =	vadd.f32 v26, v59;
	(erf) = vpow2.f32 v28  }
0x1bb: {  	v30 =	vadd.f32 v57, v30;
	v28 =	vadd.f32 v22, v36;
	v22 =	vperm.xlane v58, v4  }
0x1bc: {  	v24 =	vperm.xlane v23, v1;
	v29 =	vadd.f32 v31, v29;
	v62 =	vperm.xlane v26, v4  }
0x1bd: {  	[tilespmem:s19+$0xFFFFFFE0] =	vst v17;
	v63 =	vperm.xlane v60, v1;
	v31 =	vperm.xlane v30, v4;
	v33 =	vadd.f32 v58, v22  }
0x1be: {  	s30 =	simm.s32 $0x8;
	v17 =	vld [tilespmem:s14+$0xFFFFFFE0];
	v22 =	vperm.xlane v21, v1;
	v32 =	vadd.f32 v26, v62;
	v26 =	vsub.f32 v25, v5  }
0x1bf: {  	s18 =	simm.s32 $0x6800;
	s24 =	simm.s32 $0x6C80;
	s19 =	simm.s32 $0x6300;
	v27 =	vld [tilespmem:s25+$0xFFFFFFE0];
	v25 =	vadd.f32 v60, v63;
	v34 =	vsub.f32 v33, v8;
	v33 =	vmul.f32 $1.442695020e+00, v37  }
.LBB2_7:
0x1c0: {  	v35 =	vld [tilespmem:s18+$0xFFFFFFF0];
	s30 =	sadd.s32 $0x4, s30;
	v23 =	vadd.f32 v23, v24;
	v30 =	vadd.f32 v30, v31;
	v31 =	vperm.xlane v29, v3  }
0x1c1: {  	v32 =	vsub.f32 v32, v8;
	v36 =	vperm.xlane v28, v4;
	v24 =	vld [tilespmem:s19+$0xFFFFFFE0];
	p0 =	slt.u32 s30, $0x4C;
	v34 =	vmul.f32 $1.442695020e+00, v34  }
0x1c2: {  	s25 =	sadd.s32 $0x40, s25;
	s14 =	sadd.s32 $0x40, s14;
	v37 =	vld [tilespmem:s18+$0x0];
	(erf) = vpow2.f32 v33;
	v33 =	vperm.xlane v25, v2;
	v29 =	vadd.f32 v29, v31  }
0x1c3: {  	v32 =	vmul.f32 $1.442695020e+00, v32;
	v39 =	vperm.xlane v23, v2;
	v28 =	vadd.f32 v28, v36;
	v31 =	vld [tilespmem:s19+$0x0];
	v38 =	vpop (erf)  }
0x1c4: {  	v30 =	vsub.f32 v30, v5;
	v36 =	vld [tilespmem:s19+$0xFFFFFFF0];
	v20 =	vmul.f32 v38, v20;
	(erf) = vpow2.f32 v34  }
0x1c5: {  	v38 =	vadd.f32 v23, v39;
	v23 =	vperm.xlane v29, v4;
	v28 =	vsub.f32 v28, v5;
	v34 =	vld [tilespmem:s18+$0xFFFFFFE0]  }
0x1c6: {  	v27 =	vadd.f32 v27, v17;
	v25 =	vadd.f32 v25, v33;
	v40 =	vmul.f32 $1.442695020e+00, v30;
	v39 =	vld [tilespmem:s18+$0x10];
	[tilespmem:s23+$0x0] =	vst v20  }
0x1c7: {  	v23 =	vadd.f32 v29, v23;
	v30 =	vld [tilespmem:s25+$0x0];
	(erf) = vpow2.f32 v32;
	v32 =	vperm.xlane v38, v3  }
0x1c8: {  	v29 =	vadd.f32 v37, v31;
	v33 =	vld [tilespmem:s14+$0x0];
	v37 =	vmul.f32 $2.000000030e-01, v27;
	(erf) = vpow2.f32 v40;
	v20 =	vmovc v31  }
0x1c9: {  	v26 =	vmul.f32 $1.442695020e+00, v26;
	v23 =	vsub.f32 v23, v5;
	v31 =	vadd.f32 v35, v36;
	v35 =	vld [tilespmem:s19+$0x10]  }
0x1ca: {  	v28 =	vmul.f32 $1.442695020e+00, v28;
	v34 =	vadd.f32 v34, v24;
	v40 =	vmul.f32 $2.000000030e-01, v29  }
0x1cb: {  	v27 =	vmax.f32 v27, v37;
	v23 =	vmul.f32 $1.442695020e+00, v23;
	v41 =	vmul.f32 $2.000000030e-01, v31;
	v42 =	vpop (erf)  }
0x1cc: {  	v37 =	vmul.f32 $2.000000030e-01, v34;
	v29 =	vmax.f32 v29, v40;
	(erf) = vpow2.f32 v26  }
0x1cd: {  	v26 =	vmax.f32 v31, v41;
	v29 =	vmul.f32 v29, v7;
	v31 =	vpop (erf);
	(erf) = vpow2.f32 v28  }
0x1ce: {  	v26 =	vmul.f32 v26, v7;
	v28 =	vadd.f32 v39, v35;
	(erf) = vpow2.f32 v23  }
0x1cf: {  	v30 =	vadd.f32 v30, v33;
	v39 =	vperm.xlane v25, v3;
	v23 =	vperm.xlane v29, v1  }
0x1d0: {  	v42 =	vmul.f32 v42, v18;
	v34 =	vmax.f32 v34, v37;
	v37 =	vperm.xlane v26, v1;
	v40 =	vpop (erf)  }
0x1d1: {  	v34 =	vmul.f32 v34, v7;
	v29 =	vadd.f32 v29, v23;
	v23 =	vmul.f32 $2.000000030e-01, v30;
	v41 =	vpop (erf)  }
0x1d2: {  	v18 =	vmovc v36;
	v40 =	vmul.f32 v40, v19;
	v26 =	vadd.f32 v26, v37;
	v37 =	vmul.f32 $2.000000030e-01, v28;
	[tilespmem:s23+$0xFFFFFFF0] =	vst v42  }
0x1d3: {  	v27 =	vmul.f32 v27, v6;
	v19 =	vmovc v35;
	v43 =	vperm.xlane v29, v2;
	v42 =	vld [tilespmem:s25+$0xFFFFFFF0];
	v23 =	vmax.f32 v30, v23  }
0x1d4: {  	v32 =	vadd.f32 v38, v32;
	v30 =	vperm.xlane v26, v2;
	v35 =	vld [tilespmem:s14+$0xFFFFFFF0];
	v23 =	vmul.f32 v23, v6;
	[tilespmem:s23+$0x10] =	vst v40  }
0x1d5: {  	v15 =	vmul.f32 v41, v15;
	v28 =	vmax.f32 v28, v37;
	v29 =	vadd.f32 v29, v43;
	v36 =	vpop (erf)  }
0x1d6: {  	v37 =	vperm.xlane v34, v1;
	v26 =	vadd.f32 v26, v30;
	v30 =	vperm.xlane v32, v4;
	v38 =	vpop (erf)  }
0x1d7: {  	v28 =	vmul.f32 v28, v7;
	v40 =	vld [tilespmem:s14+$0x10];
	[tilespmem:s22+$0xFFFFFFE0] =	vst v15;
	v15 =	vmul.f32 v36, v9;
	v36 =	vpop (erf);
	v9 =	vmov v12  }
0x1d8: {  	v34 =	vadd.f32 v34, v37;
	v37 =	vperm.xlane v29, v3;
	v12 =	vmovc v33;
	v41 =	vld [tilespmem:s25+$0x10];
	v44 =	vmul.f32 v36, v10  }
0x1d9: {  	v33 =	vperm.xlane v28, v1;
	v11 =	vmul.f32 v38, v11;
	v36 =	vadd.f32 v42, v35;
	[tilespmem:s22+$0x0] =	vst v15  }
0x1da: {  	v38 =	vperm.xlane v26, v3;
	v15 =	vperm.xlane v34, v2;
	v29 =	vadd.f32 v29, v37;
	[tilespmem:s22+$0xFFFFFFF0] =	vst v44  }
0x1db: {  	v43 =	vadd.f32 v32, v30;
	v10 =	vmovc v13;
	v42 =	vperm.xlane v27, v1;
	v37 =	vmul.f32 $2.000000030e-01, v36;
	[tilespmem:s22+$0x10] =	vst v11;
	s22 =	smov.u32 s24;
	s24 =	smov.u32 s14  }
0x1dc: {  	v28 =	vadd.f32 v28, v33;
	v13 =	vmovc v35;
	v30 =	vadd.f32 v34, v15;
	v44 =	vperm.xlane v29, v4  }
0x1dd: {  	v27 =	vadd.f32 v27, v42;
	v11 =	vmovc v14;
	v32 =	vmax.f32 v36, v37;
	v33 =	vadd.f32 v41, v40  }
0x1de: {  	v35 =	vperm.xlane v28, v2;
	v14 =	vmovc v40;
	v34 =	vperm.xlane v30, v3;
	v29 =	vadd.f32 v29, v44  }
0x1df: {  	v26 =	vadd.f32 v26, v38;
	v37 =	vperm.xlane v27, v2;
	v15 =	vmovc v17;
	v36 =	vmul.f32 $2.000000030e-01, v33  }
0x1e0: {  	v28 =	vadd.f32 v28, v35;
	v17 =	vsub.f32 v29, v8;
	v29 =	vmul.f32 v31, v16;
	v16 =	vmovc v24  }
0x1e1: {  	v24 =	vperm.xlane v23, v1;
	v31 =	vmax.f32 v33, v36;
	v33 =	vadd.f32 v27, v37  }
0x1e2: {  	v34 =	vadd.f32 v30, v34;
	v30 =	vmul.f32 $1.442695020e+00, v17;
	v17 =	vperm.xlane v28, v3;
	[tilespmem:s23+$0xFFFFFFE0] =	vst v29;
	s23 =	smov.u32 s19  }
0x1e3: {  	v22 =	vadd.f32 v21, v22;
	v35 =	vmul.f32 v31, v6;
	v27 =	vld [tilespmem:s25+$0xFFFFFFE0];
	v29 =	vperm.xlane v33, v3  }
0x1e4: {  	v21 =	vmul.f32 v32, v6;
	v31 =	vperm.xlane v26, v4;
	v36 =	vadd.f32 v28, v17;
	v17 =	vld [tilespmem:s14+$0xFFFFFFE0]  }
0x1e5: {  	v32 =	vperm.xlane v22, v2;
	v28 =	vadd.f32 v25, v39;
	(erf) = vpow2.f32 v30  }
.Ltmp2:
0x1e6: {  	v25 =	vperm.xlane v34, v4;
	v26 =	vadd.f32 v26, v31;
	v30 =	vadd.f32 v33, v29;
	(pc) =	sbr.rel @p0 .LBB2_7-.Ltmp2, $4  }
0x1e7: {  	v37 =	vperm.xlane v35, v1;
	v33 =	vperm.xlane v36, v4;
	v29 =	vadd.f32 v22, v32  }
0x1e8: {  	v25 =	vadd.f32 v34, v25;
	v38 =	vsub.f32 v26, v8;
	v31 =	vperm.xlane v30, v4  }
0x1e9: {  	v22 =	vperm.xlane v21, v1;
	v26 =	vsub.f32 v43, v5;
	v32 =	vadd.f32 v36, v33  }
0x1ea: {  	s18 =	sadd.s32 $0x40, s18;
	s19 =	sadd.s32 $0x40, s19;
	v34 =	vsub.f32 v25, v8;
	v25 =	vadd.f32 v35, v37;
	v33 =	vmul.f32 $1.442695020e+00, v38  }
0x1eb: {  	_ = 	snop  }
0x1ec: {  	v32 =	vsub.f32 v32, v8;
	v34 =	vmul.f32 $1.442695020e+00, v34  }
0x1ed: {  	(erf) = vpow2.f32 v33  }
0x1ee: {  	v32 =	vmul.f32 $1.442695020e+00, v32;
	(erf) = vpow2.f32 v34;
	_ =	sdelay $0x1  }
0x1ef: {  	(erf) = vpow2.f32 v32;
	_ =	sdelay $0x3  }
0x1f0: {  	v62 =	vperm.xlane v29, v3;
	v30 =	vadd.f32 v30, v31;
	v37 =	vperm.xlane v28, v4;
	v63 =	vpop (erf)  }
0x1f1: {  	v23 =	vadd.f32 v23, v24;
	v27 =	vadd.f32 v27, v17;
	v20 =	vmul.f32 v63, v20  }
0x1f2: {  	v45 =	vmul.f32 $1.442695020e+00, v26;
	v21 =	vadd.f32 v21, v22;
	v43 =	vperm.xlane v25, v2;
	v36 =	vpop (erf)  }
0x1f3: {  	s18 =	sadd.s32 $0x40, s25;
	v29 =	vadd.f32 v29, v62;
	v42 =	vmul.f32 $2.000000030e-01, v27;
	[tilespmem:s23+$0x0] =	vst v20;
	v31 =	vmul.f32 v36, v18;
	v38 =	vpop (erf)  }
0x1f4: {  	s14 =	sadd.s32 $0x40, s14;
	v30 =	vsub.f32 v30, v5;
	v44 =	vperm.xlane v23, v2;
	v40 =	vld [tilespmem:s18+$0x0];
	v20 =	vmul.f32 v38, v16  }
0x1f5: {  	v28 =	vadd.f32 v28, v37;
	v62 =	vperm.xlane v21, v2;
	v39 =	vperm.xlane v29, v4;
	v18 =	vld [tilespmem:s14+$0x0];
	v41 =	vpop (erf);
	[tilespmem:s23+$0xFFFFFFF0] =	vst v31  }
0x1f6: {  	v25 =	vadd.f32 v25, v43;
	v30 =	vmul.f32 $1.442695020e+00, v30;
	v19 =	vmul.f32 v41, v19;
	v31 =	vld [tilespmem:s18+$0xFFFFFFF0];
	[tilespmem:s23+$0xFFFFFFE0] =	vst v20  }
0x1f7: {  	v27 =	vmax.f32 v27, v42;
	v23 =	vadd.f32 v23, v44;
	v21 =	vadd.f32 v21, v62;
	v47 =	vld [tilespmem:s18+$0xFFFFFFE0]  }
0x1f8: {  	v46 =	vmul.f32 v27, v6;
	v53 =	vperm.xlane v25, v3;
	v24 =	vadd.f32 v29, v39;
	[tilespmem:s23+$0x10] =	vst v19;
	v29 =	vld [tilespmem:s14+$0xFFFFFFE0]  }
0x1f9: {  	v28 =	vsub.f32 v28, v5;
	(erf) = vpow2.f32 v30;
	v51 =	vperm.xlane v23, v3;
	v19 =	vld [tilespmem:s14+$0x10]  }
0x1fa: {  	v39 =	vperm.xlane v21, v3;
	v50 =	vperm.xlane v46, v1;
	v24 =	vsub.f32 v24, v5;
	v49 =	vld [tilespmem:s18+$0x10]  }
0x1fb: {  	v28 =	vmul.f32 $1.442695020e+00, v28;
	v25 =	vadd.f32 v25, v53;
	v23 =	vadd.f32 v23, v51;
	v16 =	vld [tilespmem:s14+$0xFFFFFFF0]  }
0x1fc: {  	v21 =	vadd.f32 v21, v39;
	v26 =	vadd.f32 v46, v50;
	v24 =	vmul.f32 $1.442695020e+00, v24  }
0x1fd: {  	(erf) = vpow2.f32 v45;
	v32 =	vperm.xlane v23, v4;
	v27 =	vadd.f32 v47, v29  }
0x1fe: {  	v44 =	vperm.xlane v21, v4;
	v54 =	vperm.xlane v26, v2;
	v48 =	vadd.f32 v40, v18  }
0x1ff: {  	v23 =	vadd.f32 v23, v32;
	v30 =	vadd.f32 v49, v19;
	v56 =	vmul.f32 $2.000000030e-01, v27  }
0x200: {  	v21 =	vadd.f32 v21, v44;
	v52 =	vmul.f32 $2.000000030e-01, v48;
	v31 =	vadd.f32 v31, v16  }
0x201: {  	(erf) = vpow2.f32 v28;
	v57 =	vmul.f32 $2.000000030e-01, v30;
	v59 =	vmax.f32 v27, v56  }
0x202: {  	v20 =	vmax.f32 v48, v52;
	v55 =	vmul.f32 $2.000000030e-01, v31;
	v22 =	vmul.f32 v59, v6  }
0x203: {  	(erf) = vpow2.f32 v24;
	v20 =	vmul.f32 v20, v6;
	v61 =	vmax.f32 v30, v57  }
0x204: {  	v31 =	vmax.f32 v31, v55;
	v27 =	vmul.f32 v61, v6;
	v63 =	vperm.xlane v22, v1  }
0x205: {  	v24 =	vadd.f32 v26, v54;
	v60 =	vperm.xlane v20, v1;
	v31 =	vmul.f32 v31, v6  }
0x206: {  	v23 =	vsub.f32 v23, v5;
	v36 =	vperm.xlane v27, v1;
	v22 =	vadd.f32 v22, v63  }
0x207: {  	v21 =	vsub.f32 v21, v5;
	v20 =	vadd.f32 v20, v60;
	v38 =	vperm.xlane v31, v1  }
0x208: {  	v58 =	vperm.xlane v24, v3;
	v27 =	vadd.f32 v27, v36;
	v41 =	vperm.xlane v22, v2  }
0x209: {  	v40 =	vperm.xlane v25, v4;
	v42 =	vperm.xlane v20, v2;
	v31 =	vadd.f32 v31, v38  }
0x20a: {  	v24 =	vadd.f32 v24, v58;
	v32 =	vperm.xlane v27, v2;
	v22 =	vadd.f32 v22, v41  }
0x20b: {  	v23 =	vmul.f32 $1.442695020e+00, v23;
	v20 =	vadd.f32 v20, v42;
	v43 =	vperm.xlane v31, v2  }
0x20c: {  	v37 =	vperm.xlane v24, v4;
	v27 =	vadd.f32 v27, v32;
	v30 =	vperm.xlane v22, v3  }
0x20d: {  	v21 =	vmul.f32 $1.442695020e+00, v21;
	v45 =	vperm.xlane v20, v3;
	v26 =	vadd.f32 v31, v43  }
0x20e: {  	v24 =	vadd.f32 v24, v37;
	v46 =	vperm.xlane v27, v3;
	v22 =	vadd.f32 v22, v30  }
0x20f: {  	v25 =	vadd.f32 v25, v40;
	v20 =	vadd.f32 v20, v45;
	v47 =	vperm.xlane v26, v3  }
0x210: {  	v24 =	vsub.f32 v24, v5;
	v48 =	vadd.f32 v27, v46;
	v49 =	vperm.xlane v22, v4  }
0x211: {  	v25 =	vsub.f32 v25, v5;
	v50 =	vperm.xlane v20, v4;
	v26 =	vadd.f32 v26, v47  }
0x212: {  	v24 =	vmul.f32 $1.442695020e+00, v24;
	v51 =	vperm.xlane v48, v4;
	v22 =	vadd.f32 v22, v49  }
0x213: {  	v25 =	vmul.f32 $1.442695020e+00, v25;
	v20 =	vadd.f32 v20, v50;
	v28 =	vperm.xlane v26, v4  }
0x214: {  	(erf) = vpow2.f32 v24;
	v24 =	vadd.f32 v48, v51;
	v22 =	vsub.f32 v22, v5  }
0x215: {  	(erf) = vpow2.f32 v23;
	v20 =	vsub.f32 v20, v5;
	v52 =	vadd.f32 v26, v28  }
0x216: {  	(erf) = vpow2.f32 v25;
	v24 =	vsub.f32 v24, v5;
	v22 =	vmul.f32 $1.442695020e+00, v22  }
0x217: {  	(erf) = vpow2.f32 v21;
	v20 =	vmul.f32 $1.442695020e+00, v20;
	v53 =	vsub.f32 v52, v5  }
0x218: {  	v54 =	vmul.f32 $1.442695020e+00, v24;
	(erf) = vpow2.f32 v22  }
0x219: {  	v55 =	vpop (erf);
	v21 =	vmul.f32 $1.442695020e+00, v53;
	(erf) = vpow2.f32 v20  }
0x21a: {  	v56 =	vpop (erf);
	(erf) = vpow2.f32 v54  }
0x21b: {  	v15 =	vmul.f32 v55, v15;
	v57 =	vpop (erf);
	(erf) = vpow2.f32 v21  }
0x21c: {  	v9 =	vmul.f32 v56, v9;
	v58 =	vpop (erf)  }
0x21d: {  	[tilespmem:s22+$0xFFFFFFE0] =	vst v15;
	v10 =	vmul.f32 v58, v10;
	v59 =	vpop (erf)  }
0x21e: {  	[tilespmem:s22+$0x0] =	vst v9;
	v9 =	vmul.f32 v57, v11;
	v60 =	vpop (erf)  }
0x21f: {  	[tilespmem:s22+$0xFFFFFFF0] =	vst v10;
	v10 =	vmul.f32 v59, v17;
	v11 =	vpop (erf)  }
0x220: {  	[tilespmem:s22+$0x10] =	vst v9;
	v9 =	vmul.f32 v60, v12;
	v61 =	vpop (erf)  }
0x221: {  	[tilespmem:s24+$0xFFFFFFE0] =	vst v10;
	v10 =	vmul.f32 v61, v13;
	v62 =	vpop (erf)  }
0x222: {  	[tilespmem:s24+$0x0] =	vst v9;
	v9 =	vmul.f32 v11, v14;
	v11 =	vpop (erf)  }
0x223: {  	[tilespmem:s24+$0xFFFFFFF0] =	vst v10;
	v10 =	vmul.f32 v62, v29;
	v63 =	vpop (erf)  }
0x224: {  	[tilespmem:s24+$0x10] =	vst v9;
	v9 =	vmul.f32 v11, v18;
	v11 =	vpop (erf)  }
0x225: {  	[tilespmem:s14+$0xFFFFFFE0] =	vst v10;
	v10 =	vmul.f32 v11, v16  }
0x226: {  	[tilespmem:s14+$0x0] =	vst v9;
	v9 =	vmul.f32 v63, v19  }
0x227: {  	[tilespmem:s14+$0xFFFFFFF0] =	vst v10  }
0x228: {  	[tilespmem:s14+$0x10] =	vst v9  }
0x229: {  	[spmem:s6] =	stream.indirect.scatter.add.f32 [tilespmem:s10], [sflag:$0x2], $0x10, s20, s0, $0xb8;
	[tilespmem:$0x19220] =	vst v63  }
0x22a: {  	s17 =	sadd.s32 $0x1, s17;
	_ =	swait.ge [sflag:s26], $0x500  }
0x22b: {  	p0 =	sne.s32 s17, $0x3E;
	[sflag:s26] =	ssyncset.done $0x0  }
.Ltmp3:
0x22c: {  	[sflag:s26] =	ssyncadd.s32 $0xFFFFFB00;
	(pc) =	sbr.rel @p0 .LBB2_4-.Ltmp3, $4  }
0x22d: {  	[spmem:s7] =	stream.indirect.scatter.add.f32 [tilespmem:s12], [sflag:$0x2], $0x10, s20, s0, $0xb8;
	[tilespmem:$0x19220] =	vst v63  }
0x22e: {  	_ =	swait.ge [sflag:s26], $0x500  }
0x22f: {  	[sflag:s26] =	ssyncset.done $0x0  }
0x230: {  	[sflag:s26] =	ssyncadd.s32 $0xFFFFFB00  }
0x231: {  	_ =	swait.ge [sflag:s28], $0x500  }
0x232: {  	[sflag:s28] =	ssyncset.done $0x0  }
0x233: {  	[sflag:s28] =	ssyncadd.s32 $0xFFFFFB00  }
0x234: {  	_ =	swait.ge [sflag:s28], $0x500  }
0x235: {  	[sflag:s28] =	ssyncset.done $0x0  }
0x236: {  	[sflag:s28] =	ssyncadd.s32 $0xFFFFFB00  }
0x237: {  	_ =	swait.ge [sflag:s28], $0x500  }
0x238: {  	[sflag:s28] =	ssyncset.done $0x0  }
0x239: {  	[sflag:s28] =	ssyncadd.s32 $0xFFFFFB00  }
0x23a: {  	_ =	swait.ge [sflag:s28], $0x500  }
0x23b: {  	[sflag:s28] =	ssyncset.done $0x0  }
0x23c: {  	s17 =	simm.s32 $0x5340;
	[sflag:s28] =	ssyncadd.s32 $0xFFFFFB00  }
0x23d: {  	s14 =	simm.s32 $0x4E40;
	v9 =	vld [tilespmem:s17+$0x0]  }
0x23e: {  	v10 =	vld [tilespmem:s14+$0x0]  }
0x23f: {  	v11 =	vld [tilespmem:s17+$0xFFFFFFF0]  }
0x240: {  	v12 =	vld [tilespmem:s14+$0xFFFFFFE0]  }
0x241: {  	v15 =	vld [tilespmem:s14+$0xFFFFFFF0]  }
0x242: {  	v13 =	vld [tilespmem:s17+$0xFFFFFFE0]  }
0x243: {  	v14 =	vld [tilespmem:s17+$0x10]  }
0x244: {  	v16 =	vld [tilespmem:s14+$0x10]  }
0x245: {  	v9 =	vadd.f32 v9, v10;
	_ =	sdelay $0x1  }
0x246: {  	v11 =	vadd.f32 v11, v15;
	v17 =	vmul.f32 $2.000000030e-01, v9  }
0x247: {  	v13 =	vadd.f32 v13, v12  }
0x248: {  	v14 =	vadd.f32 v14, v16;
	v9 =	vmax.f32 v9, v17;
	v17 =	vmul.f32 $2.000000030e-01, v11  }
0x249: {  	v9 =	vmul.f32 v9, v7  }
0x24a: {  	v18 =	vmul.f32 $2.000000030e-01, v13;
	v19 =	vmul.f32 $2.000000030e-01, v14;
	v11 =	vmax.f32 v11, v17  }
0x24b: {  	v17 =	vperm.xlane v9, v1;
	v11 =	vmul.f32 v11, v7  }
0x24c: {  	v13 =	vmax.f32 v13, v18;
	v14 =	vmax.f32 v14, v19  }
0x24d: {  	v13 =	vmul.f32 v13, v7;
	v9 =	vadd.f32 v9, v17;
	v17 =	vperm.xlane v11, v1  }
0x24e: {  	v14 =	vmul.f32 v14, v7  }
0x24f: {  	v18 =	vperm.xlane v9, v2;
	v11 =	vadd.f32 v11, v17;
	v17 =	vperm.xlane v13, v1;
	_ =	sdelay $0x1  }
0x250: {  	v9 =	vadd.f32 v9, v18;
	v18 =	vperm.xlane v14, v1;
	v13 =	vadd.f32 v13, v17  }
0x251: {  	v19 =	vperm.xlane v11, v2  }
0x252: {  	s22 =	simm.s32 $0x4E80;
	v17 =	vperm.xlane v9, v3;
	v14 =	vadd.f32 v14, v18;
	v18 =	vperm.xlane v13, v2  }
0x253: {  	s30 =	simm.s32 $0x5380;
	v11 =	vadd.f32 v11, v19;
	v19 =	vld [tilespmem:s22+$0x0]  }
0x254: {  	v9 =	vadd.f32 v9, v17;
	v17 =	vperm.xlane v14, v2;
	v13 =	vadd.f32 v13, v18;
	v18 =	vld [tilespmem:s30+$0x0]  }
0x255: {  	v20 =	vperm.xlane v11, v3  }
0x256: {  	v21 =	vperm.xlane v9, v4;
	v14 =	vadd.f32 v14, v17  }
0x257: {  	v17 =	vperm.xlane v13, v3;
	v11 =	vadd.f32 v11, v20  }
0x258: {  	v9 =	vadd.f32 v9, v21;
	v20 =	vperm.xlane v14, v3  }
0x259: {  	v13 =	vadd.f32 v13, v17;
	v17 =	vperm.xlane v11, v4;
	v18 =	vadd.f32 v18, v19  }
0x25a: {  	v9 =	vsub.f32 v9, v8;
	v14 =	vadd.f32 v14, v20  }
0x25b: {  	v20 =	vperm.xlane v13, v4;
	v11 =	vadd.f32 v11, v17;
	v21 =	vmul.f32 $2.000000030e-01, v18  }
0x25c: {  	v9 =	vmul.f32 $1.442695020e+00, v9;
	v17 =	vperm.xlane v14, v4  }
0x25d: {  	v13 =	vadd.f32 v13, v20;
	v11 =	vsub.f32 v11, v8;
	v20 =	vld [tilespmem:s30+$0xFFFFFFF0]  }
0x25e: {  	v18 =	vmax.f32 v18, v21;
	v21 =	vld [tilespmem:s30+$0xFFFFFFE0];
	(erf) = vpow2.f32 v9;
	v9 =	vadd.f32 v14, v17  }
0x25f: {  	v13 =	vsub.f32 v13, v8;
	v11 =	vmul.f32 $1.442695020e+00, v11;
	v14 =	vld [tilespmem:s22+$0xFFFFFFF0]  }
0x260: {  	v17 =	vld [tilespmem:s22+$0xFFFFFFE0];
	v18 =	vmul.f32 v18, v7;
	v9 =	vsub.f32 v9, v8  }
0x261: {  	v13 =	vmul.f32 $1.442695020e+00, v13;
	(erf) = vpow2.f32 v11  }
0x262: {  	v11 =	vld [tilespmem:s30+$0x10];
	v22 =	vperm.xlane v18, v1;
	v9 =	vmul.f32 $1.442695020e+00, v9  }
0x263: {  	(erf) = vpow2.f32 v13;
	v13 =	vld [tilespmem:s22+$0x10]  }
0x264: {  	v18 =	vadd.f32 v18, v22;
	(erf) = vpow2.f32 v9;
	v9 =	vadd.f32 v20, v14  }
0x265: {  	v20 =	vadd.f32 v21, v17  }
0x266: {  	v22 =	vperm.xlane v18, v2;
	v21 =	vmul.f32 $2.000000030e-01, v9  }
0x267: {  	v23 =	vmul.f32 $2.000000030e-01, v20  }
0x268: {  	v18 =	vadd.f32 v18, v22;
	v24 =	vpop (erf);
	v11 =	vadd.f32 v11, v13;
	v9 =	vmax.f32 v9, v21  }
0x269: {  	v10 =	vmul.f32 v24, v10;
	v9 =	vmul.f32 v9, v7  }
0x26a: {  	v20 =	vmax.f32 v20, v23;
	v22 =	vperm.xlane v18, v3;
	v21 =	vmul.f32 $2.000000030e-01, v11  }
0x26b: {  	v20 =	vmul.f32 v20, v7;
	v23 =	vpop (erf);
	v24 =	vperm.xlane v9, v1  }
0x26c: {  	v18 =	vadd.f32 v18, v22;
	v25 =	vpop (erf);
	v15 =	vmul.f32 v23, v15;
	v11 =	vmax.f32 v11, v21  }
0x26d: {  	s18 =	simm.s32 $0x5D40;
	[tilespmem:s14+$0x0] =	vst v10;
	v22 =	vperm.xlane v20, v1;
	v11 =	vmul.f32 v11, v7;
	v10 =	vpop (erf);
	v21 =	vadd.f32 v9, v24  }
0x26e: {  	s17 =	simm.s32 $0x5840;
	v23 =	vld [tilespmem:s18+$0x0];
	v16 =	vmul.f32 v10, v16;
	v10 =	vperm.xlane v18, v4  }
0x26f: {  	v9 =	vld [tilespmem:s17+$0x0];
	[tilespmem:s14+$0xFFFFFFF0] =	vst v15;
	v20 =	vadd.f32 v20, v22;
	v22 =	vperm.xlane v11, v1;
	v15 =	vperm.xlane v21, v2  }
0x270: {  	v24 =	vld [tilespmem:s18+$0xFFFFFFF0];
	v18 =	vadd.f32 v18, v10  }
0x271: {  	v10 =	vld [tilespmem:s17+$0xFFFFFFF0];
	[tilespmem:s14+$0x10] =	vst v16;
	v16 =	vperm.xlane v20, v2;
	v15 =	vadd.f32 v21, v15;
	v21 =	vadd.f32 v11, v22  }
0x272: {  	v11 =	vld [tilespmem:s17+$0x10]  }
0x273: {  	v22 =	vld [tilespmem:s18+$0x10];
	v18 =	vsub.f32 v18, v8;
	v16 =	vadd.f32 v20, v16;
	v20 =	vperm.xlane v21, v2  }
0x274: {  	v26 =	vperm.xlane v15, v3  }
0x275: {  	v12 =	vmul.f32 v25, v12;
	v18 =	vmul.f32 $1.442695020e+00, v18;
	v20 =	vadd.f32 v21, v20  }
0x276: {  	v27 =	vperm.xlane v16, v3;
	v15 =	vadd.f32 v15, v26;
	v21 =	vadd.f32 v23, v9  }
0x277: {  	(erf) = vpow2.f32 v18;
	v18 =	vadd.f32 v24, v10;
	v23 =	vperm.xlane v20, v3  }
0x278: {  	v22 =	vadd.f32 v22, v11;
	v24 =	vperm.xlane v15, v4;
	v25 =	vmul.f32 $2.000000030e-01, v21  }
0x279: {  	[tilespmem:s14+$0xFFFFFFE0] =	vst v12;
	v16 =	vadd.f32 v16, v27;
	v12 =	vadd.f32 v20, v23  }
0x27a: {  	s31 =	simm.s32 $0x53C0;
	v15 =	vadd.f32 v15, v24;
	v20 =	vmax.f32 v21, v25;
	v21 =	vmul.f32 $2.000000030e-01, v18  }
0x27b: {  	v27 =	vld [tilespmem:s31+$0xFFFFFFF0];
	v24 =	vperm.xlane v16, v4;
	v25 =	vmul.f32 $2.000000030e-01, v22  }
0x27c: {  	s20 =	simm.s32 $0x4EC0;
	v23 =	vld [tilespmem:s18+$0xFFFFFFE0];
	v28 =	vmul.f32 v20, v6;
	v26 =	vperm.xlane v12, v4;
	v15 =	vsub.f32 v15, v8  }
0x27d: {  	v20 =	vld [tilespmem:s20+$0x0];
	v21 =	vmax.f32 v18, v21;
	v16 =	vadd.f32 v16, v24;
	v18 =	vmax.f32 v22, v25  }
0x27e: {  	v24 =	vld [tilespmem:s31+$0x0];
	v25 =	vperm.xlane v28, v1;
	v12 =	vadd.f32 v12, v26;
	v22 =	vmul.f32 $1.442695020e+00, v15  }
0x27f: {  	v21 =	vmul.f32 v21, v6;
	v26 =	vmul.f32 v18, v6;
	v29 =	vsub.f32 v16, v8;
	v18 =	vld [tilespmem:s20+$0xFFFFFFF0]  }
0x280: {  	v15 =	vld [tilespmem:s17+$0xFFFFFFE0];
	v25 =	vadd.f32 v28, v25;
	v12 =	vsub.f32 v12, v8;
	(erf) = vpow2.f32 v22  }
0x281: {  	v16 =	vld [tilespmem:s20+$0xFFFFFFE0];
	v31 =	vperm.xlane v21, v1;
	v28 =	vmul.f32 $1.442695020e+00, v29  }
0x282: {  	v29 =	vld [tilespmem:s31+$0xFFFFFFE0];
	v30 =	vperm.xlane v25, v2;
	v22 =	vpop (erf);
	v12 =	vmul.f32 $1.442695020e+00, v12  }
0x283: {  	v24 =	vadd.f32 v24, v20;
	(erf) = vpow2.f32 v28;
	v19 =	vmul.f32 v22, v19  }
0x284: {  	v22 =	vperm.xlane v26, v1;
	v27 =	vadd.f32 v27, v18;
	v25 =	vadd.f32 v25, v30  }
0x285: {  	v28 =	vld [tilespmem:s31+$0x10];
	v30 =	vmul.f32 $2.000000030e-01, v24;
	v23 =	vadd.f32 v23, v15;
	(erf) = vpow2.f32 v12  }
0x286: {  	s23 =	simm.s32 $0x5D80;
	[tilespmem:s22+$0x0] =	vst v19;
	v22 =	vadd.f32 v26, v22;
	v19 =	vld [tilespmem:s20+$0x10];
	v33 =	vmul.f32 $2.000000030e-01, v27;
	v34 =	vperm.xlane v25, v3  }
0x287: {  	s14 =	simm.s32 $0x5880;
	v29 =	vadd.f32 v29, v16;
	v24 =	vmax.f32 v24, v30;
	v30 =	vmul.f32 $2.000000030e-01, v23;
	v26 =	vld [tilespmem:s23+$0x0]  }
0x288: {  	v12 =	vld [tilespmem:s14+$0x0];
	v24 =	vmul.f32 v24, v7;
	v32 =	vperm.xlane v22, v2;
	v27 =	vmax.f32 v27, v33  }
0x289: {  	v61 =	vmul.f32 $2.000000030e-01, v29;
	v25 =	vadd.f32 v25, v34;
	v27 =	vmul.f32 v27, v7;
	v60 =	vpop (erf)  }
0x28a: {  	v23 =	vmax.f32 v23, v30;
	v35 =	vperm.xlane v24, v1;
	v14 =	vmul.f32 v60, v14  }
0x28b: {  	v46 =	vmul.f32 v23, v6;
	v29 =	vmax.f32 v29, v61;
	v47 =	vperm.xlane v25, v4  }
0x28c: {  	v28 =	vadd.f32 v28, v19;
	v62 =	vperm.xlane v27, v1;
	v24 =	vadd.f32 v24, v35  }
0x28d: {  	v29 =	vmul.f32 v29, v7;
	v40 =	vperm.xlane v46, v1;
	v26 =	vadd.f32 v26, v12;
	v63 =	vpop (erf)  }
0x28e: {  	[tilespmem:s22+$0xFFFFFFF0] =	vst v14;
	v27 =	vadd.f32 v27, v62;
	v45 =	vmul.f32 $2.000000030e-01, v28;
	v30 =	vperm.xlane v24, v2;
	v14 =	vpop (erf)  }
0x28f: {  	v22 =	vadd.f32 v22, v32;
	v44 =	vmul.f32 $2.000000030e-01, v26;
	v14 =	vmul.f32 v14, v13  }
0x290: {  	v51 =	vadd.f32 v46, v40;
	v37 =	vld [tilespmem:s23+$0xFFFFFFF0];
	v38 =	vperm.xlane v27, v2;
	v24 =	vadd.f32 v24, v30  }
0x291: {  	v13 =	vld [tilespmem:s14+$0xFFFFFFF0];
	v26 =	vmax.f32 v26, v44;
	[tilespmem:s22+$0x10] =	vst v14;
	v14 =	vmax.f32 v28, v45;
	v28 =	vperm.xlane v29, v1  }
0x292: {  	v23 =	vmul.f32 v26, v6;
	v27 =	vadd.f32 v27, v38;
	v26 =	vmul.f32 v14, v7;
	v14 =	vld [tilespmem:s14+$0x10]  }
0x293: {  	v55 =	vperm.xlane v51, v2;
	v30 =	vld [tilespmem:s23+$0x10];
	v28 =	vadd.f32 v29, v28;
	v29 =	vperm.xlane v24, v3  }
0x294: {  	v31 =	vadd.f32 v21, v31;
	v36 =	vperm.xlane v22, v3;
	v39 =	vperm.xlane v27, v3  }
0x295: {  	v57 =	vadd.f32 v51, v55;
	v48 =	vperm.xlane v26, v1;
	v24 =	vadd.f32 v24, v29  }
0x296: {  	v17 =	vmul.f32 v63, v17;
	v37 =	vadd.f32 v37, v13;
	v27 =	vadd.f32 v27, v39  }
0x297: {  	v49 =	vperm.xlane v28, v2;
	v26 =	vadd.f32 v26, v48;
	v50 =	vperm.xlane v24, v4  }
0x298: {  	v29 =	vmul.f32 $2.000000030e-01, v37;
	v61 =	vperm.xlane v27, v4;
	v30 =	vadd.f32 v30, v14  }
0x299: {  	v28 =	vadd.f32 v28, v49;
	v53 =	vperm.xlane v26, v2;
	v24 =	vadd.f32 v24, v50  }
0x29a: {  	v29 =	vmax.f32 v37, v29;
	v27 =	vadd.f32 v27, v61;
	v54 =	vmul.f32 $2.000000030e-01, v30  }
0x29b: {  	v52 =	vperm.xlane v28, v3;
	v26 =	vadd.f32 v26, v53;
	v56 =	vsub.f32 v24, v8  }
0x29c: {  	v21 =	vmul.f32 v29, v6;
	v29 =	vperm.xlane v31, v2;
	v30 =	vmax.f32 v30, v54  }
0x29d: {  	v58 =	vadd.f32 v28, v52;
	v59 =	vperm.xlane v26, v3;
	v28 =	vmul.f32 $1.442695020e+00, v56  }
0x29e: {  	v25 =	vadd.f32 v25, v47;
	v60 =	vmul.f32 v30, v6;
	v30 =	vperm.xlane v57, v3  }
0x29f: {  	v37 =	vsub.f32 v27, v8;
	v26 =	vadd.f32 v26, v59;
	(erf) = vpow2.f32 v28  }
0x2a0: {  	v30 =	vadd.f32 v57, v30;
	v28 =	vadd.f32 v22, v36;
	v22 =	vperm.xlane v58, v4  }
0x2a1: {  	v24 =	vperm.xlane v23, v1;
	v29 =	vadd.f32 v31, v29;
	v62 =	vperm.xlane v26, v4  }
0x2a2: {  	[tilespmem:s22+$0xFFFFFFE0] =	vst v17;
	v63 =	vperm.xlane v60, v1;
	v31 =	vperm.xlane v30, v4;
	v33 =	vadd.f32 v58, v22  }
0x2a3: {  	s24 =	simm.s32 $0x8;
	v17 =	vld [tilespmem:s14+$0xFFFFFFE0];
	v22 =	vperm.xlane v21, v1;
	v32 =	vadd.f32 v26, v62;
	v26 =	vsub.f32 v25, v5  }
0x2a4: {  	s19 =	simm.s32 $0x4F00;
	s18 =	simm.s32 $0x5400;
	s22 =	simm.s32 $0x5880;
	v27 =	vld [tilespmem:s23+$0xFFFFFFE0];
	v25 =	vadd.f32 v60, v63;
	v34 =	vsub.f32 v33, v8;
	v33 =	vmul.f32 $1.442695020e+00, v37  }
.LBB2_10:
0x2a5: {  	v35 =	vld [tilespmem:s18+$0xFFFFFFF0];
	s24 =	sadd.s32 $0x4, s24;
	v23 =	vadd.f32 v23, v24;
	v30 =	vadd.f32 v30, v31;
	v31 =	vperm.xlane v29, v3  }
0x2a6: {  	v32 =	vsub.f32 v32, v8;
	v36 =	vperm.xlane v28, v4;
	v24 =	vld [tilespmem:s19+$0xFFFFFFE0];
	p0 =	slt.u32 s24, $0x4C;
	v34 =	vmul.f32 $1.442695020e+00, v34  }
0x2a7: {  	s23 =	sadd.s32 $0x40, s23;
	s14 =	sadd.s32 $0x40, s14;
	v37 =	vld [tilespmem:s18+$0x0];
	(erf) = vpow2.f32 v33;
	v33 =	vperm.xlane v25, v2;
	v29 =	vadd.f32 v29, v31  }
0x2a8: {  	v32 =	vmul.f32 $1.442695020e+00, v32;
	v39 =	vperm.xlane v23, v2;
	v28 =	vadd.f32 v28, v36;
	v31 =	vld [tilespmem:s19+$0x0];
	v38 =	vpop (erf)  }
0x2a9: {  	v30 =	vsub.f32 v30, v5;
	v36 =	vld [tilespmem:s19+$0xFFFFFFF0];
	v20 =	vmul.f32 v38, v20;
	(erf) = vpow2.f32 v34  }
0x2aa: {  	v38 =	vadd.f32 v23, v39;
	v23 =	vperm.xlane v29, v4;
	v28 =	vsub.f32 v28, v5;
	v34 =	vld [tilespmem:s18+$0xFFFFFFE0]  }
0x2ab: {  	v27 =	vadd.f32 v27, v17;
	v25 =	vadd.f32 v25, v33;
	v40 =	vmul.f32 $1.442695020e+00, v30;
	v39 =	vld [tilespmem:s18+$0x10];
	[tilespmem:s20+$0x0] =	vst v20  }
0x2ac: {  	v23 =	vadd.f32 v29, v23;
	v30 =	vld [tilespmem:s23+$0x0];
	(erf) = vpow2.f32 v32;
	v32 =	vperm.xlane v38, v3  }
0x2ad: {  	v29 =	vadd.f32 v37, v31;
	v33 =	vld [tilespmem:s14+$0x0];
	v37 =	vmul.f32 $2.000000030e-01, v27;
	(erf) = vpow2.f32 v40;
	v20 =	vmovc v31  }
0x2ae: {  	v26 =	vmul.f32 $1.442695020e+00, v26;
	v23 =	vsub.f32 v23, v5;
	v31 =	vadd.f32 v35, v36;
	v35 =	vld [tilespmem:s19+$0x10]  }
0x2af: {  	v28 =	vmul.f32 $1.442695020e+00, v28;
	v34 =	vadd.f32 v34, v24;
	v40 =	vmul.f32 $2.000000030e-01, v29  }
0x2b0: {  	v27 =	vmax.f32 v27, v37;
	v23 =	vmul.f32 $1.442695020e+00, v23;
	v41 =	vmul.f32 $2.000000030e-01, v31;
	v42 =	vpop (erf)  }
0x2b1: {  	v37 =	vmul.f32 $2.000000030e-01, v34;
	v29 =	vmax.f32 v29, v40;
	(erf) = vpow2.f32 v26  }
0x2b2: {  	v26 =	vmax.f32 v31, v41;
	v29 =	vmul.f32 v29, v7;
	v31 =	vpop (erf);
	(erf) = vpow2.f32 v28  }
0x2b3: {  	v26 =	vmul.f32 v26, v7;
	v28 =	vadd.f32 v39, v35;
	(erf) = vpow2.f32 v23  }
0x2b4: {  	v30 =	vadd.f32 v30, v33;
	v39 =	vperm.xlane v25, v3;
	v23 =	vperm.xlane v29, v1  }
0x2b5: {  	v42 =	vmul.f32 v42, v18;
	v34 =	vmax.f32 v34, v37;
	v37 =	vperm.xlane v26, v1;
	v40 =	vpop (erf)  }
0x2b6: {  	v34 =	vmul.f32 v34, v7;
	v29 =	vadd.f32 v29, v23;
	v23 =	vmul.f32 $2.000000030e-01, v30;
	v41 =	vpop (erf)  }
0x2b7: {  	v18 =	vmovc v36;
	v40 =	vmul.f32 v40, v19;
	v26 =	vadd.f32 v26, v37;
	v37 =	vmul.f32 $2.000000030e-01, v28;
	[tilespmem:s20+$0xFFFFFFF0] =	vst v42  }
0x2b8: {  	v27 =	vmul.f32 v27, v6;
	v19 =	vmovc v35;
	v43 =	vperm.xlane v29, v2;
	v42 =	vld [tilespmem:s23+$0xFFFFFFF0];
	v23 =	vmax.f32 v30, v23  }
0x2b9: {  	v32 =	vadd.f32 v38, v32;
	v30 =	vperm.xlane v26, v2;
	v35 =	vld [tilespmem:s14+$0xFFFFFFF0];
	v23 =	vmul.f32 v23, v6;
	[tilespmem:s20+$0x10] =	vst v40  }
0x2ba: {  	v15 =	vmul.f32 v41, v15;
	v28 =	vmax.f32 v28, v37;
	v29 =	vadd.f32 v29, v43;
	v36 =	vpop (erf)  }
0x2bb: {  	v37 =	vperm.xlane v34, v1;
	v26 =	vadd.f32 v26, v30;
	v30 =	vperm.xlane v32, v4;
	v38 =	vpop (erf)  }
0x2bc: {  	v28 =	vmul.f32 v28, v7;
	v40 =	vld [tilespmem:s14+$0x10];
	[tilespmem:s17+$0xFFFFFFE0] =	vst v15;
	v15 =	vmul.f32 v36, v9;
	v36 =	vpop (erf);
	v9 =	vmov v12  }
0x2bd: {  	v34 =	vadd.f32 v34, v37;
	v37 =	vperm.xlane v29, v3;
	v12 =	vmovc v33;
	v41 =	vld [tilespmem:s23+$0x10];
	v44 =	vmul.f32 v36, v10  }
0x2be: {  	v33 =	vperm.xlane v28, v1;
	v11 =	vmul.f32 v38, v11;
	v36 =	vadd.f32 v42, v35;
	[tilespmem:s17+$0x0] =	vst v15  }
0x2bf: {  	v38 =	vperm.xlane v26, v3;
	v15 =	vperm.xlane v34, v2;
	v29 =	vadd.f32 v29, v37;
	[tilespmem:s17+$0xFFFFFFF0] =	vst v44  }
0x2c0: {  	v43 =	vadd.f32 v32, v30;
	v10 =	vmovc v13;
	v42 =	vperm.xlane v27, v1;
	v37 =	vmul.f32 $2.000000030e-01, v36;
	[tilespmem:s17+$0x10] =	vst v11;
	s17 =	smov.u32 s22;
	s22 =	smov.u32 s14  }
0x2c1: {  	v28 =	vadd.f32 v28, v33;
	v13 =	vmovc v35;
	v30 =	vadd.f32 v34, v15;
	v44 =	vperm.xlane v29, v4  }
0x2c2: {  	v27 =	vadd.f32 v27, v42;
	v11 =	vmovc v14;
	v32 =	vmax.f32 v36, v37;
	v33 =	vadd.f32 v41, v40  }
0x2c3: {  	v35 =	vperm.xlane v28, v2;
	v14 =	vmovc v40;
	v34 =	vperm.xlane v30, v3;
	v29 =	vadd.f32 v29, v44  }
0x2c4: {  	v26 =	vadd.f32 v26, v38;
	v37 =	vperm.xlane v27, v2;
	v15 =	vmovc v17;
	v36 =	vmul.f32 $2.000000030e-01, v33  }
0x2c5: {  	v28 =	vadd.f32 v28, v35;
	v17 =	vsub.f32 v29, v8;
	v29 =	vmul.f32 v31, v16;
	v16 =	vmovc v24  }
0x2c6: {  	v24 =	vperm.xlane v23, v1;
	v31 =	vmax.f32 v33, v36;
	v33 =	vadd.f32 v27, v37  }
0x2c7: {  	v34 =	vadd.f32 v30, v34;
	v30 =	vmul.f32 $1.442695020e+00, v17;
	v17 =	vperm.xlane v28, v3;
	[tilespmem:s20+$0xFFFFFFE0] =	vst v29;
	s20 =	smov.u32 s19  }
0x2c8: {  	v22 =	vadd.f32 v21, v22;
	v35 =	vmul.f32 v31, v6;
	v27 =	vld [tilespmem:s23+$0xFFFFFFE0];
	v29 =	vperm.xlane v33, v3  }
0x2c9: {  	v21 =	vmul.f32 v32, v6;
	v31 =	vperm.xlane v26, v4;
	v36 =	vadd.f32 v28, v17;
	v17 =	vld [tilespmem:s14+$0xFFFFFFE0]  }
0x2ca: {  	v32 =	vperm.xlane v22, v2;
	v28 =	vadd.f32 v25, v39;
	(erf) = vpow2.f32 v30  }
.Ltmp4:
0x2cb: {  	v25 =	vperm.xlane v34, v4;
	v26 =	vadd.f32 v26, v31;
	v30 =	vadd.f32 v33, v29;
	(pc) =	sbr.rel @p0 .LBB2_10-.Ltmp4, $4  }
0x2cc: {  	v37 =	vperm.xlane v35, v1;
	v33 =	vperm.xlane v36, v4;
	v29 =	vadd.f32 v22, v32  }
0x2cd: {  	v25 =	vadd.f32 v34, v25;
	v38 =	vsub.f32 v26, v8;
	v31 =	vperm.xlane v30, v4  }
0x2ce: {  	v22 =	vperm.xlane v21, v1;
	v26 =	vsub.f32 v43, v5;
	v32 =	vadd.f32 v36, v33  }
0x2cf: {  	s18 =	sadd.s32 $0x40, s18;
	s19 =	sadd.s32 $0x40, s19;
	v34 =	vsub.f32 v25, v8;
	v25 =	vadd.f32 v35, v37;
	v33 =	vmul.f32 $1.442695020e+00, v38  }
0x2d0: {  	_ = 	snop  }
0x2d1: {  	v7 =	vsub.f32 v32, v8;
	v58 =	vmul.f32 $1.442695020e+00, v34  }
0x2d2: {  	(erf) = vpow2.f32 v33  }
0x2d3: {  	v7 =	vmul.f32 $1.442695020e+00, v7;
	(erf) = vpow2.f32 v58;
	_ =	sdelay $0x1  }
0x2d4: {  	(erf) = vpow2.f32 v7;
	_ =	sdelay $0x1  }
0x2d5: {  	v7 =	vperm.xlane v29, v3  }
0x2d6: {  	v23 =	vadd.f32 v23, v24  }
0x2d7: {  	v61 =	vperm.xlane v28, v4;
	v59 =	vpop (erf)  }
0x2d8: {  	v30 =	vadd.f32 v30, v31;
	v45 =	vperm.xlane v23, v2;
	v8 =	vmul.f32 v59, v20  }
0x2d9: {  	v27 =	vadd.f32 v27, v17;
	v48 =	vmul.f32 $1.442695020e+00, v26;
	v60 =	vadd.f32 v29, v7;
	v7 =	vpop (erf)  }
0x2da: {  	s18 =	sadd.s32 $0x40, s23;
	v44 =	vperm.xlane v25, v2;
	v23 =	vadd.f32 v23, v45;
	[tilespmem:s20+$0x0] =	vst v8;
	v18 =	vmul.f32 v7, v18;
	v62 =	vpop (erf)  }
0x2db: {  	s14 =	sadd.s32 $0x40, s14;
	v21 =	vadd.f32 v21, v22;
	v28 =	vadd.f32 v28, v61;
	v36 =	vld [tilespmem:s18+$0x0];
	v43 =	vmul.f32 v62, v16  }
0x2dc: {  	v30 =	vsub.f32 v30, v5;
	v25 =	vadd.f32 v25, v44;
	v54 =	vperm.xlane v23, v3;
	v7 =	vld [tilespmem:s14+$0x0];
	v37 =	vpop (erf);
	[tilespmem:s20+$0xFFFFFFF0] =	vst v18  }
0x2dd: {  	v28 =	vsub.f32 v28, v5;
	v63 =	vperm.xlane v60, v4;
	v39 =	vmul.f32 v37, v19;
	v42 =	vld [tilespmem:s18+$0xFFFFFFF0];
	[tilespmem:s20+$0xFFFFFFE0] =	vst v43  }
0x2de: {  	v41 =	vmul.f32 $2.000000030e-01, v27;
	v56 =	vperm.xlane v25, v3;
	v23 =	vadd.f32 v23, v54;
	v49 =	vld [tilespmem:s18+$0xFFFFFFE0]  }
0x2df: {  	v38 =	vmul.f32 $1.442695020e+00, v30;
	v50 =	vmul.f32 $1.442695020e+00, v28;
	v40 =	vadd.f32 v60, v63;
	[tilespmem:s20+$0x10] =	vst v39;
	v28 =	vld [tilespmem:s14+$0xFFFFFFE0]  }
0x2e0: {  	v32 =	vperm.xlane v21, v2;
	v33 =	vadd.f32 v25, v56;
	v58 =	vperm.xlane v23, v4;
	v16 =	vld [tilespmem:s14+$0x10]  }
0x2e1: {  	v47 =	vmax.f32 v27, v41;
	(erf) = vpow2.f32 v38;
	v46 =	vsub.f32 v40, v5;
	v52 =	vld [tilespmem:s18+$0x10]  }
0x2e2: {  	(erf) = vpow2.f32 v48;
	v23 =	vadd.f32 v23, v58;
	v40 =	vperm.xlane v33, v4;
	v8 =	vld [tilespmem:s14+$0xFFFFFFF0]  }
0x2e3: {  	v21 =	vadd.f32 v21, v32;
	v19 =	vmul.f32 v47, v6;
	v18 =	vmul.f32 $1.442695020e+00, v46  }
0x2e4: {  	(erf) = vpow2.f32 v50;
	v23 =	vsub.f32 v23, v5;
	v51 =	vadd.f32 v36, v7  }
0x2e5: {  	v53 =	vperm.xlane v19, v1;
	(erf) = vpow2.f32 v18;
	v26 =	vadd.f32 v49, v28  }
0x2e6: {  	v39 =	vperm.xlane v21, v3;
	v55 =	vmul.f32 $2.000000030e-01, v51;
	v29 =	vadd.f32 v52, v16  }
0x2e7: {  	v23 =	vmul.f32 $1.442695020e+00, v23;
	v24 =	vadd.f32 v42, v8;
	v60 =	vmul.f32 $2.000000030e-01, v26  }
0x2e8: {  	v19 =	vadd.f32 v19, v53;
	v18 =	vmax.f32 v51, v55;
	v61 =	vmul.f32 $2.000000030e-01, v29  }
0x2e9: {  	v59 =	vmul.f32 $2.000000030e-01, v24;
	v18 =	vmul.f32 v18, v6;
	v20 =	vmax.f32 v26, v60  }
0x2ea: {  	v57 =	vperm.xlane v19, v2;
	v30 =	vmax.f32 v29, v61;
	v20 =	vmul.f32 v20, v6  }
0x2eb: {  	v24 =	vmax.f32 v24, v59;
	v63 =	vperm.xlane v18, v1;
	v26 =	vmul.f32 v30, v6  }
0x2ec: {  	v6 =	vmul.f32 v24, v6;
	v34 =	vperm.xlane v20, v1  }
0x2ed: {  	v19 =	vadd.f32 v19, v57;
	v18 =	vadd.f32 v18, v63;
	v35 =	vperm.xlane v26, v1  }
0x2ee: {  	v21 =	vadd.f32 v21, v39;
	v37 =	vperm.xlane v6, v1;
	v20 =	vadd.f32 v20, v34  }
0x2ef: {  	v62 =	vperm.xlane v19, v3;
	v42 =	vperm.xlane v18, v2;
	v38 =	vadd.f32 v26, v35  }
0x2f0: {  	v45 =	vperm.xlane v21, v4;
	v6 =	vadd.f32 v6, v37;
	v41 =	vperm.xlane v20, v2  }
0x2f1: {  	v19 =	vadd.f32 v19, v62;
	v18 =	vadd.f32 v18, v42;
	v43 =	vperm.xlane v38, v2  }
0x2f2: {  	v21 =	vadd.f32 v21, v45;
	v44 =	vperm.xlane v6, v2;
	v20 =	vadd.f32 v20, v41  }
0x2f3: {  	v36 =	vperm.xlane v19, v4;
	v46 =	vperm.xlane v18, v3;
	v25 =	vadd.f32 v38, v43  }
0x2f4: {  	v21 =	vsub.f32 v21, v5;
	v6 =	vadd.f32 v6, v44;
	v27 =	vperm.xlane v20, v3  }
0x2f5: {  	v19 =	vadd.f32 v19, v36;
	v18 =	vadd.f32 v18, v46;
	v47 =	vperm.xlane v25, v3  }
0x2f6: {  	v24 =	vadd.f32 v33, v40;
	v48 =	vperm.xlane v6, v3;
	v20 =	vadd.f32 v20, v27  }
0x2f7: {  	v19 =	vsub.f32 v19, v5;
	v51 =	vperm.xlane v18, v4;
	v49 =	vadd.f32 v25, v47  }
0x2f8: {  	v24 =	vsub.f32 v24, v5;
	v6 =	vadd.f32 v6, v48;
	v50 =	vperm.xlane v20, v4  }
0x2f9: {  	v19 =	vmul.f32 $1.442695020e+00, v19;
	v18 =	vadd.f32 v18, v51;
	v52 =	vperm.xlane v49, v4  }
0x2fa: {  	v24 =	vmul.f32 $1.442695020e+00, v24;
	v53 =	vperm.xlane v6, v4;
	v20 =	vadd.f32 v20, v50  }
0x2fb: {  	(erf) = vpow2.f32 v19;
	v18 =	vsub.f32 v18, v5;
	v19 =	vadd.f32 v49, v52  }
0x2fc: {  	(erf) = vpow2.f32 v23;
	v6 =	vadd.f32 v6, v53;
	v20 =	vsub.f32 v20, v5  }
0x2fd: {  	v21 =	vmul.f32 $1.442695020e+00, v21;
	(erf) = vpow2.f32 v24;
	v19 =	vsub.f32 v19, v5  }
0x2fe: {  	v5 =	vsub.f32 v6, v5;
	v6 =	vmul.f32 $1.442695020e+00, v18;
	v20 =	vmul.f32 $1.442695020e+00, v20  }
0x2ff: {  	(erf) = vpow2.f32 v21;
	v54 =	vmul.f32 $1.442695020e+00, v19  }
0x300: {  	v5 =	vmul.f32 $1.442695020e+00, v5;
	(erf) = vpow2.f32 v20  }
0x301: {  	v55 =	vpop (erf);
	(erf) = vpow2.f32 v6  }
0x302: {  	v6 =	vpop (erf);
	(erf) = vpow2.f32 v54  }
0x303: {  	v15 =	vmul.f32 v55, v15;
	v56 =	vpop (erf);
	(erf) = vpow2.f32 v5  }
0x304: {  	v6 =	vmul.f32 v6, v9;
	v5 =	vpop (erf)  }
0x305: {  	[tilespmem:s17+$0xFFFFFFE0] =	vst v15;
	v57 =	vpop (erf);
	v5 =	vmul.f32 v5, v10  }
0x306: {  	[tilespmem:s17+$0x0] =	vst v6;
	v6 =	vmul.f32 v56, v11;
	v58 =	vpop (erf)  }
0x307: {  	v59 =	vpop (erf);
	[tilespmem:s17+$0xFFFFFFF0] =	vst v5;
	v5 =	vmul.f32 v57, v17  }
0x308: {  	[tilespmem:s17+$0x10] =	vst v6;
	v6 =	vmul.f32 v58, v12;
	v60 =	vpop (erf)  }
0x309: {  	[tilespmem:s22+$0xFFFFFFE0] =	vst v5;
	v5 =	vmul.f32 v60, v13;
	v61 =	vpop (erf)  }
0x30a: {  	[tilespmem:s22+$0x0] =	vst v6;
	v6 =	vmul.f32 v59, v14;
	v62 =	vpop (erf)  }
0x30b: {  	[tilespmem:s22+$0xFFFFFFF0] =	vst v5;
	v5 =	vmul.f32 v61, v28;
	v63 =	vpop (erf)  }
0x30c: {  	[tilespmem:s22+$0x10] =	vst v6;
	v6 =	vmul.f32 v62, v7;
	v7 =	vpop (erf)  }
0x30d: {  	[tilespmem:s14+$0xFFFFFFE0] =	vst v5;
	v5 =	vmul.f32 v7, v8  }
0x30e: {  	[tilespmem:s14+$0x0] =	vst v6;
	v6 =	vmul.f32 v63, v16  }
0x30f: {  	[tilespmem:s14+$0xFFFFFFF0] =	vst v5  }
0x310: {  	s22 =	simm.s32 $0x4DD0;
	[tilespmem:s14+$0x10] =	vst v6  }
0x311: {  	[spmem:s6] =	stream.indirect.scatter.add.f32 [tilespmem:s21], [sflag:$0x2], $0x10, s22, s0, $0xb8;
	[tilespmem:$0x19220] =	vst v63  }
0x312: {  	_ =	swait.ge [sflag:s26], $0x500  }
0x313: {  	[sflag:s26] =	ssyncset.done $0x0  }
0x314: {  	[sflag:s26] =	ssyncadd.s32 $0xFFFFFB00  }
0x315: {  	[spmem:s7] =	stream.indirect.scatter.add.f32 [tilespmem:s4], [sflag:$0x2], $0x10, s22, s0, $0xb8;
	[tilespmem:$0x19220] =	vst v63  }
0x316: {  	_ =	swait.ge [sflag:s26], $0x500  }
0x317: {  	[sflag:s26] =	ssyncset.done $0x0  }
0x318: {  	[sflag:s26] =	ssyncadd.s32 $0xFFFFFB00  }
0x319: {  	[bflag:$0x0] =	sbarrier.arrive $0xFFFF  }
0x31a: {  	s18 =	rddreg [dreg:$0x12]  }
0x31b: {  	s24 =	rddreg [dreg:$0x10];
	s23 =	sshrl.u32 s18, $0x3  }
0x31c: {  	[hbm:s24@s29], [sflag:s16] =	dma.strided [spmem:s23@s26], $0x500, s28, $0x2   }
0x31d: {  	_ =	swait.ge [sflag:s26], $0x500  }
0x31e: {  	[sflag:s26] =	ssyncset.done $0x0;
	s19 =	rddreg [dreg:$0x13]  }
0x31f: {  	s30 =	rddreg [dreg:$0x11];
	[sflag:s26] =	ssyncadd.s32 $0xFFFFFB00;
	s25 =	sshrl.u32 s19, $0x3  }
0x320: {  	[hbm:s30@s29], [sflag:s16] =	dma.strided [spmem:s25@s26], $0x500, s28, $0x2   }
0x321: {  	_ =	swait.ge [sflag:s26], $0x500  }
0x322: {  	s15 =	sadd.s32 $0x1, s15;
	s31 =	rddreg [dreg:$0x14]  }
0x323: {  	p0 =	sne.s32 s15, s31  }
.Ltmp5:
0x324: {  	_ = 	snop;
	(pc) =	sbr.rel @p0 .LBB2_1-.Ltmp5, $3  }
0x325: {  	_ =	sdelay $0x1  }
0x326: {  	[sflag:s26] =	ssyncset.done $0x0  }
0x327: {  	[sflag:s26] =	ssyncadd.s32 $0xFFFFFB00  }
0x328: {  	_ =	sfence.sel $0x180000  }
0x329: {  	[bflag:$0x0] =	sbarrier.arrive $0xFFFF  }
0x32a: {  	_ =	strace $0x90000047  }
0x32b: {  	s0 =	stileid.u32;
	[bflag:$0x2] =	sbarrier.arrive $0xFFFF  }
0x32c: {  	p0 =	sne.s32 s0, $0x0;
	s0 =	rddreg [dreg:$0x8]  }
0x32d: {  	s0 =	sadd.s32 @!p0 $0x100000, s0  }
0x32e: {  	[sflag:s0] =	ssyncadd.tile.s32 @!p0 $0x1;
	_ =	shalt  }
.Lfunc_end2:
_tile_overlayer_lowered:
.L_overlay_start_2:
0x32f: {  	(tag) =	ssettag $0x2  }
0x330: {  	s0 =	rddreg [dreg:$0x0];
	s2 =	stileid.u32  }
0x331: {  	s1 =	rddreg [dreg:$0x1];
	p0 =	sne.s32 s2, $0x0  }
0x332: {  	s3 =	rddreg [dreg:$0x2];
	[bflag:$0x3] =	sbarrier.arrive $0xFFFF;
	s2 =	simm.s32 @!p0 $0x1C02  }
0x333: {  	[timem:s3], [sflag:s2] =	dma.local @!p0 [hbm:s0], s1  }
0x334: {  	s0 =	simm.s32 @!p0 $0x2  }
0x335: {  	_ =	swait.ge @!p0 [sflag:s0], s1  }
0x336: {  	s1 =	ssub.s32 @!p0 $0x0, s1;
	[sflag:s0] =	ssyncset.done @!p0 $0x0  }
0x337: {  	[sflag:s0] =	ssyncadd.s32 @!p0 s1  }
0x338: {  	[bflag:$0x3] =	sbarrier.arrive $0xFFFF  }
0x339: {  	_ =	shalt  }

</sc_bundles>
